<compile_context>
chip_gen: v7x
topology: tpu7x:2x2x1
jax: 0.10.2.dev20260603
libtpu: 0.0.44.dev20260713+nightly
codegen_flags: <defaults>
</compile_context>

<pallas_src>
import functools

import jax
import jax.numpy as jnp
from jax import lax
from jax.experimental import pallas as pl
from jax.experimental.pallas import tpu as pltpu
from jax.experimental.pallas import tpu_sc as plsc

N = 10000
D = 128
E = 320000
H = 8
GROUPS = 16
R = E // GROUPS
EPS = 1e-5



_PACK = 16
_NPR = N // _PACK


def _stage_a_body(xr_ref, w1_ref, bias_ref, p_ref, q_ref):
    f32 = jnp.float32
    bi = lax.broadcasted_iota(jnp.int32, (_PACK * D, D), 0)
    bk = lax.broadcasted_iota(jnp.int32, (_PACK * D, D), 1)
    lift = jnp.where((bi % D) == bk, 1.0, 0.0).astype(f32)
    wi = lax.broadcasted_iota(jnp.int32, (_PACK * D, 128), 0)
    wj = lax.broadcasted_iota(jnp.int32, (_PACK * D, 128), 1)
    blockmask = jnp.where((wi // D) == (wj // H), 1.0, 0.0).astype(f32)
    ti = lax.broadcasted_iota(jnp.int32, (H, 128), 0)
    tj = lax.broadcasted_iota(jnp.int32, (H, 128), 1)
    t8m = jnp.where((tj % H) == ti, 1.0, 0.0).astype(f32)

    def wbig(w):
        tile = jnp.dot(jnp.dot(lift, w, preferred_element_type=f32), t8m,
                       preferred_element_type=f32)
        return tile * blockmask

    xr = xr_ref[...]
    bias_t = jnp.dot(bias_ref[...], t8m, preferred_element_type=f32)
    p_ref[...] = (
        jnp.dot(xr, wbig(w1_ref[0:D, :]), preferred_element_type=f32)
        + bias_t
    )
    q_ref[...] = jnp.dot(xr, wbig(w1_ref[D:2 * D, :]),
                         preferred_element_type=f32)


def _stage_a(x, w1, bias):
    return pl.pallas_call(
        _stage_a_body,
        out_shape=[
            jax.ShapeDtypeStruct((_NPR, 128), jnp.float32),
            jax.ShapeDtypeStruct((_NPR, 128), jnp.float32),
        ],
    )(x.reshape(_NPR, _PACK * D), w1, bias)



_INFO = plsc.get_sparse_core_info()
_NC = _INFO.num_cores
_NS = _INFO.num_subcores
_NW = _NC * _NS
_CHUNK = 128
_NBUF = 6


def _make_stage_b_kernel(e0, epw):
    nfull = epw // _CHUNK
    tail = epw - nfull * _CHUNK
    nouter = nfull // _NBUF
    nrem = nfull - nouter * _NBUF

    def body(p_hbm, q_hbm, s_hbm, e_hbm, out1_hbm, out2_hbm,
             idx_s, idx_e, *bufs):
        rows_s = bufs[0:_NBUF]
        rows_e = bufs[_NBUF:2 * _NBUF]
        sem_gs = bufs[2 * _NBUF:3 * _NBUF]
        sem_ge = bufs[3 * _NBUF:4 * _NBUF]
        sem_os = bufs[4 * _NBUF:5 * _NBUF]
        sem_oe = bufs[5 * _NBUF:6 * _NBUF]

        wid = lax.axis_index("s") * _NC + lax.axis_index("c")
        base = e0 + wid * epw
        obase = wid * epw

        def gather_pair(c, b):
            si = idx_s.at[pl.ds(c * _CHUNK, _CHUNK)]
            ei = idx_e.at[pl.ds(c * _CHUNK, _CHUNK)]
            pltpu.async_copy(p_hbm.at[si], rows_s[b], sem_gs[b])
            pltpu.async_copy(q_hbm.at[ei], rows_e[b], sem_ge[b])

        def wait_gather(c, b):
            si = idx_s.at[pl.ds(c * _CHUNK, _CHUNK)]
            ei = idx_e.at[pl.ds(c * _CHUNK, _CHUNK)]
            pltpu.make_async_copy(p_hbm.at[si], rows_s[b], sem_gs[b]).wait()
            pltpu.make_async_copy(q_hbm.at[ei], rows_e[b], sem_ge[b]).wait()

        def start_out(c, b):
            cb = obase + c * _CHUNK
            pltpu.async_copy(rows_s[b], out1_hbm.at[pl.ds(cb, _CHUNK)],
                             sem_os[b])
            pltpu.async_copy(rows_e[b], out2_hbm.at[pl.ds(cb, _CHUNK)],
                             sem_oe[b])

        def wait_out(c, b):
            cb = obase + c * _CHUNK
            pltpu.make_async_copy(
                rows_s[b], out1_hbm.at[pl.ds(cb, _CHUNK)], sem_os[b]).wait()
            pltpu.make_async_copy(
                rows_e[b], out2_hbm.at[pl.ds(cb, _CHUNK)], sem_oe[b]).wait()

        def emit(t, b, dyn):
            wait_gather(t, b)
            start_out(t, b)
            tg = t + 4
            bg = (b + 4) % _NBUF
            if dyn:
                @pl.when(tg < nfull)
                def _():
                    @pl.when(t >= 2)
                    def _():
                        wait_out(t - 2, bg)
                    gather_pair(tg, bg)
            else:
                if tg < nfull:
                    if t >= 2:
                        wait_out(t - 2, bg)
                    gather_pair(tg, bg)

        ic1 = pltpu.async_copy(s_hbm.at[pl.ds(base, epw)], idx_s, sem_gs[0])
        ic2 = pltpu.async_copy(e_hbm.at[pl.ds(base, epw)], idx_e, sem_ge[0])
        ic1.wait()
        ic2.wait()

        for b in range(4):
            gather_pair(jnp.int32(b), b)

        def outer(g, carry):
            for b in range(_NBUF):
                emit(g * _NBUF + b, b, True)
            return carry

        lax.fori_loop(0, nouter, outer, None)
        for k in range(nrem):
            t = nouter * _NBUF + k
            emit(t, t % _NBUF, False)

        for k in range(_NBUF):
            c = nfull - _NBUF + k
            wait_out(jnp.int32(c), c % _NBUF)

        if tail:
            tb = obase + nfull * _CHUNK
            si = idx_s.at[pl.ds(nfull * _CHUNK, tail)]
            ei = idx_e.at[pl.ds(nfull * _CHUNK, tail)]
            ts = rows_s[0].at[pl.ds(0, tail), :]
            te = rows_e[0].at[pl.ds(0, tail), :]
            pltpu.async_copy(p_hbm.at[si], ts, sem_gs[0])
            pltpu.async_copy(q_hbm.at[ei], te, sem_ge[0])
            pltpu.make_async_copy(p_hbm.at[si], ts, sem_gs[0]).wait()
            pltpu.make_async_copy(q_hbm.at[ei], te, sem_ge[0]).wait()
            pltpu.sync_copy(ts, out1_hbm.at[pl.ds(tb, tail)])
            pltpu.sync_copy(te, out2_hbm.at[pl.ds(tb, tail)])

    return body


def _stage_b(p_tab, q_tab, start, end, e0, epw):
    eh = epw * _NW
    fn = functools.partial(
        pl.kernel,
        mesh=plsc.VectorSubcoreMesh(core_axis_name="c", subcore_axis_name="s"),
        compiler_params=pltpu.CompilerParams(use_tc_tiling_on_sc=False),
        out_type=[
            jax.ShapeDtypeStruct((eh, H), jnp.float32),
            jax.ShapeDtypeStruct((eh, H), jnp.float32),
        ],
        scratch_types=[
            pltpu.VMEM((epw,), jnp.int32),
            pltpu.VMEM((epw,), jnp.int32),
        ]
        + [pltpu.VMEM((_CHUNK, H), jnp.float32) for _ in range(2 * _NBUF)]
        + [pltpu.SemaphoreType.DMA for _ in range(4 * _NBUF)],
    )(_make_stage_b_kernel(e0, epw))
    return fn(p_tab, q_tab, start, end)




def _stage_c_body(s_ref, e_ref, w2_ref, w3_ref, w4_ref, vraw_ref, out_ref):
    f32 = jnp.float32
    ii = lax.broadcasted_iota(jnp.int32, (128, 128), 0)
    jj = lax.broadcasted_iota(jnp.int32, (128, 128), 1)
    bd1 = jnp.where((ii // H) == (jj // H), 1.0, 0.0).astype(f32)
    si = lax.broadcasted_iota(jnp.int32, (128, H), 0)
    sj = lax.broadcasted_iota(jnp.int32, (128, H), 1)
    s_mat = jnp.where((si % H) == sj, 1.0, 0.0).astype(f32)
    t8i = lax.broadcasted_iota(jnp.int32, (H, 128), 0)
    t8j = lax.broadcasted_iota(jnp.int32, (H, 128), 1)
    t8m = jnp.where((t8j % H) == t8i, 1.0, 0.0).astype(f32)

    def bd(w):
        tile = jnp.dot(jnp.dot(s_mat, w, preferred_element_type=f32), t8m,
                       preferred_element_type=f32)
        return tile * bd1

    w2bd = bd(w2_ref[...])
    w3bd = bd(w3_ref[...])
    ci = lax.broadcasted_iota(jnp.int32, (128, GROUPS), 0)
    cg = lax.broadcasted_iota(jnp.int32, (128, GROUPS), 1)
    colmask = jnp.where((ci // H) == cg, 1.0, 0.0).astype(f32)
    w4col = jnp.dot(s_mat, w4_ref[...], preferred_element_type=f32)
    c4 = w4col * colmask
    vt = jnp.dot(vraw_ref[...], t8m, preferred_element_type=f32)

    def ln_relu(z, g, be):
        m = jnp.dot(z, bd1, preferred_element_type=f32) * (1.0 / H)
        zc = z - m
        v = jnp.dot(zc * zc, bd1, preferred_element_type=f32) * (1.0 / H)
        z = zc / jnp.sqrt(v + EPS) * g + be
        return jnp.maximum(z, 0.0)

    z = s_ref[...] + e_ref[...]
    z = ln_relu(z, vt[0:1, :], vt[1:2, :])
    z = jnp.dot(z, w2bd, preferred_element_type=f32) + vt[2:3, :]
    z = ln_relu(z, vt[3:4, :], vt[4:5, :])
    z = jnp.dot(z, w3bd, preferred_element_type=f32) + vt[5:6, :]
    z = ln_relu(z, vt[6:7, :], vt[7:8, :])
    out_ref[...] = (
        jnp.dot(z, c4, preferred_element_type=f32) + vt[8:9, 0:GROUPS]
    )


def _stage_c(zs, ze, w2, w3, w4, vraw, rh, grid):
    rb = rh // grid
    return pl.pallas_call(
        _stage_c_body,
        grid=(grid,),
        in_specs=[
            pl.BlockSpec((rb, 128), lambda i: (i, 0)),
            pl.BlockSpec((rb, 128), lambda i: (i, 0)),
            pl.BlockSpec((H, H), lambda i: (0, 0)),
            pl.BlockSpec((H, H), lambda i: (0, 0)),
            pl.BlockSpec((H, 1), lambda i: (0, 0)),
            pl.BlockSpec((9, H), lambda i: (0, 0)),
        ],
        out_specs=pl.BlockSpec((rb, GROUPS), lambda i: (i, 0)),
        out_shape=jax.ShapeDtypeStruct((rh, GROUPS), jnp.float32),
    )(zs, ze, w2, w3, w4, vraw)




def kernel(x, edge_index, W1, b1, g1, be1, W2, b2, g2, be2, W3, b3, g3, be3,
           W4, b4):
    bias = b1[None, :]
    vraw = jnp.stack([g1, be1, b2, g2, be2, b3, g3, be3,
                      jnp.full((H,), b4[0], jnp.float32)])

    start = edge_index[0].astype(jnp.int32)
    end = edge_index[1].astype(jnp.int32)

    p_pk, q_pk = _stage_a(x, W1, bias)
    p_tab = p_pk.reshape(N, H)
    q_tab = q_pk.reshape(N, H)

    epw1 = 5120
    e_half = epw1 * _NW
    epw2 = E // _NW - epw1
    e_rest = epw2 * _NW

    s1, t1 = _stage_b(p_tab, q_tab, start, end, 0, epw1)
    s2, t2 = _stage_b(p_tab, q_tab, start, end, e_half, epw2)

    r1 = e_half // GROUPS
    r2 = e_rest // GROUPS
    o1 = _stage_c(s1.reshape(r1, 128), t1.reshape(r1, 128),
                  W2, W3, W4, vraw, r1, 5)
    o2 = _stage_c(s2.reshape(r2, 128), t2.reshape(r2, 128),
                  W2, W3, W4, vraw, r2, 5)
    return jnp.concatenate([o1.reshape(e_half), o2.reshape(e_rest)])

# --- scband reference (transcript-rebuilt; emitter-appended) ---
"""Pipeline reference for scband-edge-network-10823317585950 (READ-ONLY COPY).

The authoritative reference and input builder live on the scoring server;
editing this copy changes nothing except your own understanding.
"""

import jax, jax.numpy as jnp
import numpy as np


def _ln(h, g, b):
    m = jnp.mean(h, axis=-1, keepdims=True)
    v = jnp.var(h, axis=-1, keepdims=True)
    return (h - m) / jnp.sqrt(v + 1e-5) * g + b


def setup_inputs(seed: int = 0) -> dict:
    key = jax.random.key(seed)
    ks = jax.random.split(key, 16)
    N, D, E, H = 10000, 128, 320000, 8
    x = jax.random.normal(ks[0], (N, D), dtype=jnp.float32)
    edge_index = jax.random.randint(ks[1], (2, E), 0, N)
    s1 = 1.0 / np.sqrt(2 * D)
    s2 = 1.0 / np.sqrt(H)
    W1 = jax.random.uniform(ks[2], (2 * D, H), minval=-s1, maxval=s1, dtype=jnp.float32)
    b1 = jax.random.uniform(ks[3], (H,), minval=-s1, maxval=s1, dtype=jnp.float32)
    g1 = jnp.ones((H,), dtype=jnp.float32)
    be1 = jnp.zeros((H,), dtype=jnp.float32)
    W2 = jax.random.uniform(ks[4], (H, H), minval=-s2, maxval=s2, dtype=jnp.float32)
    b2 = jax.random.uniform(ks[5], (H,), minval=-s2, maxval=s2, dtype=jnp.float32)
    g2 = jnp.ones((H,), dtype=jnp.float32)
    be2 = jnp.zeros((H,), dtype=jnp.float32)
    W3 = jax.random.uniform(ks[6], (H, H), minval=-s2, maxval=s2, dtype=jnp.float32)
    b3 = jax.random.uniform(ks[7], (H,), minval=-s2, maxval=s2, dtype=jnp.float32)
    g3 = jnp.ones((H,), dtype=jnp.float32)
    be3 = jnp.zeros((H,), dtype=jnp.float32)
    W4 = jax.random.uniform(ks[8], (H, 1), minval=-s2, maxval=s2, dtype=jnp.float32)
    b4 = jax.random.uniform(ks[9], (1,), minval=-s2, maxval=s2, dtype=jnp.float32)
    return {"x": x, "edge_index": edge_index, "W1": W1, "b1": b1, "g1": g1, "be1": be1,
            "W2": W2, "b2": b2, "g2": g2, "be2": be2, "W3": W3, "b3": b3, "g3": g3, "be3": be3,
            "W4": W4, "b4": b4}


def reference(x, edge_index, W1, b1, g1, be1, W2, b2, g2, be2, W3, b3, g3, be3, W4, b4):
    start = edge_index[0]
    end = edge_index[1]
    h = jnp.concatenate([x[start], x[end]], axis=1)
    h = jnp.maximum(_ln(h @ W1 + b1, g1, be1), 0.0)
    h = jnp.maximum(_ln(h @ W2 + b2, g2, be2), 0.0)
    h = jnp.maximum(_ln(h @ W3 + b3, g3, be3), 0.0)
    out = (h @ W4 + b4).squeeze(-1)
    return out

if __name__ == "__main__":
    import jax
    _d = setup_inputs()
    print(jax.jit(kernel)(*tuple(_d.values())))

</pallas_src>

<mosaic_0001>
#map = affine_map<(d0, d1) -> (0, 0)>
#map1 = affine_map<(d0, d1) -> (0)>
module attributes {stable_mosaic.version = 14 : i64} {
  func.func @body(%arg0: i32, %arg1: i32, %arg2: memref<10000x8xf32, #tpu.memory_space<hbm>>, %arg3: memref<10000x8xf32, #tpu.memory_space<hbm>>, %arg4: memref<320000xi32, #tpu.memory_space<hbm>>, %arg5: memref<320000xi32, #tpu.memory_space<hbm>>, %arg6: memref<156160x8xf32, #tpu.memory_space<hbm>>, %arg7: memref<156160x8xf32, #tpu.memory_space<hbm>>, %arg8: memref<4880xi32, #tpu.memory_space<vmem>>, %arg9: memref<4880xi32, #tpu.memory_space<vmem>>, %arg10: memref<128x8xf32, #tpu.memory_space<vmem>>, %arg11: memref<128x8xf32, #tpu.memory_space<vmem>>, %arg12: memref<128x8xf32, #tpu.memory_space<vmem>>, %arg13: memref<128x8xf32, #tpu.memory_space<vmem>>, %arg14: memref<128x8xf32, #tpu.memory_space<vmem>>, %arg15: memref<128x8xf32, #tpu.memory_space<vmem>>, %arg16: memref<128x8xf32, #tpu.memory_space<vmem>>, %arg17: memref<128x8xf32, #tpu.memory_space<vmem>>, %arg18: memref<128x8xf32, #tpu.memory_space<vmem>>, %arg19: memref<128x8xf32, #tpu.memory_space<vmem>>, %arg20: memref<128x8xf32, #tpu.memory_space<vmem>>, %arg21: memref<128x8xf32, #tpu.memory_space<vmem>>, %arg22: memref<!tpu.dma_semaphore, #tpu.memory_space<semaphore_mem>>, %arg23: memref<!tpu.dma_semaphore, #tpu.memory_space<semaphore_mem>>, %arg24: memref<!tpu.dma_semaphore, #tpu.memory_space<semaphore_mem>>, %arg25: memref<!tpu.dma_semaphore, #tpu.memory_space<semaphore_mem>>, %arg26: memref<!tpu.dma_semaphore, #tpu.memory_space<semaphore_mem>>, %arg27: memref<!tpu.dma_semaphore, #tpu.memory_space<semaphore_mem>>, %arg28: memref<!tpu.dma_semaphore, #tpu.memory_space<semaphore_mem>>, %arg29: memref<!tpu.dma_semaphore, #tpu.memory_space<semaphore_mem>>, %arg30: memref<!tpu.dma_semaphore, #tpu.memory_space<semaphore_mem>>, %arg31: memref<!tpu.dma_semaphore, #tpu.memory_space<semaphore_mem>>, %arg32: memref<!tpu.dma_semaphore, #tpu.memory_space<semaphore_mem>>, %arg33: memref<!tpu.dma_semaphore, #tpu.memory_space<semaphore_mem>>, %arg34: memref<!tpu.dma_semaphore, #tpu.memory_space<semaphore_mem>>, %arg35: memref<!tpu.dma_semaphore, #tpu.memory_space<semaphore_mem>>, %arg36: memref<!tpu.dma_semaphore, #tpu.memory_space<semaphore_mem>>, %arg37: memref<!tpu.dma_semaphore, #tpu.memory_space<semaphore_mem>>, %arg38: memref<!tpu.dma_semaphore, #tpu.memory_space<semaphore_mem>>, %arg39: memref<!tpu.dma_semaphore, #tpu.memory_space<semaphore_mem>>, %arg40: memref<!tpu.dma_semaphore, #tpu.memory_space<semaphore_mem>>, %arg41: memref<!tpu.dma_semaphore, #tpu.memory_space<semaphore_mem>>, %arg42: memref<!tpu.dma_semaphore, #tpu.memory_space<semaphore_mem>>, %arg43: memref<!tpu.dma_semaphore, #tpu.memory_space<semaphore_mem>>, %arg44: memref<!tpu.dma_semaphore, #tpu.memory_space<semaphore_mem>>, %arg45: memref<!tpu.dma_semaphore, #tpu.memory_space<semaphore_mem>>) attributes {dimension_semantics = [#tpu.dimension_semantics<core_parallel>, #tpu.dimension_semantics<subcore_parallel>], iteration_bounds = array<i64: 2, 16>, scalar_prefetch = 0 : i64, scratch_operands = 38 : i64, tpu.core_type = #tpu.core_type<sc_vector_subcore>, window_params = [{transform_indices = #map}, {transform_indices = #map}, {transform_indices = #map1}, {transform_indices = #map1}, {transform_indices = #map}, {transform_indices = #map}]} {
    %mul3A = arith.constant 2 : i32
    %mul3A_0 = arith.muli %arg1, %mul3A : i32
    %add3A = arith.addi %mul3A_0, %arg0 : i32
    %mul3A_1 = arith.constant 4880 : i32
    %mul3A_2 = arith.muli %add3A, %mul3A_1 : i32
    %add3A_3 = arith.constant 163840 : i32
    %add3A_4 = arith.addi %add3A_3, %mul3A_2 : i32
    %mul3A_5 = arith.constant 4880 : i32
    %mul3A_6 = arith.muli %add3A, %mul3A_5 : i32
    %dma_start3A = tpu.memref_slice %arg4[%add3A_4] : memref<320000xi32, #tpu.memory_space<hbm>> -> memref<4880xi32, #tpu.memory_space<hbm>>
    %dma_start3A_7 = tpu.memref_slice %arg4[%add3A_4] : memref<320000xi32, #tpu.memory_space<hbm>> -> memref<4880xi32, #tpu.memory_space<hbm>>
    tpu.enqueue_dma source(%dma_start3A_7 : memref<4880xi32, #tpu.memory_space<hbm>>) target(%arg8 : memref<4880xi32, #tpu.memory_space<vmem>>) target_semaphore(%arg22 : memref<!tpu.dma_semaphore, #tpu.memory_space<semaphore_mem>>)
    %dma_start3A_8 = tpu.memref_slice %arg5[%add3A_4] : memref<320000xi32, #tpu.memory_space<hbm>> -> memref<4880xi32, #tpu.memory_space<hbm>>
    %dma_start3A_9 = tpu.memref_slice %arg5[%add3A_4] : memref<320000xi32, #tpu.memory_space<hbm>> -> memref<4880xi32, #tpu.memory_space<hbm>>
    tpu.enqueue_dma source(%dma_start3A_9 : memref<4880xi32, #tpu.memory_space<hbm>>) target(%arg9 : memref<4880xi32, #tpu.memory_space<vmem>>) target_semaphore(%arg28 : memref<!tpu.dma_semaphore, #tpu.memory_space<semaphore_mem>>)
    %dma_wait3A = tpu.memref_slice %arg4[%add3A_4] : memref<320000xi32, #tpu.memory_space<hbm>> -> memref<4880xi32, #tpu.memory_space<hbm>>
    %dma_wait3A_10 = tpu.memref_slice %arg4[%add3A_4] : memref<320000xi32, #tpu.memory_space<hbm>> -> memref<4880xi32, #tpu.memory_space<hbm>>
    tpu.wait_dma2 semaphore(%arg22 : memref<!tpu.dma_semaphore, #tpu.memory_space<semaphore_mem>>) src(%dma_wait3A_10 : memref<4880xi32, #tpu.memory_space<hbm>>) dst(%arg8 : memref<4880xi32, #tpu.memory_space<vmem>>)
    %dma_wait3A_11 = tpu.memref_slice %arg5[%add3A_4] : memref<320000xi32, #tpu.memory_space<hbm>> -> memref<4880xi32, #tpu.memory_space<hbm>>
    %dma_wait3A_12 = tpu.memref_slice %arg5[%add3A_4] : memref<320000xi32, #tpu.memory_space<hbm>> -> memref<4880xi32, #tpu.memory_space<hbm>>
    tpu.wait_dma2 semaphore(%arg28 : memref<!tpu.dma_semaphore, #tpu.memory_space<semaphore_mem>>) src(%dma_wait3A_12 : memref<4880xi32, #tpu.memory_space<hbm>>) dst(%arg9 : memref<4880xi32, #tpu.memory_space<vmem>>)
    %mul3A_13 = arith.constant 0 : i32
    %mul3A_14 = arith.constant 128 : i32
    %mul3A_15 = arith.muli %mul3A_13, %mul3A_14 : i32
    %mul3A_16 = arith.constant 0 : i32
    %mul3A_17 = arith.constant 128 : i32
    %mul3A_18 = arith.muli %mul3A_16, %mul3A_17 : i32
    %dma_start3A_19 = tpu.memref_slice %arg8[%mul3A_15] : memref<4880xi32, #tpu.memory_space<vmem>> -> memref<128xi32, #tpu.memory_space<vmem>>
    %dma_start3A_20 = arith.constant 0 : i32
    %dma_start3A_21 = arith.constant 0 : i32
    %dma_start3A_22 = tpu.memref_slice %arg2[%dma_start3A_20, %dma_start3A_21] : memref<10000x8xf32, #tpu.memory_space<hbm>> -> memref<10000x8xf32, #tpu.memory_space<hbm>>
    tpu.enqueue_indirect_dma source(%dma_start3A_22 : memref<10000x8xf32, #tpu.memory_space<hbm>>) target(%arg10 : memref<128x8xf32, #tpu.memory_space<vmem>>) offsets(%dma_start3A_19 : memref<128xi32, #tpu.memory_space<vmem>>) semaphore(%arg22 : memref<!tpu.dma_semaphore, #tpu.memory_space<semaphore_mem>>)
    %dma_start3A_23 = tpu.memref_slice %arg9[%mul3A_18] : memref<4880xi32, #tpu.memory_space<vmem>> -> memref<128xi32, #tpu.memory_space<vmem>>
    %dma_start3A_24 = arith.constant 0 : i32
    %dma_start3A_25 = arith.constant 0 : i32
    %dma_start3A_26 = tpu.memref_slice %arg3[%dma_start3A_24, %dma_start3A_25] : memref<10000x8xf32, #tpu.memory_space<hbm>> -> memref<10000x8xf32, #tpu.memory_space<hbm>>
    tpu.enqueue_indirect_dma source(%dma_start3A_26 : memref<10000x8xf32, #tpu.memory_space<hbm>>) target(%arg16 : memref<128x8xf32, #tpu.memory_space<vmem>>) offsets(%dma_start3A_23 : memref<128xi32, #tpu.memory_space<vmem>>) semaphore(%arg28 : memref<!tpu.dma_semaphore, #tpu.memory_space<semaphore_mem>>)
    %mul3A_27 = arith.constant 1 : i32
    %mul3A_28 = arith.constant 128 : i32
    %mul3A_29 = arith.muli %mul3A_27, %mul3A_28 : i32
    %mul3A_30 = arith.constant 1 : i32
    %mul3A_31 = arith.constant 128 : i32
    %mul3A_32 = arith.muli %mul3A_30, %mul3A_31 : i32
    %dma_start3A_33 = tpu.memref_slice %arg8[%mul3A_29] : memref<4880xi32, #tpu.memory_space<vmem>> -> memref<128xi32, #tpu.memory_space<vmem>>
    %dma_start3A_34 = arith.constant 0 : i32
    %dma_start3A_35 = arith.constant 0 : i32
    %dma_start3A_36 = tpu.memref_slice %arg2[%dma_start3A_34, %dma_start3A_35] : memref<10000x8xf32, #tpu.memory_space<hbm>> -> memref<10000x8xf32, #tpu.memory_space<hbm>>
    tpu.enqueue_indirect_dma source(%dma_start3A_36 : memref<10000x8xf32, #tpu.memory_space<hbm>>) target(%arg11 : memref<128x8xf32, #tpu.memory_space<vmem>>) offsets(%dma_start3A_33 : memref<128xi32, #tpu.memory_space<vmem>>) semaphore(%arg23 : memref<!tpu.dma_semaphore, #tpu.memory_space<semaphore_mem>>)
    %dma_start3A_37 = tpu.memref_slice %arg9[%mul3A_32] : memref<4880xi32, #tpu.memory_space<vmem>> -> memref<128xi32, #tpu.memory_space<vmem>>
    %dma_start3A_38 = arith.constant 0 : i32
    %dma_start3A_39 = arith.constant 0 : i32
    %dma_start3A_40 = tpu.memref_slice %arg3[%dma_start3A_38, %dma_start3A_39] : memref<10000x8xf32, #tpu.memory_space<hbm>> -> memref<10000x8xf32, #tpu.memory_space<hbm>>
    tpu.enqueue_indirect_dma source(%dma_start3A_40 : memref<10000x8xf32, #tpu.memory_space<hbm>>) target(%arg17 : memref<128x8xf32, #tpu.memory_space<vmem>>) offsets(%dma_start3A_37 : memref<128xi32, #tpu.memory_space<vmem>>) semaphore(%arg29 : memref<!tpu.dma_semaphore, #tpu.memory_space<semaphore_mem>>)
    %mul3A_41 = arith.constant 2 : i32
    %mul3A_42 = arith.constant 128 : i32
    %mul3A_43 = arith.muli %mul3A_41, %mul3A_42 : i32
    %mul3A_44 = arith.constant 2 : i32
    %mul3A_45 = arith.constant 128 : i32
    %mul3A_46 = arith.muli %mul3A_44, %mul3A_45 : i32
    %dma_start3A_47 = tpu.memref_slice %arg8[%mul3A_43] : memref<4880xi32, #tpu.memory_space<vmem>> -> memref<128xi32, #tpu.memory_space<vmem>>
    %dma_start3A_48 = arith.constant 0 : i32
    %dma_start3A_49 = arith.constant 0 : i32
    %dma_start3A_50 = tpu.memref_slice %arg2[%dma_start3A_48, %dma_start3A_49] : memref<10000x8xf32, #tpu.memory_space<hbm>> -> memref<10000x8xf32, #tpu.memory_space<hbm>>
    tpu.enqueue_indirect_dma source(%dma_start3A_50 : memref<10000x8xf32, #tpu.memory_space<hbm>>) target(%arg12 : memref<128x8xf32, #tpu.memory_space<vmem>>) offsets(%dma_start3A_47 : memref<128xi32, #tpu.memory_space<vmem>>) semaphore(%arg24 : memref<!tpu.dma_semaphore, #tpu.memory_space<semaphore_mem>>)
    %dma_start3A_51 = tpu.memref_slice %arg9[%mul3A_46] : memref<4880xi32, #tpu.memory_space<vmem>> -> memref<128xi32, #tpu.memory_space<vmem>>
    %dma_start3A_52 = arith.constant 0 : i32
    %dma_start3A_53 = arith.constant 0 : i32
    %dma_start3A_54 = tpu.memref_slice %arg3[%dma_start3A_52, %dma_start3A_53] : memref<10000x8xf32, #tpu.memory_space<hbm>> -> memref<10000x8xf32, #tpu.memory_space<hbm>>
    tpu.enqueue_indirect_dma source(%dma_start3A_54 : memref<10000x8xf32, #tpu.memory_space<hbm>>) target(%arg18 : memref<128x8xf32, #tpu.memory_space<vmem>>) offsets(%dma_start3A_51 : memref<128xi32, #tpu.memory_space<vmem>>) semaphore(%arg30 : memref<!tpu.dma_semaphore, #tpu.memory_space<semaphore_mem>>)
    %mul3A_55 = arith.constant 3 : i32
    %mul3A_56 = arith.constant 128 : i32
    %mul3A_57 = arith.muli %mul3A_55, %mul3A_56 : i32
    %mul3A_58 = arith.constant 3 : i32
    %mul3A_59 = arith.constant 128 : i32
    %mul3A_60 = arith.muli %mul3A_58, %mul3A_59 : i32
    %dma_start3A_61 = tpu.memref_slice %arg8[%mul3A_57] : memref<4880xi32, #tpu.memory_space<vmem>> -> memref<128xi32, #tpu.memory_space<vmem>>
    %dma_start3A_62 = arith.constant 0 : i32
    %dma_start3A_63 = arith.constant 0 : i32
    %dma_start3A_64 = tpu.memref_slice %arg2[%dma_start3A_62, %dma_start3A_63] : memref<10000x8xf32, #tpu.memory_space<hbm>> -> memref<10000x8xf32, #tpu.memory_space<hbm>>
    tpu.enqueue_indirect_dma source(%dma_start3A_64 : memref<10000x8xf32, #tpu.memory_space<hbm>>) target(%arg13 : memref<128x8xf32, #tpu.memory_space<vmem>>) offsets(%dma_start3A_61 : memref<128xi32, #tpu.memory_space<vmem>>) semaphore(%arg25 : memref<!tpu.dma_semaphore, #tpu.memory_space<semaphore_mem>>)
    %dma_start3A_65 = tpu.memref_slice %arg9[%mul3A_60] : memref<4880xi32, #tpu.memory_space<vmem>> -> memref<128xi32, #tpu.memory_space<vmem>>
    %dma_start3A_66 = arith.constant 0 : i32
    %dma_start3A_67 = arith.constant 0 : i32
    %dma_start3A_68 = tpu.memref_slice %arg3[%dma_start3A_66, %dma_start3A_67] : memref<10000x8xf32, #tpu.memory_space<hbm>> -> memref<10000x8xf32, #tpu.memory_space<hbm>>
    tpu.enqueue_indirect_dma source(%dma_start3A_68 : memref<10000x8xf32, #tpu.memory_space<hbm>>) target(%arg19 : memref<128x8xf32, #tpu.memory_space<vmem>>) offsets(%dma_start3A_65 : memref<128xi32, #tpu.memory_space<vmem>>) semaphore(%arg31 : memref<!tpu.dma_semaphore, #tpu.memory_space<semaphore_mem>>)
    %scan3A = arith.constant 0 : i32
    %scan3A_69 = arith.constant 6 : i32
    %scan3A_70 = arith.addi %scan3A, %scan3A_69 : i32
    %scan3A_71 = arith.constant 1 : i32
    scf.for %scan3A_219 = %scan3A to %scan3A_70 step %scan3A_71  : i32 {
      %mul3A_220 = arith.constant 6 : i32
      %mul3A_221 = arith.muli %scan3A_219, %mul3A_220 : i32
      %add3A_222 = arith.constant 0 : i32
      %add3A_223 = arith.addi %mul3A_221, %add3A_222 : i32
      %mul3A_224 = arith.constant 128 : i32
      %mul3A_225 = arith.muli %add3A_223, %mul3A_224 : i32
      %mul3A_226 = arith.constant 128 : i32
      %mul3A_227 = arith.muli %add3A_223, %mul3A_226 : i32
      %dma_wait3A_228 = tpu.memref_slice %arg8[%mul3A_225] : memref<4880xi32, #tpu.memory_space<vmem>> -> memref<128xi32, #tpu.memory_space<vmem>>
      %dma_wait3A_229 = arith.constant 0 : i32
      %dma_wait3A_230 = arith.constant 0 : i32
      %dma_wait3A_231 = tpu.memref_slice %arg2[%dma_wait3A_229, %dma_wait3A_230] : memref<10000x8xf32, #tpu.memory_space<hbm>> -> memref<10000x8xf32, #tpu.memory_space<hbm>>
      tpu.wait_indirect_dma semaphore(%arg22 : memref<!tpu.dma_semaphore, #tpu.memory_space<semaphore_mem>>) src(%dma_wait3A_231 : memref<10000x8xf32, #tpu.memory_space<hbm>>) dst(%arg10 : memref<128x8xf32, #tpu.memory_space<vmem>>)
      %dma_wait3A_232 = tpu.memref_slice %arg9[%mul3A_227] : memref<4880xi32, #tpu.memory_space<vmem>> -> memref<128xi32, #tpu.memory_space<vmem>>
      %dma_wait3A_233 = arith.constant 0 : i32
      %dma_wait3A_234 = arith.constant 0 : i32
      %dma_wait3A_235 = tpu.memref_slice %arg3[%dma_wait3A_233, %dma_wait3A_234] : memref<10000x8xf32, #tpu.memory_space<hbm>> -> memref<10000x8xf32, #tpu.memory_space<hbm>>
      tpu.wait_indirect_dma semaphore(%arg28 : memref<!tpu.dma_semaphore, #tpu.memory_space<semaphore_mem>>) src(%dma_wait3A_235 : memref<10000x8xf32, #tpu.memory_space<hbm>>) dst(%arg16 : memref<128x8xf32, #tpu.memory_space<vmem>>)
      %mul3A_236 = arith.constant 128 : i32
      %mul3A_237 = arith.muli %add3A_223, %mul3A_236 : i32
      %add3A_238 = arith.addi %mul3A_6, %mul3A_237 : i32
      %dma_start3A_239 = arith.constant 0 : i32
      %dma_start3A_240 = tpu.memref_slice %arg6[%add3A_238, %dma_start3A_239] : memref<156160x8xf32, #tpu.memory_space<hbm>> -> memref<128x8xf32, #tpu.memory_space<hbm>>
      %dma_start3A_241 = arith.constant 0 : i32
      %dma_start3A_242 = tpu.memref_slice %arg6[%add3A_238, %dma_start3A_241] : memref<156160x8xf32, #tpu.memory_space<hbm>> -> memref<128x8xf32, #tpu.memory_space<hbm>>
      tpu.enqueue_dma source(%arg10 : memref<128x8xf32, #tpu.memory_space<vmem>>) target(%dma_start3A_242 : memref<128x8xf32, #tpu.memory_space<hbm>>) target_semaphore(%arg34 : memref<!tpu.dma_semaphore, #tpu.memory_space<semaphore_mem>>)
      %dma_start3A_243 = arith.constant 0 : i32
      %dma_start3A_244 = tpu.memref_slice %arg7[%add3A_238, %dma_start3A_243] : memref<156160x8xf32, #tpu.memory_space<hbm>> -> memref<128x8xf32, #tpu.memory_space<hbm>>
      %dma_start3A_245 = arith.constant 0 : i32
      %dma_start3A_246 = tpu.memref_slice %arg7[%add3A_238, %dma_start3A_245] : memref<156160x8xf32, #tpu.memory_space<hbm>> -> memref<128x8xf32, #tpu.memory_space<hbm>>
      tpu.enqueue_dma source(%arg16 : memref<128x8xf32, #tpu.memory_space<vmem>>) target(%dma_start3A_246 : memref<128x8xf32, #tpu.memory_space<hbm>>) target_semaphore(%arg40 : memref<!tpu.dma_semaphore, #tpu.memory_space<semaphore_mem>>)
      %add3A_247 = arith.constant 4 : i32
      %add3A_248 = arith.addi %add3A_223, %add3A_247 : i32
      %lt3A = arith.constant 38 : i32
      %lt3A_249 = arith.cmpi slt, %add3A_248, %lt3A : i32
      %convert_element_type3A = arith.extui %lt3A_249 : i1 to i32
      %cond3A = arith.constant 0 : i32
      %cond3A_250 = arith.cmpi ne, %convert_element_type3A, %cond3A : i32
      scf.if %cond3A_250 {
        %ge3A = arith.constant 2 : i32
        %ge3A_421 = arith.cmpi sge, %add3A_223, %ge3A : i32
        %convert_element_type3A_422 = arith.extui %ge3A_421 : i1 to i32
        %cond3A_423 = arith.constant 0 : i32
        %cond3A_424 = arith.cmpi ne, %convert_element_type3A_422, %cond3A_423 : i32
        scf.if %cond3A_424 {
          %sub3A = arith.constant 2 : i32
          %sub3A_437 = arith.subi %add3A_223, %sub3A : i32
          %mul3A_438 = arith.constant 128 : i32
          %mul3A_439 = arith.muli %sub3A_437, %mul3A_438 : i32
          %add3A_440 = arith.addi %mul3A_6, %mul3A_439 : i32
          %dma_wait3A_441 = arith.constant 0 : i32
          %dma_wait3A_442 = tpu.memref_slice %arg6[%add3A_440, %dma_wait3A_441] : memref<156160x8xf32, #tpu.memory_space<hbm>> -> memref<128x8xf32, #tpu.memory_space<hbm>>
          %dma_wait3A_443 = arith.constant 0 : i32
          %dma_wait3A_444 = tpu.memref_slice %arg6[%add3A_440, %dma_wait3A_443] : memref<156160x8xf32, #tpu.memory_space<hbm>> -> memref<128x8xf32, #tpu.memory_space<hbm>>
          tpu.wait_dma2 semaphore(%arg38 : memref<!tpu.dma_semaphore, #tpu.memory_space<semaphore_mem>>) src(%arg14 : memref<128x8xf32, #tpu.memory_space<vmem>>) dst(%dma_wait3A_444 : memref<128x8xf32, #tpu.memory_space<hbm>>)
          %dma_wait3A_445 = arith.constant 0 : i32
          %dma_wait3A_446 = tpu.memref_slice %arg7[%add3A_440, %dma_wait3A_445] : memref<156160x8xf32, #tpu.memory_space<hbm>> -> memref<128x8xf32, #tpu.memory_space<hbm>>
          %dma_wait3A_447 = arith.constant 0 : i32
          %dma_wait3A_448 = tpu.memref_slice %arg7[%add3A_440, %dma_wait3A_447] : memref<156160x8xf32, #tpu.memory_space<hbm>> -> memref<128x8xf32, #tpu.memory_space<hbm>>
          tpu.wait_dma2 semaphore(%arg44 : memref<!tpu.dma_semaphore, #tpu.memory_space<semaphore_mem>>) src(%arg20 : memref<128x8xf32, #tpu.memory_space<vmem>>) dst(%dma_wait3A_448 : memref<128x8xf32, #tpu.memory_space<hbm>>)
        } else {
        }
        %mul3A_425 = arith.constant 128 : i32
        %mul3A_426 = arith.muli %add3A_248, %mul3A_425 : i32
        %mul3A_427 = arith.constant 128 : i32
        %mul3A_428 = arith.muli %add3A_248, %mul3A_427 : i32
        %dma_start3A_429 = tpu.memref_slice %arg8[%mul3A_426] : memref<4880xi32, #tpu.memory_space<vmem>> -> memref<128xi32, #tpu.memory_space<vmem>>
        %dma_start3A_430 = arith.constant 0 : i32
        %dma_start3A_431 = arith.constant 0 : i32
        %dma_start3A_432 = tpu.memref_slice %arg2[%dma_start3A_430, %dma_start3A_431] : memref<10000x8xf32, #tpu.memory_space<hbm>> -> memref<10000x8xf32, #tpu.memory_space<hbm>>
        tpu.enqueue_indirect_dma source(%dma_start3A_432 : memref<10000x8xf32, #tpu.memory_space<hbm>>) target(%arg14 : memref<128x8xf32, #tpu.memory_space<vmem>>) offsets(%dma_start3A_429 : memref<128xi32, #tpu.memory_space<vmem>>) semaphore(%arg26 : memref<!tpu.dma_semaphore, #tpu.memory_space<semaphore_mem>>)
        %dma_start3A_433 = tpu.memref_slice %arg9[%mul3A_428] : memref<4880xi32, #tpu.memory_space<vmem>> -> memref<128xi32, #tpu.memory_space<vmem>>
        %dma_start3A_434 = arith.constant 0 : i32
        %dma_start3A_435 = arith.constant 0 : i32
        %dma_start3A_436 = tpu.memref_slice %arg3[%dma_start3A_434, %dma_start3A_435] : memref<10000x8xf32, #tpu.memory_space<hbm>> -> memref<10000x8xf32, #tpu.memory_space<hbm>>
        tpu.enqueue_indirect_dma source(%dma_start3A_436 : memref<10000x8xf32, #tpu.memory_space<hbm>>) target(%arg20 : memref<128x8xf32, #tpu.memory_space<vmem>>) offsets(%dma_start3A_433 : memref<128xi32, #tpu.memory_space<vmem>>) semaphore(%arg32 : memref<!tpu.dma_semaphore, #tpu.memory_space<semaphore_mem>>)
      } else {
      }
      %mul3A_251 = arith.constant 6 : i32
      %mul3A_252 = arith.muli %scan3A_219, %mul3A_251 : i32
      %add3A_253 = arith.constant 1 : i32
      %add3A_254 = arith.addi %mul3A_252, %add3A_253 : i32
      %mul3A_255 = arith.constant 128 : i32
      %mul3A_256 = arith.muli %add3A_254, %mul3A_255 : i32
      %mul3A_257 = arith.constant 128 : i32
      %mul3A_258 = arith.muli %add3A_254, %mul3A_257 : i32
      %dma_wait3A_259 = tpu.memref_slice %arg8[%mul3A_256] : memref<4880xi32, #tpu.memory_space<vmem>> -> memref<128xi32, #tpu.memory_space<vmem>>
      %dma_wait3A_260 = arith.constant 0 : i32
      %dma_wait3A_261 = arith.constant 0 : i32
      %dma_wait3A_262 = tpu.memref_slice %arg2[%dma_wait3A_260, %dma_wait3A_261] : memref<10000x8xf32, #tpu.memory_space<hbm>> -> memref<10000x8xf32, #tpu.memory_space<hbm>>
      tpu.wait_indirect_dma semaphore(%arg23 : memref<!tpu.dma_semaphore, #tpu.memory_space<semaphore_mem>>) src(%dma_wait3A_262 : memref<10000x8xf32, #tpu.memory_space<hbm>>) dst(%arg11 : memref<128x8xf32, #tpu.memory_space<vmem>>)
      %dma_wait3A_263 = tpu.memref_slice %arg9[%mul3A_258] : memref<4880xi32, #tpu.memory_space<vmem>> -> memref<128xi32, #tpu.memory_space<vmem>>
      %dma_wait3A_264 = arith.constant 0 : i32
      %dma_wait3A_265 = arith.constant 0 : i32
      %dma_wait3A_266 = tpu.memref_slice %arg3[%dma_wait3A_264, %dma_wait3A_265] : memref<10000x8xf32, #tpu.memory_space<hbm>> -> memref<10000x8xf32, #tpu.memory_space<hbm>>
      tpu.wait_indirect_dma semaphore(%arg29 : memref<!tpu.dma_semaphore, #tpu.memory_space<semaphore_mem>>) src(%dma_wait3A_266 : memref<10000x8xf32, #tpu.memory_space<hbm>>) dst(%arg17 : memref<128x8xf32, #tpu.memory_space<vmem>>)
      %mul3A_267 = arith.constant 128 : i32
      %mul3A_268 = arith.muli %add3A_254, %mul3A_267 : i32
      %add3A_269 = arith.addi %mul3A_6, %mul3A_268 : i32
      %dma_start3A_270 = arith.constant 0 : i32
      %dma_start3A_271 = tpu.memref_slice %arg6[%add3A_269, %dma_start3A_270] : memref<156160x8xf32, #tpu.memory_space<hbm>> -> memref<128x8xf32, #tpu.memory_space<hbm>>
      %dma_start3A_272 = arith.constant 0 : i32
      %dma_start3A_273 = tpu.memref_slice %arg6[%add3A_269, %dma_start3A_272] : memref<156160x8xf32, #tpu.memory_space<hbm>> -> memref<128x8xf32, #tpu.memory_space<hbm>>
      tpu.enqueue_dma source(%arg11 : memref<128x8xf32, #tpu.memory_space<vmem>>) target(%dma_start3A_273 : memref<128x8xf32, #tpu.memory_space<hbm>>) target_semaphore(%arg35 : memref<!tpu.dma_semaphore, #tpu.memory_space<semaphore_mem>>)
      %dma_start3A_274 = arith.constant 0 : i32
      %dma_start3A_275 = tpu.memref_slice %arg7[%add3A_269, %dma_start3A_274] : memref<156160x8xf32, #tpu.memory_space<hbm>> -> memref<128x8xf32, #tpu.memory_space<hbm>>
      %dma_start3A_276 = arith.constant 0 : i32
      %dma_start3A_277 = tpu.memref_slice %arg7[%add3A_269, %dma_start3A_276] : memref<156160x8xf32, #tpu.memory_space<hbm>> -> memref<128x8xf32, #tpu.memory_space<hbm>>
      tpu.enqueue_dma source(%arg17 : memref<128x8xf32, #tpu.memory_space<vmem>>) target(%dma_start3A_277 : memref<128x8xf32, #tpu.memory_space<hbm>>) target_semaphore(%arg41 : memref<!tpu.dma_semaphore, #tpu.memory_space<semaphore_mem>>)
      %add3A_278 = arith.constant 4 : i32
      %add3A_279 = arith.addi %add3A_254, %add3A_278 : i32
      %lt3A_280 = arith.constant 38 : i32
      %lt3A_281 = arith.cmpi slt, %add3A_279, %lt3A_280 : i32
      %convert_element_type3A_282 = arith.extui %lt3A_281 : i1 to i32
      %cond3A_283 = arith.constant 0 : i32
      %cond3A_284 = arith.cmpi ne, %convert_element_type3A_282, %cond3A_283 : i32
      scf.if %cond3A_284 {
        %ge3A = arith.constant 2 : i32
        %ge3A_421 = arith.cmpi sge, %add3A_254, %ge3A : i32
        %convert_element_type3A_422 = arith.extui %ge3A_421 : i1 to i32
        %cond3A_423 = arith.constant 0 : i32
        %cond3A_424 = arith.cmpi ne, %convert_element_type3A_422, %cond3A_423 : i32
        scf.if %cond3A_424 {
          %sub3A = arith.constant 2 : i32
          %sub3A_437 = arith.subi %add3A_254, %sub3A : i32
          %mul3A_438 = arith.constant 128 : i32
          %mul3A_439 = arith.muli %sub3A_437, %mul3A_438 : i32
          %add3A_440 = arith.addi %mul3A_6, %mul3A_439 : i32
          %dma_wait3A_441 = arith.constant 0 : i32
          %dma_wait3A_442 = tpu.memref_slice %arg6[%add3A_440, %dma_wait3A_441] : memref<156160x8xf32, #tpu.memory_space<hbm>> -> memref<128x8xf32, #tpu.memory_space<hbm>>
          %dma_wait3A_443 = arith.constant 0 : i32
          %dma_wait3A_444 = tpu.memref_slice %arg6[%add3A_440, %dma_wait3A_443] : memref<156160x8xf32, #tpu.memory_space<hbm>> -> memref<128x8xf32, #tpu.memory_space<hbm>>
          tpu.wait_dma2 semaphore(%arg39 : memref<!tpu.dma_semaphore, #tpu.memory_space<semaphore_mem>>) src(%arg15 : memref<128x8xf32, #tpu.memory_space<vmem>>) dst(%dma_wait3A_444 : memref<128x8xf32, #tpu.memory_space<hbm>>)
          %dma_wait3A_445 = arith.constant 0 : i32
          %dma_wait3A_446 = tpu.memref_slice %arg7[%add3A_440, %dma_wait3A_445] : memref<156160x8xf32, #tpu.memory_space<hbm>> -> memref<128x8xf32, #tpu.memory_space<hbm>>
          %dma_wait3A_447 = arith.constant 0 : i32
          %dma_wait3A_448 = tpu.memref_slice %arg7[%add3A_440, %dma_wait3A_447] : memref<156160x8xf32, #tpu.memory_space<hbm>> -> memref<128x8xf32, #tpu.memory_space<hbm>>
          tpu.wait_dma2 semaphore(%arg45 : memref<!tpu.dma_semaphore, #tpu.memory_space<semaphore_mem>>) src(%arg21 : memref<128x8xf32, #tpu.memory_space<vmem>>) dst(%dma_wait3A_448 : memref<128x8xf32, #tpu.memory_space<hbm>>)
        } else {
        }
        %mul3A_425 = arith.constant 128 : i32
        %mul3A_426 = arith.muli %add3A_279, %mul3A_425 : i32
        %mul3A_427 = arith.constant 128 : i32
        %mul3A_428 = arith.muli %add3A_279, %mul3A_427 : i32
        %dma_start3A_429 = tpu.memref_slice %arg8[%mul3A_426] : memref<4880xi32, #tpu.memory_space<vmem>> -> memref<128xi32, #tpu.memory_space<vmem>>
        %dma_start3A_430 = arith.constant 0 : i32
        %dma_start3A_431 = arith.constant 0 : i32
        %dma_start3A_432 = tpu.memref_slice %arg2[%dma_start3A_430, %dma_start3A_431] : memref<10000x8xf32, #tpu.memory_space<hbm>> -> memref<10000x8xf32, #tpu.memory_space<hbm>>
        tpu.enqueue_indirect_dma source(%dma_start3A_432 : memref<10000x8xf32, #tpu.memory_space<hbm>>) target(%arg15 : memref<128x8xf32, #tpu.memory_space<vmem>>) offsets(%dma_start3A_429 : memref<128xi32, #tpu.memory_space<vmem>>) semaphore(%arg27 : memref<!tpu.dma_semaphore, #tpu.memory_space<semaphore_mem>>)
        %dma_start3A_433 = tpu.memref_slice %arg9[%mul3A_428] : memref<4880xi32, #tpu.memory_space<vmem>> -> memref<128xi32, #tpu.memory_space<vmem>>
        %dma_start3A_434 = arith.constant 0 : i32
        %dma_start3A_435 = arith.constant 0 : i32
        %dma_start3A_436 = tpu.memref_slice %arg3[%dma_start3A_434, %dma_start3A_435] : memref<10000x8xf32, #tpu.memory_space<hbm>> -> memref<10000x8xf32, #tpu.memory_space<hbm>>
        tpu.enqueue_indirect_dma source(%dma_start3A_436 : memref<10000x8xf32, #tpu.memory_space<hbm>>) target(%arg21 : memref<128x8xf32, #tpu.memory_space<vmem>>) offsets(%dma_start3A_433 : memref<128xi32, #tpu.memory_space<vmem>>) semaphore(%arg33 : memref<!tpu.dma_semaphore, #tpu.memory_space<semaphore_mem>>)
      } else {
      }
      %mul3A_285 = arith.constant 6 : i32
      %mul3A_286 = arith.muli %scan3A_219, %mul3A_285 : i32
      %add3A_287 = arith.constant 2 : i32
      %add3A_288 = arith.addi %mul3A_286, %add3A_287 : i32
      %mul3A_289 = arith.constant 128 : i32
      %mul3A_290 = arith.muli %add3A_288, %mul3A_289 : i32
      %mul3A_291 = arith.constant 128 : i32
      %mul3A_292 = arith.muli %add3A_288, %mul3A_291 : i32
      %dma_wait3A_293 = tpu.memref_slice %arg8[%mul3A_290] : memref<4880xi32, #tpu.memory_space<vmem>> -> memref<128xi32, #tpu.memory_space<vmem>>
      %dma_wait3A_294 = arith.constant 0 : i32
      %dma_wait3A_295 = arith.constant 0 : i32
      %dma_wait3A_296 = tpu.memref_slice %arg2[%dma_wait3A_294, %dma_wait3A_295] : memref<10000x8xf32, #tpu.memory_space<hbm>> -> memref<10000x8xf32, #tpu.memory_space<hbm>>
      tpu.wait_indirect_dma semaphore(%arg24 : memref<!tpu.dma_semaphore, #tpu.memory_space<semaphore_mem>>) src(%dma_wait3A_296 : memref<10000x8xf32, #tpu.memory_space<hbm>>) dst(%arg12 : memref<128x8xf32, #tpu.memory_space<vmem>>)
      %dma_wait3A_297 = tpu.memref_slice %arg9[%mul3A_292] : memref<4880xi32, #tpu.memory_space<vmem>> -> memref<128xi32, #tpu.memory_space<vmem>>
      %dma_wait3A_298 = arith.constant 0 : i32
      %dma_wait3A_299 = arith.constant 0 : i32
      %dma_wait3A_300 = tpu.memref_slice %arg3[%dma_wait3A_298, %dma_wait3A_299] : memref<10000x8xf32, #tpu.memory_space<hbm>> -> memref<10000x8xf32, #tpu.memory_space<hbm>>
      tpu.wait_indirect_dma semaphore(%arg30 : memref<!tpu.dma_semaphore, #tpu.memory_space<semaphore_mem>>) src(%dma_wait3A_300 : memref<10000x8xf32, #tpu.memory_space<hbm>>) dst(%arg18 : memref<128x8xf32, #tpu.memory_space<vmem>>)
      %mul3A_301 = arith.constant 128 : i32
      %mul3A_302 = arith.muli %add3A_288, %mul3A_301 : i32
      %add3A_303 = arith.addi %mul3A_6, %mul3A_302 : i32
      %dma_start3A_304 = arith.constant 0 : i32
      %dma_start3A_305 = tpu.memref_slice %arg6[%add3A_303, %dma_start3A_304] : memref<156160x8xf32, #tpu.memory_space<hbm>> -> memref<128x8xf32, #tpu.memory_space<hbm>>
      %dma_start3A_306 = arith.constant 0 : i32
      %dma_start3A_307 = tpu.memref_slice %arg6[%add3A_303, %dma_start3A_306] : memref<156160x8xf32, #tpu.memory_space<hbm>> -> memref<128x8xf32, #tpu.memory_space<hbm>>
      tpu.enqueue_dma source(%arg12 : memref<128x8xf32, #tpu.memory_space<vmem>>) target(%dma_start3A_307 : memref<128x8xf32, #tpu.memory_space<hbm>>) target_semaphore(%arg36 : memref<!tpu.dma_semaphore, #tpu.memory_space<semaphore_mem>>)
      %dma_start3A_308 = arith.constant 0 : i32
      %dma_start3A_309 = tpu.memref_slice %arg7[%add3A_303, %dma_start3A_308] : memref<156160x8xf32, #tpu.memory_space<hbm>> -> memref<128x8xf32, #tpu.memory_space<hbm>>
      %dma_start3A_310 = arith.constant 0 : i32
      %dma_start3A_311 = tpu.memref_slice %arg7[%add3A_303, %dma_start3A_310] : memref<156160x8xf32, #tpu.memory_space<hbm>> -> memref<128x8xf32, #tpu.memory_space<hbm>>
      tpu.enqueue_dma source(%arg18 : memref<128x8xf32, #tpu.memory_space<vmem>>) target(%dma_start3A_311 : memref<128x8xf32, #tpu.memory_space<hbm>>) target_semaphore(%arg42 : memref<!tpu.dma_semaphore, #tpu.memory_space<semaphore_mem>>)
      %add3A_312 = arith.constant 4 : i32
      %add3A_313 = arith.addi %add3A_288, %add3A_312 : i32
      %lt3A_314 = arith.constant 38 : i32
      %lt3A_315 = arith.cmpi slt, %add3A_313, %lt3A_314 : i32
      %convert_element_type3A_316 = arith.extui %lt3A_315 : i1 to i32
      %cond3A_317 = arith.constant 0 : i32
      %cond3A_318 = arith.cmpi ne, %convert_element_type3A_316, %cond3A_317 : i32
      scf.if %cond3A_318 {
        %ge3A = arith.constant 2 : i32
        %ge3A_421 = arith.cmpi sge, %add3A_288, %ge3A : i32
        %convert_element_type3A_422 = arith.extui %ge3A_421 : i1 to i32
        %cond3A_423 = arith.constant 0 : i32
        %cond3A_424 = arith.cmpi ne, %convert_element_type3A_422, %cond3A_423 : i32
        scf.if %cond3A_424 {
          %sub3A = arith.constant 2 : i32
          %sub3A_437 = arith.subi %add3A_288, %sub3A : i32
          %mul3A_438 = arith.constant 128 : i32
          %mul3A_439 = arith.muli %sub3A_437, %mul3A_438 : i32
          %add3A_440 = arith.addi %mul3A_6, %mul3A_439 : i32
          %dma_wait3A_441 = arith.constant 0 : i32
          %dma_wait3A_442 = tpu.memref_slice %arg6[%add3A_440, %dma_wait3A_441] : memref<156160x8xf32, #tpu.memory_space<hbm>> -> memref<128x8xf32, #tpu.memory_space<hbm>>
          %dma_wait3A_443 = arith.constant 0 : i32
          %dma_wait3A_444 = tpu.memref_slice %arg6[%add3A_440, %dma_wait3A_443] : memref<156160x8xf32, #tpu.memory_space<hbm>> -> memref<128x8xf32, #tpu.memory_space<hbm>>
          tpu.wait_dma2 semaphore(%arg34 : memref<!tpu.dma_semaphore, #tpu.memory_space<semaphore_mem>>) src(%arg10 : memref<128x8xf32, #tpu.memory_space<vmem>>) dst(%dma_wait3A_444 : memref<128x8xf32, #tpu.memory_space<hbm>>)
          %dma_wait3A_445 = arith.constant 0 : i32
          %dma_wait3A_446 = tpu.memref_slice %arg7[%add3A_440, %dma_wait3A_445] : memref<156160x8xf32, #tpu.memory_space<hbm>> -> memref<128x8xf32, #tpu.memory_space<hbm>>
          %dma_wait3A_447 = arith.constant 0 : i32
          %dma_wait3A_448 = tpu.memref_slice %arg7[%add3A_440, %dma_wait3A_447] : memref<156160x8xf32, #tpu.memory_space<hbm>> -> memref<128x8xf32, #tpu.memory_space<hbm>>
          tpu.wait_dma2 semaphore(%arg40 : memref<!tpu.dma_semaphore, #tpu.memory_space<semaphore_mem>>) src(%arg16 : memref<128x8xf32, #tpu.memory_space<vmem>>) dst(%dma_wait3A_448 : memref<128x8xf32, #tpu.memory_space<hbm>>)
        } else {
        }
        %mul3A_425 = arith.constant 128 : i32
        %mul3A_426 = arith.muli %add3A_313, %mul3A_425 : i32
        %mul3A_427 = arith.constant 128 : i32
        %mul3A_428 = arith.muli %add3A_313, %mul3A_427 : i32
        %dma_start3A_429 = tpu.memref_slice %arg8[%mul3A_426] : memref<4880xi32, #tpu.memory_space<vmem>> -> memref<128xi32, #tpu.memory_space<vmem>>
        %dma_start3A_430 = arith.constant 0 : i32
        %dma_start3A_431 = arith.constant 0 : i32
        %dma_start3A_432 = tpu.memref_slice %arg2[%dma_start3A_430, %dma_start3A_431] : memref<10000x8xf32, #tpu.memory_space<hbm>> -> memref<10000x8xf32, #tpu.memory_space<hbm>>
        tpu.enqueue_indirect_dma source(%dma_start3A_432 : memref<10000x8xf32, #tpu.memory_space<hbm>>) target(%arg10 : memref<128x8xf32, #tpu.memory_space<vmem>>) offsets(%dma_start3A_429 : memref<128xi32, #tpu.memory_space<vmem>>) semaphore(%arg22 : memref<!tpu.dma_semaphore, #tpu.memory_space<semaphore_mem>>)
        %dma_start3A_433 = tpu.memref_slice %arg9[%mul3A_428] : memref<4880xi32, #tpu.memory_space<vmem>> -> memref<128xi32, #tpu.memory_space<vmem>>
        %dma_start3A_434 = arith.constant 0 : i32
        %dma_start3A_435 = arith.constant 0 : i32
        %dma_start3A_436 = tpu.memref_slice %arg3[%dma_start3A_434, %dma_start3A_435] : memref<10000x8xf32, #tpu.memory_space<hbm>> -> memref<10000x8xf32, #tpu.memory_space<hbm>>
        tpu.enqueue_indirect_dma source(%dma_start3A_436 : memref<10000x8xf32, #tpu.memory_space<hbm>>) target(%arg16 : memref<128x8xf32, #tpu.memory_space<vmem>>) offsets(%dma_start3A_433 : memref<128xi32, #tpu.memory_space<vmem>>) semaphore(%arg28 : memref<!tpu.dma_semaphore, #tpu.memory_space<semaphore_mem>>)
      } else {
      }
      %mul3A_319 = arith.constant 6 : i32
      %mul3A_320 = arith.muli %scan3A_219, %mul3A_319 : i32
      %add3A_321 = arith.constant 3 : i32
      %add3A_322 = arith.addi %mul3A_320, %add3A_321 : i32
      %mul3A_323 = arith.constant 128 : i32
      %mul3A_324 = arith.muli %add3A_322, %mul3A_323 : i32
      %mul3A_325 = arith.constant 128 : i32
      %mul3A_326 = arith.muli %add3A_322, %mul3A_325 : i32
      %dma_wait3A_327 = tpu.memref_slice %arg8[%mul3A_324] : memref<4880xi32, #tpu.memory_space<vmem>> -> memref<128xi32, #tpu.memory_space<vmem>>
      %dma_wait3A_328 = arith.constant 0 : i32
      %dma_wait3A_329 = arith.constant 0 : i32
      %dma_wait3A_330 = tpu.memref_slice %arg2[%dma_wait3A_328, %dma_wait3A_329] : memref<10000x8xf32, #tpu.memory_space<hbm>> -> memref<10000x8xf32, #tpu.memory_space<hbm>>
      tpu.wait_indirect_dma semaphore(%arg25 : memref<!tpu.dma_semaphore, #tpu.memory_space<semaphore_mem>>) src(%dma_wait3A_330 : memref<10000x8xf32, #tpu.memory_space<hbm>>) dst(%arg13 : memref<128x8xf32, #tpu.memory_space<vmem>>)
      %dma_wait3A_331 = tpu.memref_slice %arg9[%mul3A_326] : memref<4880xi32, #tpu.memory_space<vmem>> -> memref<128xi32, #tpu.memory_space<vmem>>
      %dma_wait3A_332 = arith.constant 0 : i32
      %dma_wait3A_333 = arith.constant 0 : i32
      %dma_wait3A_334 = tpu.memref_slice %arg3[%dma_wait3A_332, %dma_wait3A_333] : memref<10000x8xf32, #tpu.memory_space<hbm>> -> memref<10000x8xf32, #tpu.memory_space<hbm>>
      tpu.wait_indirect_dma semaphore(%arg31 : memref<!tpu.dma_semaphore, #tpu.memory_space<semaphore_mem>>) src(%dma_wait3A_334 : memref<10000x8xf32, #tpu.memory_space<hbm>>) dst(%arg19 : memref<128x8xf32, #tpu.memory_space<vmem>>)
      %mul3A_335 = arith.constant 128 : i32
      %mul3A_336 = arith.muli %add3A_322, %mul3A_335 : i32
      %add3A_337 = arith.addi %mul3A_6, %mul3A_336 : i32
      %dma_start3A_338 = arith.constant 0 : i32
      %dma_start3A_339 = tpu.memref_slice %arg6[%add3A_337, %dma_start3A_338] : memref<156160x8xf32, #tpu.memory_space<hbm>> -> memref<128x8xf32, #tpu.memory_space<hbm>>
      %dma_start3A_340 = arith.constant 0 : i32
      %dma_start3A_341 = tpu.memref_slice %arg6[%add3A_337, %dma_start3A_340] : memref<156160x8xf32, #tpu.memory_space<hbm>> -> memref<128x8xf32, #tpu.memory_space<hbm>>
      tpu.enqueue_dma source(%arg13 : memref<128x8xf32, #tpu.memory_space<vmem>>) target(%dma_start3A_341 : memref<128x8xf32, #tpu.memory_space<hbm>>) target_semaphore(%arg37 : memref<!tpu.dma_semaphore, #tpu.memory_space<semaphore_mem>>)
      %dma_start3A_342 = arith.constant 0 : i32
      %dma_start3A_343 = tpu.memref_slice %arg7[%add3A_337, %dma_start3A_342] : memref<156160x8xf32, #tpu.memory_space<hbm>> -> memref<128x8xf32, #tpu.memory_space<hbm>>
      %dma_start3A_344 = arith.constant 0 : i32
      %dma_start3A_345 = tpu.memref_slice %arg7[%add3A_337, %dma_start3A_344] : memref<156160x8xf32, #tpu.memory_space<hbm>> -> memref<128x8xf32, #tpu.memory_space<hbm>>
      tpu.enqueue_dma source(%arg19 : memref<128x8xf32, #tpu.memory_space<vmem>>) target(%dma_start3A_345 : memref<128x8xf32, #tpu.memory_space<hbm>>) target_semaphore(%arg43 : memref<!tpu.dma_semaphore, #tpu.memory_space<semaphore_mem>>)
      %add3A_346 = arith.constant 4 : i32
      %add3A_347 = arith.addi %add3A_322, %add3A_346 : i32
      %lt3A_348 = arith.constant 38 : i32
      %lt3A_349 = arith.cmpi slt, %add3A_347, %lt3A_348 : i32
      %convert_element_type3A_350 = arith.extui %lt3A_349 : i1 to i32
      %cond3A_351 = arith.constant 0 : i32
      %cond3A_352 = arith.cmpi ne, %convert_element_type3A_350, %cond3A_351 : i32
      scf.if %cond3A_352 {
        %ge3A = arith.constant 2 : i32
        %ge3A_421 = arith.cmpi sge, %add3A_322, %ge3A : i32
        %convert_element_type3A_422 = arith.extui %ge3A_421 : i1 to i32
        %cond3A_423 = arith.constant 0 : i32
        %cond3A_424 = arith.cmpi ne, %convert_element_type3A_422, %cond3A_423 : i32
        scf.if %cond3A_424 {
          %sub3A = arith.constant 2 : i32
          %sub3A_437 = arith.subi %add3A_322, %sub3A : i32
          %mul3A_438 = arith.constant 128 : i32
          %mul3A_439 = arith.muli %sub3A_437, %mul3A_438 : i32
          %add3A_440 = arith.addi %mul3A_6, %mul3A_439 : i32
          %dma_wait3A_441 = arith.constant 0 : i32
          %dma_wait3A_442 = tpu.memref_slice %arg6[%add3A_440, %dma_wait3A_441] : memref<156160x8xf32, #tpu.memory_space<hbm>> -> memref<128x8xf32, #tpu.memory_space<hbm>>
          %dma_wait3A_443 = arith.constant 0 : i32
          %dma_wait3A_444 = tpu.memref_slice %arg6[%add3A_440, %dma_wait3A_443] : memref<156160x8xf32, #tpu.memory_space<hbm>> -> memref<128x8xf32, #tpu.memory_space<hbm>>
          tpu.wait_dma2 semaphore(%arg35 : memref<!tpu.dma_semaphore, #tpu.memory_space<semaphore_mem>>) src(%arg11 : memref<128x8xf32, #tpu.memory_space<vmem>>) dst(%dma_wait3A_444 : memref<128x8xf32, #tpu.memory_space<hbm>>)
          %dma_wait3A_445 = arith.constant 0 : i32
          %dma_wait3A_446 = tpu.memref_slice %arg7[%add3A_440, %dma_wait3A_445] : memref<156160x8xf32, #tpu.memory_space<hbm>> -> memref<128x8xf32, #tpu.memory_space<hbm>>
          %dma_wait3A_447 = arith.constant 0 : i32
          %dma_wait3A_448 = tpu.memref_slice %arg7[%add3A_440, %dma_wait3A_447] : memref<156160x8xf32, #tpu.memory_space<hbm>> -> memref<128x8xf32, #tpu.memory_space<hbm>>
          tpu.wait_dma2 semaphore(%arg41 : memref<!tpu.dma_semaphore, #tpu.memory_space<semaphore_mem>>) src(%arg17 : memref<128x8xf32, #tpu.memory_space<vmem>>) dst(%dma_wait3A_448 : memref<128x8xf32, #tpu.memory_space<hbm>>)
        } else {
        }
        %mul3A_425 = arith.constant 128 : i32
        %mul3A_426 = arith.muli %add3A_347, %mul3A_425 : i32
        %mul3A_427 = arith.constant 128 : i32
        %mul3A_428 = arith.muli %add3A_347, %mul3A_427 : i32
        %dma_start3A_429 = tpu.memref_slice %arg8[%mul3A_426] : memref<4880xi32, #tpu.memory_space<vmem>> -> memref<128xi32, #tpu.memory_space<vmem>>
        %dma_start3A_430 = arith.constant 0 : i32
        %dma_start3A_431 = arith.constant 0 : i32
        %dma_start3A_432 = tpu.memref_slice %arg2[%dma_start3A_430, %dma_start3A_431] : memref<10000x8xf32, #tpu.memory_space<hbm>> -> memref<10000x8xf32, #tpu.memory_space<hbm>>
        tpu.enqueue_indirect_dma source(%dma_start3A_432 : memref<10000x8xf32, #tpu.memory_space<hbm>>) target(%arg11 : memref<128x8xf32, #tpu.memory_space<vmem>>) offsets(%dma_start3A_429 : memref<128xi32, #tpu.memory_space<vmem>>) semaphore(%arg23 : memref<!tpu.dma_semaphore, #tpu.memory_space<semaphore_mem>>)
        %dma_start3A_433 = tpu.memref_slice %arg9[%mul3A_428] : memref<4880xi32, #tpu.memory_space<vmem>> -> memref<128xi32, #tpu.memory_space<vmem>>
        %dma_start3A_434 = arith.constant 0 : i32
        %dma_start3A_435 = arith.constant 0 : i32
        %dma_start3A_436 = tpu.memref_slice %arg3[%dma_start3A_434, %dma_start3A_435] : memref<10000x8xf32, #tpu.memory_space<hbm>> -> memref<10000x8xf32, #tpu.memory_space<hbm>>
        tpu.enqueue_indirect_dma source(%dma_start3A_436 : memref<10000x8xf32, #tpu.memory_space<hbm>>) target(%arg17 : memref<128x8xf32, #tpu.memory_space<vmem>>) offsets(%dma_start3A_433 : memref<128xi32, #tpu.memory_space<vmem>>) semaphore(%arg29 : memref<!tpu.dma_semaphore, #tpu.memory_space<semaphore_mem>>)
      } else {
      }
      %mul3A_353 = arith.constant 6 : i32
      %mul3A_354 = arith.muli %scan3A_219, %mul3A_353 : i32
      %add3A_355 = arith.constant 4 : i32
      %add3A_356 = arith.addi %mul3A_354, %add3A_355 : i32
      %mul3A_357 = arith.constant 128 : i32
      %mul3A_358 = arith.muli %add3A_356, %mul3A_357 : i32
      %mul3A_359 = arith.constant 128 : i32
      %mul3A_360 = arith.muli %add3A_356, %mul3A_359 : i32
      %dma_wait3A_361 = tpu.memref_slice %arg8[%mul3A_358] : memref<4880xi32, #tpu.memory_space<vmem>> -> memref<128xi32, #tpu.memory_space<vmem>>
      %dma_wait3A_362 = arith.constant 0 : i32
      %dma_wait3A_363 = arith.constant 0 : i32
      %dma_wait3A_364 = tpu.memref_slice %arg2[%dma_wait3A_362, %dma_wait3A_363] : memref<10000x8xf32, #tpu.memory_space<hbm>> -> memref<10000x8xf32, #tpu.memory_space<hbm>>
      tpu.wait_indirect_dma semaphore(%arg26 : memref<!tpu.dma_semaphore, #tpu.memory_space<semaphore_mem>>) src(%dma_wait3A_364 : memref<10000x8xf32, #tpu.memory_space<hbm>>) dst(%arg14 : memref<128x8xf32, #tpu.memory_space<vmem>>)
      %dma_wait3A_365 = tpu.memref_slice %arg9[%mul3A_360] : memref<4880xi32, #tpu.memory_space<vmem>> -> memref<128xi32, #tpu.memory_space<vmem>>
      %dma_wait3A_366 = arith.constant 0 : i32
      %dma_wait3A_367 = arith.constant 0 : i32
      %dma_wait3A_368 = tpu.memref_slice %arg3[%dma_wait3A_366, %dma_wait3A_367] : memref<10000x8xf32, #tpu.memory_space<hbm>> -> memref<10000x8xf32, #tpu.memory_space<hbm>>
      tpu.wait_indirect_dma semaphore(%arg32 : memref<!tpu.dma_semaphore, #tpu.memory_space<semaphore_mem>>) src(%dma_wait3A_368 : memref<10000x8xf32, #tpu.memory_space<hbm>>) dst(%arg20 : memref<128x8xf32, #tpu.memory_space<vmem>>)
      %mul3A_369 = arith.constant 128 : i32
      %mul3A_370 = arith.muli %add3A_356, %mul3A_369 : i32
      %add3A_371 = arith.addi %mul3A_6, %mul3A_370 : i32
      %dma_start3A_372 = arith.constant 0 : i32
      %dma_start3A_373 = tpu.memref_slice %arg6[%add3A_371, %dma_start3A_372] : memref<156160x8xf32, #tpu.memory_space<hbm>> -> memref<128x8xf32, #tpu.memory_space<hbm>>
      %dma_start3A_374 = arith.constant 0 : i32
      %dma_start3A_375 = tpu.memref_slice %arg6[%add3A_371, %dma_start3A_374] : memref<156160x8xf32, #tpu.memory_space<hbm>> -> memref<128x8xf32, #tpu.memory_space<hbm>>
      tpu.enqueue_dma source(%arg14 : memref<128x8xf32, #tpu.memory_space<vmem>>) target(%dma_start3A_375 : memref<128x8xf32, #tpu.memory_space<hbm>>) target_semaphore(%arg38 : memref<!tpu.dma_semaphore, #tpu.memory_space<semaphore_mem>>)
      %dma_start3A_376 = arith.constant 0 : i32
      %dma_start3A_377 = tpu.memref_slice %arg7[%add3A_371, %dma_start3A_376] : memref<156160x8xf32, #tpu.memory_space<hbm>> -> memref<128x8xf32, #tpu.memory_space<hbm>>
      %dma_start3A_378 = arith.constant 0 : i32
      %dma_start3A_379 = tpu.memref_slice %arg7[%add3A_371, %dma_start3A_378] : memref<156160x8xf32, #tpu.memory_space<hbm>> -> memref<128x8xf32, #tpu.memory_space<hbm>>
      tpu.enqueue_dma source(%arg20 : memref<128x8xf32, #tpu.memory_space<vmem>>) target(%dma_start3A_379 : memref<128x8xf32, #tpu.memory_space<hbm>>) target_semaphore(%arg44 : memref<!tpu.dma_semaphore, #tpu.memory_space<semaphore_mem>>)
      %add3A_380 = arith.constant 4 : i32
      %add3A_381 = arith.addi %add3A_356, %add3A_380 : i32
      %lt3A_382 = arith.constant 38 : i32
      %lt3A_383 = arith.cmpi slt, %add3A_381, %lt3A_382 : i32
      %convert_element_type3A_384 = arith.extui %lt3A_383 : i1 to i32
      %cond3A_385 = arith.constant 0 : i32
      %cond3A_386 = arith.cmpi ne, %convert_element_type3A_384, %cond3A_385 : i32
      scf.if %cond3A_386 {
        %ge3A = arith.constant 2 : i32
        %ge3A_421 = arith.cmpi sge, %add3A_356, %ge3A : i32
        %convert_element_type3A_422 = arith.extui %ge3A_421 : i1 to i32
        %cond3A_423 = arith.constant 0 : i32
        %cond3A_424 = arith.cmpi ne, %convert_element_type3A_422, %cond3A_423 : i32
        scf.if %cond3A_424 {
          %sub3A = arith.constant 2 : i32
          %sub3A_437 = arith.subi %add3A_356, %sub3A : i32
          %mul3A_438 = arith.constant 128 : i32
          %mul3A_439 = arith.muli %sub3A_437, %mul3A_438 : i32
          %add3A_440 = arith.addi %mul3A_6, %mul3A_439 : i32
          %dma_wait3A_441 = arith.constant 0 : i32
          %dma_wait3A_442 = tpu.memref_slice %arg6[%add3A_440, %dma_wait3A_441] : memref<156160x8xf32, #tpu.memory_space<hbm>> -> memref<128x8xf32, #tpu.memory_space<hbm>>
          %dma_wait3A_443 = arith.constant 0 : i32
          %dma_wait3A_444 = tpu.memref_slice %arg6[%add3A_440, %dma_wait3A_443] : memref<156160x8xf32, #tpu.memory_space<hbm>> -> memref<128x8xf32, #tpu.memory_space<hbm>>
          tpu.wait_dma2 semaphore(%arg36 : memref<!tpu.dma_semaphore, #tpu.memory_space<semaphore_mem>>) src(%arg12 : memref<128x8xf32, #tpu.memory_space<vmem>>) dst(%dma_wait3A_444 : memref<128x8xf32, #tpu.memory_space<hbm>>)
          %dma_wait3A_445 = arith.constant 0 : i32
          %dma_wait3A_446 = tpu.memref_slice %arg7[%add3A_440, %dma_wait3A_445] : memref<156160x8xf32, #tpu.memory_space<hbm>> -> memref<128x8xf32, #tpu.memory_space<hbm>>
          %dma_wait3A_447 = arith.constant 0 : i32
          %dma_wait3A_448 = tpu.memref_slice %arg7[%add3A_440, %dma_wait3A_447] : memref<156160x8xf32, #tpu.memory_space<hbm>> -> memref<128x8xf32, #tpu.memory_space<hbm>>
          tpu.wait_dma2 semaphore(%arg42 : memref<!tpu.dma_semaphore, #tpu.memory_space<semaphore_mem>>) src(%arg18 : memref<128x8xf32, #tpu.memory_space<vmem>>) dst(%dma_wait3A_448 : memref<128x8xf32, #tpu.memory_space<hbm>>)
        } else {
        }
        %mul3A_425 = arith.constant 128 : i32
        %mul3A_426 = arith.muli %add3A_381, %mul3A_425 : i32
        %mul3A_427 = arith.constant 128 : i32
        %mul3A_428 = arith.muli %add3A_381, %mul3A_427 : i32
        %dma_start3A_429 = tpu.memref_slice %arg8[%mul3A_426] : memref<4880xi32, #tpu.memory_space<vmem>> -> memref<128xi32, #tpu.memory_space<vmem>>
        %dma_start3A_430 = arith.constant 0 : i32
        %dma_start3A_431 = arith.constant 0 : i32
        %dma_start3A_432 = tpu.memref_slice %arg2[%dma_start3A_430, %dma_start3A_431] : memref<10000x8xf32, #tpu.memory_space<hbm>> -> memref<10000x8xf32, #tpu.memory_space<hbm>>
        tpu.enqueue_indirect_dma source(%dma_start3A_432 : memref<10000x8xf32, #tpu.memory_space<hbm>>) target(%arg12 : memref<128x8xf32, #tpu.memory_space<vmem>>) offsets(%dma_start3A_429 : memref<128xi32, #tpu.memory_space<vmem>>) semaphore(%arg24 : memref<!tpu.dma_semaphore, #tpu.memory_space<semaphore_mem>>)
        %dma_start3A_433 = tpu.memref_slice %arg9[%mul3A_428] : memref<4880xi32, #tpu.memory_space<vmem>> -> memref<128xi32, #tpu.memory_space<vmem>>
        %dma_start3A_434 = arith.constant 0 : i32
        %dma_start3A_435 = arith.constant 0 : i32
        %dma_start3A_436 = tpu.memref_slice %arg3[%dma_start3A_434, %dma_start3A_435] : memref<10000x8xf32, #tpu.memory_space<hbm>> -> memref<10000x8xf32, #tpu.memory_space<hbm>>
        tpu.enqueue_indirect_dma source(%dma_start3A_436 : memref<10000x8xf32, #tpu.memory_space<hbm>>) target(%arg18 : memref<128x8xf32, #tpu.memory_space<vmem>>) offsets(%dma_start3A_433 : memref<128xi32, #tpu.memory_space<vmem>>) semaphore(%arg30 : memref<!tpu.dma_semaphore, #tpu.memory_space<semaphore_mem>>)
      } else {
      }
      %mul3A_387 = arith.constant 6 : i32
      %mul3A_388 = arith.muli %scan3A_219, %mul3A_387 : i32
      %add3A_389 = arith.constant 5 : i32
      %add3A_390 = arith.addi %mul3A_388, %add3A_389 : i32
      %mul3A_391 = arith.constant 128 : i32
      %mul3A_392 = arith.muli %add3A_390, %mul3A_391 : i32
      %mul3A_393 = arith.constant 128 : i32
      %mul3A_394 = arith.muli %add3A_390, %mul3A_393 : i32
      %dma_wait3A_395 = tpu.memref_slice %arg8[%mul3A_392] : memref<4880xi32, #tpu.memory_space<vmem>> -> memref<128xi32, #tpu.memory_space<vmem>>
      %dma_wait3A_396 = arith.constant 0 : i32
      %dma_wait3A_397 = arith.constant 0 : i32
      %dma_wait3A_398 = tpu.memref_slice %arg2[%dma_wait3A_396, %dma_wait3A_397] : memref<10000x8xf32, #tpu.memory_space<hbm>> -> memref<10000x8xf32, #tpu.memory_space<hbm>>
      tpu.wait_indirect_dma semaphore(%arg27 : memref<!tpu.dma_semaphore, #tpu.memory_space<semaphore_mem>>) src(%dma_wait3A_398 : memref<10000x8xf32, #tpu.memory_space<hbm>>) dst(%arg15 : memref<128x8xf32, #tpu.memory_space<vmem>>)
      %dma_wait3A_399 = tpu.memref_slice %arg9[%mul3A_394] : memref<4880xi32, #tpu.memory_space<vmem>> -> memref<128xi32, #tpu.memory_space<vmem>>
      %dma_wait3A_400 = arith.constant 0 : i32
      %dma_wait3A_401 = arith.constant 0 : i32
      %dma_wait3A_402 = tpu.memref_slice %arg3[%dma_wait3A_400, %dma_wait3A_401] : memref<10000x8xf32, #tpu.memory_space<hbm>> -> memref<10000x8xf32, #tpu.memory_space<hbm>>
      tpu.wait_indirect_dma semaphore(%arg33 : memref<!tpu.dma_semaphore, #tpu.memory_space<semaphore_mem>>) src(%dma_wait3A_402 : memref<10000x8xf32, #tpu.memory_space<hbm>>) dst(%arg21 : memref<128x8xf32, #tpu.memory_space<vmem>>)
      %mul3A_403 = arith.constant 128 : i32
      %mul3A_404 = arith.muli %add3A_390, %mul3A_403 : i32
      %add3A_405 = arith.addi %mul3A_6, %mul3A_404 : i32
      %dma_start3A_406 = arith.constant 0 : i32
      %dma_start3A_407 = tpu.memref_slice %arg6[%add3A_405, %dma_start3A_406] : memref<156160x8xf32, #tpu.memory_space<hbm>> -> memref<128x8xf32, #tpu.memory_space<hbm>>
      %dma_start3A_408 = arith.constant 0 : i32
      %dma_start3A_409 = tpu.memref_slice %arg6[%add3A_405, %dma_start3A_408] : memref<156160x8xf32, #tpu.memory_space<hbm>> -> memref<128x8xf32, #tpu.memory_space<hbm>>
      tpu.enqueue_dma source(%arg15 : memref<128x8xf32, #tpu.memory_space<vmem>>) target(%dma_start3A_409 : memref<128x8xf32, #tpu.memory_space<hbm>>) target_semaphore(%arg39 : memref<!tpu.dma_semaphore, #tpu.memory_space<semaphore_mem>>)
      %dma_start3A_410 = arith.constant 0 : i32
      %dma_start3A_411 = tpu.memref_slice %arg7[%add3A_405, %dma_start3A_410] : memref<156160x8xf32, #tpu.memory_space<hbm>> -> memref<128x8xf32, #tpu.memory_space<hbm>>
      %dma_start3A_412 = arith.constant 0 : i32
      %dma_start3A_413 = tpu.memref_slice %arg7[%add3A_405, %dma_start3A_412] : memref<156160x8xf32, #tpu.memory_space<hbm>> -> memref<128x8xf32, #tpu.memory_space<hbm>>
      tpu.enqueue_dma source(%arg21 : memref<128x8xf32, #tpu.memory_space<vmem>>) target(%dma_start3A_413 : memref<128x8xf32, #tpu.memory_space<hbm>>) target_semaphore(%arg45 : memref<!tpu.dma_semaphore, #tpu.memory_space<semaphore_mem>>)
      %add3A_414 = arith.constant 4 : i32
      %add3A_415 = arith.addi %add3A_390, %add3A_414 : i32
      %lt3A_416 = arith.constant 38 : i32
      %lt3A_417 = arith.cmpi slt, %add3A_415, %lt3A_416 : i32
      %convert_element_type3A_418 = arith.extui %lt3A_417 : i1 to i32
      %cond3A_419 = arith.constant 0 : i32
      %cond3A_420 = arith.cmpi ne, %convert_element_type3A_418, %cond3A_419 : i32
      scf.if %cond3A_420 {
        %ge3A = arith.constant 2 : i32
        %ge3A_421 = arith.cmpi sge, %add3A_390, %ge3A : i32
        %convert_element_type3A_422 = arith.extui %ge3A_421 : i1 to i32
        %cond3A_423 = arith.constant 0 : i32
        %cond3A_424 = arith.cmpi ne, %convert_element_type3A_422, %cond3A_423 : i32
        scf.if %cond3A_424 {
          %sub3A = arith.constant 2 : i32
          %sub3A_437 = arith.subi %add3A_390, %sub3A : i32
          %mul3A_438 = arith.constant 128 : i32
          %mul3A_439 = arith.muli %sub3A_437, %mul3A_438 : i32
          %add3A_440 = arith.addi %mul3A_6, %mul3A_439 : i32
          %dma_wait3A_441 = arith.constant 0 : i32
          %dma_wait3A_442 = tpu.memref_slice %arg6[%add3A_440, %dma_wait3A_441] : memref<156160x8xf32, #tpu.memory_space<hbm>> -> memref<128x8xf32, #tpu.memory_space<hbm>>
          %dma_wait3A_443 = arith.constant 0 : i32
          %dma_wait3A_444 = tpu.memref_slice %arg6[%add3A_440, %dma_wait3A_443] : memref<156160x8xf32, #tpu.memory_space<hbm>> -> memref<128x8xf32, #tpu.memory_space<hbm>>
          tpu.wait_dma2 semaphore(%arg37 : memref<!tpu.dma_semaphore, #tpu.memory_space<semaphore_mem>>) src(%arg13 : memref<128x8xf32, #tpu.memory_space<vmem>>) dst(%dma_wait3A_444 : memref<128x8xf32, #tpu.memory_space<hbm>>)
          %dma_wait3A_445 = arith.constant 0 : i32
          %dma_wait3A_446 = tpu.memref_slice %arg7[%add3A_440, %dma_wait3A_445] : memref<156160x8xf32, #tpu.memory_space<hbm>> -> memref<128x8xf32, #tpu.memory_space<hbm>>
          %dma_wait3A_447 = arith.constant 0 : i32
          %dma_wait3A_448 = tpu.memref_slice %arg7[%add3A_440, %dma_wait3A_447] : memref<156160x8xf32, #tpu.memory_space<hbm>> -> memref<128x8xf32, #tpu.memory_space<hbm>>
          tpu.wait_dma2 semaphore(%arg43 : memref<!tpu.dma_semaphore, #tpu.memory_space<semaphore_mem>>) src(%arg19 : memref<128x8xf32, #tpu.memory_space<vmem>>) dst(%dma_wait3A_448 : memref<128x8xf32, #tpu.memory_space<hbm>>)
        } else {
        }
        %mul3A_425 = arith.constant 128 : i32
        %mul3A_426 = arith.muli %add3A_415, %mul3A_425 : i32
        %mul3A_427 = arith.constant 128 : i32
        %mul3A_428 = arith.muli %add3A_415, %mul3A_427 : i32
        %dma_start3A_429 = tpu.memref_slice %arg8[%mul3A_426] : memref<4880xi32, #tpu.memory_space<vmem>> -> memref<128xi32, #tpu.memory_space<vmem>>
        %dma_start3A_430 = arith.constant 0 : i32
        %dma_start3A_431 = arith.constant 0 : i32
        %dma_start3A_432 = tpu.memref_slice %arg2[%dma_start3A_430, %dma_start3A_431] : memref<10000x8xf32, #tpu.memory_space<hbm>> -> memref<10000x8xf32, #tpu.memory_space<hbm>>
        tpu.enqueue_indirect_dma source(%dma_start3A_432 : memref<10000x8xf32, #tpu.memory_space<hbm>>) target(%arg13 : memref<128x8xf32, #tpu.memory_space<vmem>>) offsets(%dma_start3A_429 : memref<128xi32, #tpu.memory_space<vmem>>) semaphore(%arg25 : memref<!tpu.dma_semaphore, #tpu.memory_space<semaphore_mem>>)
        %dma_start3A_433 = tpu.memref_slice %arg9[%mul3A_428] : memref<4880xi32, #tpu.memory_space<vmem>> -> memref<128xi32, #tpu.memory_space<vmem>>
        %dma_start3A_434 = arith.constant 0 : i32
        %dma_start3A_435 = arith.constant 0 : i32
        %dma_start3A_436 = tpu.memref_slice %arg3[%dma_start3A_434, %dma_start3A_435] : memref<10000x8xf32, #tpu.memory_space<hbm>> -> memref<10000x8xf32, #tpu.memory_space<hbm>>
        tpu.enqueue_indirect_dma source(%dma_start3A_436 : memref<10000x8xf32, #tpu.memory_space<hbm>>) target(%arg19 : memref<128x8xf32, #tpu.memory_space<vmem>>) offsets(%dma_start3A_433 : memref<128xi32, #tpu.memory_space<vmem>>) semaphore(%arg31 : memref<!tpu.dma_semaphore, #tpu.memory_space<semaphore_mem>>)
      } else {
      }
    }
    %scan3A_72 = arith.constant 6 : i32
    %dma_wait3A_73 = arith.constant 4608 : i32
    %dma_wait3A_74 = tpu.memref_slice %arg8[%dma_wait3A_73] : memref<4880xi32, #tpu.memory_space<vmem>> -> memref<128xi32, #tpu.memory_space<vmem>>
    %dma_wait3A_75 = arith.constant 0 : i32
    %dma_wait3A_76 = arith.constant 0 : i32
    %dma_wait3A_77 = tpu.memref_slice %arg2[%dma_wait3A_75, %dma_wait3A_76] : memref<10000x8xf32, #tpu.memory_space<hbm>> -> memref<10000x8xf32, #tpu.memory_space<hbm>>
    tpu.wait_indirect_dma semaphore(%arg22 : memref<!tpu.dma_semaphore, #tpu.memory_space<semaphore_mem>>) src(%dma_wait3A_77 : memref<10000x8xf32, #tpu.memory_space<hbm>>) dst(%arg10 : memref<128x8xf32, #tpu.memory_space<vmem>>)
    %dma_wait3A_78 = arith.constant 4608 : i32
    %dma_wait3A_79 = tpu.memref_slice %arg9[%dma_wait3A_78] : memref<4880xi32, #tpu.memory_space<vmem>> -> memref<128xi32, #tpu.memory_space<vmem>>
    %dma_wait3A_80 = arith.constant 0 : i32
    %dma_wait3A_81 = arith.constant 0 : i32
    %dma_wait3A_82 = tpu.memref_slice %arg3[%dma_wait3A_80, %dma_wait3A_81] : memref<10000x8xf32, #tpu.memory_space<hbm>> -> memref<10000x8xf32, #tpu.memory_space<hbm>>
    tpu.wait_indirect_dma semaphore(%arg28 : memref<!tpu.dma_semaphore, #tpu.memory_space<semaphore_mem>>) src(%dma_wait3A_82 : memref<10000x8xf32, #tpu.memory_space<hbm>>) dst(%arg16 : memref<128x8xf32, #tpu.memory_space<vmem>>)
    %add3A_83 = arith.constant 4608 : i32
    %add3A_84 = arith.addi %mul3A_6, %add3A_83 : i32
    %dma_start3A_85 = arith.constant 0 : i32
    %dma_start3A_86 = tpu.memref_slice %arg6[%add3A_84, %dma_start3A_85] : memref<156160x8xf32, #tpu.memory_space<hbm>> -> memref<128x8xf32, #tpu.memory_space<hbm>>
    %dma_start3A_87 = arith.constant 0 : i32
    %dma_start3A_88 = tpu.memref_slice %arg6[%add3A_84, %dma_start3A_87] : memref<156160x8xf32, #tpu.memory_space<hbm>> -> memref<128x8xf32, #tpu.memory_space<hbm>>
    tpu.enqueue_dma source(%arg10 : memref<128x8xf32, #tpu.memory_space<vmem>>) target(%dma_start3A_88 : memref<128x8xf32, #tpu.memory_space<hbm>>) target_semaphore(%arg34 : memref<!tpu.dma_semaphore, #tpu.memory_space<semaphore_mem>>)
    %dma_start3A_89 = arith.constant 0 : i32
    %dma_start3A_90 = tpu.memref_slice %arg7[%add3A_84, %dma_start3A_89] : memref<156160x8xf32, #tpu.memory_space<hbm>> -> memref<128x8xf32, #tpu.memory_space<hbm>>
    %dma_start3A_91 = arith.constant 0 : i32
    %dma_start3A_92 = tpu.memref_slice %arg7[%add3A_84, %dma_start3A_91] : memref<156160x8xf32, #tpu.memory_space<hbm>> -> memref<128x8xf32, #tpu.memory_space<hbm>>
    tpu.enqueue_dma source(%arg16 : memref<128x8xf32, #tpu.memory_space<vmem>>) target(%dma_start3A_92 : memref<128x8xf32, #tpu.memory_space<hbm>>) target_semaphore(%arg40 : memref<!tpu.dma_semaphore, #tpu.memory_space<semaphore_mem>>)
    %dma_wait3A_93 = arith.constant 4736 : i32
    %dma_wait3A_94 = tpu.memref_slice %arg8[%dma_wait3A_93] : memref<4880xi32, #tpu.memory_space<vmem>> -> memref<128xi32, #tpu.memory_space<vmem>>
    %dma_wait3A_95 = arith.constant 0 : i32
    %dma_wait3A_96 = arith.constant 0 : i32
    %dma_wait3A_97 = tpu.memref_slice %arg2[%dma_wait3A_95, %dma_wait3A_96] : memref<10000x8xf32, #tpu.memory_space<hbm>> -> memref<10000x8xf32, #tpu.memory_space<hbm>>
    tpu.wait_indirect_dma semaphore(%arg23 : memref<!tpu.dma_semaphore, #tpu.memory_space<semaphore_mem>>) src(%dma_wait3A_97 : memref<10000x8xf32, #tpu.memory_space<hbm>>) dst(%arg11 : memref<128x8xf32, #tpu.memory_space<vmem>>)
    %dma_wait3A_98 = arith.constant 4736 : i32
    %dma_wait3A_99 = tpu.memref_slice %arg9[%dma_wait3A_98] : memref<4880xi32, #tpu.memory_space<vmem>> -> memref<128xi32, #tpu.memory_space<vmem>>
    %dma_wait3A_100 = arith.constant 0 : i32
    %dma_wait3A_101 = arith.constant 0 : i32
    %dma_wait3A_102 = tpu.memref_slice %arg3[%dma_wait3A_100, %dma_wait3A_101] : memref<10000x8xf32, #tpu.memory_space<hbm>> -> memref<10000x8xf32, #tpu.memory_space<hbm>>
    tpu.wait_indirect_dma semaphore(%arg29 : memref<!tpu.dma_semaphore, #tpu.memory_space<semaphore_mem>>) src(%dma_wait3A_102 : memref<10000x8xf32, #tpu.memory_space<hbm>>) dst(%arg17 : memref<128x8xf32, #tpu.memory_space<vmem>>)
    %add3A_103 = arith.constant 4736 : i32
    %add3A_104 = arith.addi %mul3A_6, %add3A_103 : i32
    %dma_start3A_105 = arith.constant 0 : i32
    %dma_start3A_106 = tpu.memref_slice %arg6[%add3A_104, %dma_start3A_105] : memref<156160x8xf32, #tpu.memory_space<hbm>> -> memref<128x8xf32, #tpu.memory_space<hbm>>
    %dma_start3A_107 = arith.constant 0 : i32
    %dma_start3A_108 = tpu.memref_slice %arg6[%add3A_104, %dma_start3A_107] : memref<156160x8xf32, #tpu.memory_space<hbm>> -> memref<128x8xf32, #tpu.memory_space<hbm>>
    tpu.enqueue_dma source(%arg11 : memref<128x8xf32, #tpu.memory_space<vmem>>) target(%dma_start3A_108 : memref<128x8xf32, #tpu.memory_space<hbm>>) target_semaphore(%arg35 : memref<!tpu.dma_semaphore, #tpu.memory_space<semaphore_mem>>)
    %dma_start3A_109 = arith.constant 0 : i32
    %dma_start3A_110 = tpu.memref_slice %arg7[%add3A_104, %dma_start3A_109] : memref<156160x8xf32, #tpu.memory_space<hbm>> -> memref<128x8xf32, #tpu.memory_space<hbm>>
    %dma_start3A_111 = arith.constant 0 : i32
    %dma_start3A_112 = tpu.memref_slice %arg7[%add3A_104, %dma_start3A_111] : memref<156160x8xf32, #tpu.memory_space<hbm>> -> memref<128x8xf32, #tpu.memory_space<hbm>>
    tpu.enqueue_dma source(%arg17 : memref<128x8xf32, #tpu.memory_space<vmem>>) target(%dma_start3A_112 : memref<128x8xf32, #tpu.memory_space<hbm>>) target_semaphore(%arg41 : memref<!tpu.dma_semaphore, #tpu.memory_space<semaphore_mem>>)
    %mul3A_113 = arith.constant 32 : i32
    %mul3A_114 = arith.constant 128 : i32
    %mul3A_115 = arith.muli %mul3A_113, %mul3A_114 : i32
    %add3A_116 = arith.addi %mul3A_6, %mul3A_115 : i32
    %dma_wait3A_117 = arith.constant 0 : i32
    %dma_wait3A_118 = tpu.memref_slice %arg6[%add3A_116, %dma_wait3A_117] : memref<156160x8xf32, #tpu.memory_space<hbm>> -> memref<128x8xf32, #tpu.memory_space<hbm>>
    %dma_wait3A_119 = arith.constant 0 : i32
    %dma_wait3A_120 = tpu.memref_slice %arg6[%add3A_116, %dma_wait3A_119] : memref<156160x8xf32, #tpu.memory_space<hbm>> -> memref<128x8xf32, #tpu.memory_space<hbm>>
    tpu.wait_dma2 semaphore(%arg36 : memref<!tpu.dma_semaphore, #tpu.memory_space<semaphore_mem>>) src(%arg12 : memref<128x8xf32, #tpu.memory_space<vmem>>) dst(%dma_wait3A_120 : memref<128x8xf32, #tpu.memory_space<hbm>>)
    %dma_wait3A_121 = arith.constant 0 : i32
    %dma_wait3A_122 = tpu.memref_slice %arg7[%add3A_116, %dma_wait3A_121] : memref<156160x8xf32, #tpu.memory_space<hbm>> -> memref<128x8xf32, #tpu.memory_space<hbm>>
    %dma_wait3A_123 = arith.constant 0 : i32
    %dma_wait3A_124 = tpu.memref_slice %arg7[%add3A_116, %dma_wait3A_123] : memref<156160x8xf32, #tpu.memory_space<hbm>> -> memref<128x8xf32, #tpu.memory_space<hbm>>
    tpu.wait_dma2 semaphore(%arg42 : memref<!tpu.dma_semaphore, #tpu.memory_space<semaphore_mem>>) src(%arg18 : memref<128x8xf32, #tpu.memory_space<vmem>>) dst(%dma_wait3A_124 : memref<128x8xf32, #tpu.memory_space<hbm>>)
    %mul3A_125 = arith.constant 33 : i32
    %mul3A_126 = arith.constant 128 : i32
    %mul3A_127 = arith.muli %mul3A_125, %mul3A_126 : i32
    %add3A_128 = arith.addi %mul3A_6, %mul3A_127 : i32
    %dma_wait3A_129 = arith.constant 0 : i32
    %dma_wait3A_130 = tpu.memref_slice %arg6[%add3A_128, %dma_wait3A_129] : memref<156160x8xf32, #tpu.memory_space<hbm>> -> memref<128x8xf32, #tpu.memory_space<hbm>>
    %dma_wait3A_131 = arith.constant 0 : i32
    %dma_wait3A_132 = tpu.memref_slice %arg6[%add3A_128, %dma_wait3A_131] : memref<156160x8xf32, #tpu.memory_space<hbm>> -> memref<128x8xf32, #tpu.memory_space<hbm>>
    tpu.wait_dma2 semaphore(%arg37 : memref<!tpu.dma_semaphore, #tpu.memory_space<semaphore_mem>>) src(%arg13 : memref<128x8xf32, #tpu.memory_space<vmem>>) dst(%dma_wait3A_132 : memref<128x8xf32, #tpu.memory_space<hbm>>)
    %dma_wait3A_133 = arith.constant 0 : i32
    %dma_wait3A_134 = tpu.memref_slice %arg7[%add3A_128, %dma_wait3A_133] : memref<156160x8xf32, #tpu.memory_space<hbm>> -> memref<128x8xf32, #tpu.memory_space<hbm>>
    %dma_wait3A_135 = arith.constant 0 : i32
    %dma_wait3A_136 = tpu.memref_slice %arg7[%add3A_128, %dma_wait3A_135] : memref<156160x8xf32, #tpu.memory_space<hbm>> -> memref<128x8xf32, #tpu.memory_space<hbm>>
    tpu.wait_dma2 semaphore(%arg43 : memref<!tpu.dma_semaphore, #tpu.memory_space<semaphore_mem>>) src(%arg19 : memref<128x8xf32, #tpu.memory_space<vmem>>) dst(%dma_wait3A_136 : memref<128x8xf32, #tpu.memory_space<hbm>>)
    %mul3A_137 = arith.constant 34 : i32
    %mul3A_138 = arith.constant 128 : i32
    %mul3A_139 = arith.muli %mul3A_137, %mul3A_138 : i32
    %add3A_140 = arith.addi %mul3A_6, %mul3A_139 : i32
    %dma_wait3A_141 = arith.constant 0 : i32
    %dma_wait3A_142 = tpu.memref_slice %arg6[%add3A_140, %dma_wait3A_141] : memref<156160x8xf32, #tpu.memory_space<hbm>> -> memref<128x8xf32, #tpu.memory_space<hbm>>
    %dma_wait3A_143 = arith.constant 0 : i32
    %dma_wait3A_144 = tpu.memref_slice %arg6[%add3A_140, %dma_wait3A_143] : memref<156160x8xf32, #tpu.memory_space<hbm>> -> memref<128x8xf32, #tpu.memory_space<hbm>>
    tpu.wait_dma2 semaphore(%arg38 : memref<!tpu.dma_semaphore, #tpu.memory_space<semaphore_mem>>) src(%arg14 : memref<128x8xf32, #tpu.memory_space<vmem>>) dst(%dma_wait3A_144 : memref<128x8xf32, #tpu.memory_space<hbm>>)
    %dma_wait3A_145 = arith.constant 0 : i32
    %dma_wait3A_146 = tpu.memref_slice %arg7[%add3A_140, %dma_wait3A_145] : memref<156160x8xf32, #tpu.memory_space<hbm>> -> memref<128x8xf32, #tpu.memory_space<hbm>>
    %dma_wait3A_147 = arith.constant 0 : i32
    %dma_wait3A_148 = tpu.memref_slice %arg7[%add3A_140, %dma_wait3A_147] : memref<156160x8xf32, #tpu.memory_space<hbm>> -> memref<128x8xf32, #tpu.memory_space<hbm>>
    tpu.wait_dma2 semaphore(%arg44 : memref<!tpu.dma_semaphore, #tpu.memory_space<semaphore_mem>>) src(%arg20 : memref<128x8xf32, #tpu.memory_space<vmem>>) dst(%dma_wait3A_148 : memref<128x8xf32, #tpu.memory_space<hbm>>)
    %mul3A_149 = arith.constant 35 : i32
    %mul3A_150 = arith.constant 128 : i32
    %mul3A_151 = arith.muli %mul3A_149, %mul3A_150 : i32
    %add3A_152 = arith.addi %mul3A_6, %mul3A_151 : i32
    %dma_wait3A_153 = arith.constant 0 : i32
    %dma_wait3A_154 = tpu.memref_slice %arg6[%add3A_152, %dma_wait3A_153] : memref<156160x8xf32, #tpu.memory_space<hbm>> -> memref<128x8xf32, #tpu.memory_space<hbm>>
    %dma_wait3A_155 = arith.constant 0 : i32
    %dma_wait3A_156 = tpu.memref_slice %arg6[%add3A_152, %dma_wait3A_155] : memref<156160x8xf32, #tpu.memory_space<hbm>> -> memref<128x8xf32, #tpu.memory_space<hbm>>
    tpu.wait_dma2 semaphore(%arg39 : memref<!tpu.dma_semaphore, #tpu.memory_space<semaphore_mem>>) src(%arg15 : memref<128x8xf32, #tpu.memory_space<vmem>>) dst(%dma_wait3A_156 : memref<128x8xf32, #tpu.memory_space<hbm>>)
    %dma_wait3A_157 = arith.constant 0 : i32
    %dma_wait3A_158 = tpu.memref_slice %arg7[%add3A_152, %dma_wait3A_157] : memref<156160x8xf32, #tpu.memory_space<hbm>> -> memref<128x8xf32, #tpu.memory_space<hbm>>
    %dma_wait3A_159 = arith.constant 0 : i32
    %dma_wait3A_160 = tpu.memref_slice %arg7[%add3A_152, %dma_wait3A_159] : memref<156160x8xf32, #tpu.memory_space<hbm>> -> memref<128x8xf32, #tpu.memory_space<hbm>>
    tpu.wait_dma2 semaphore(%arg45 : memref<!tpu.dma_semaphore, #tpu.memory_space<semaphore_mem>>) src(%arg21 : memref<128x8xf32, #tpu.memory_space<vmem>>) dst(%dma_wait3A_160 : memref<128x8xf32, #tpu.memory_space<hbm>>)
    %mul3A_161 = arith.constant 36 : i32
    %mul3A_162 = arith.constant 128 : i32
    %mul3A_163 = arith.muli %mul3A_161, %mul3A_162 : i32
    %add3A_164 = arith.addi %mul3A_6, %mul3A_163 : i32
    %dma_wait3A_165 = arith.constant 0 : i32
    %dma_wait3A_166 = tpu.memref_slice %arg6[%add3A_164, %dma_wait3A_165] : memref<156160x8xf32, #tpu.memory_space<hbm>> -> memref<128x8xf32, #tpu.memory_space<hbm>>
    %dma_wait3A_167 = arith.constant 0 : i32
    %dma_wait3A_168 = tpu.memref_slice %arg6[%add3A_164, %dma_wait3A_167] : memref<156160x8xf32, #tpu.memory_space<hbm>> -> memref<128x8xf32, #tpu.memory_space<hbm>>
    tpu.wait_dma2 semaphore(%arg34 : memref<!tpu.dma_semaphore, #tpu.memory_space<semaphore_mem>>) src(%arg10 : memref<128x8xf32, #tpu.memory_space<vmem>>) dst(%dma_wait3A_168 : memref<128x8xf32, #tpu.memory_space<hbm>>)
    %dma_wait3A_169 = arith.constant 0 : i32
    %dma_wait3A_170 = tpu.memref_slice %arg7[%add3A_164, %dma_wait3A_169] : memref<156160x8xf32, #tpu.memory_space<hbm>> -> memref<128x8xf32, #tpu.memory_space<hbm>>
    %dma_wait3A_171 = arith.constant 0 : i32
    %dma_wait3A_172 = tpu.memref_slice %arg7[%add3A_164, %dma_wait3A_171] : memref<156160x8xf32, #tpu.memory_space<hbm>> -> memref<128x8xf32, #tpu.memory_space<hbm>>
    tpu.wait_dma2 semaphore(%arg40 : memref<!tpu.dma_semaphore, #tpu.memory_space<semaphore_mem>>) src(%arg16 : memref<128x8xf32, #tpu.memory_space<vmem>>) dst(%dma_wait3A_172 : memref<128x8xf32, #tpu.memory_space<hbm>>)
    %mul3A_173 = arith.constant 37 : i32
    %mul3A_174 = arith.constant 128 : i32
    %mul3A_175 = arith.muli %mul3A_173, %mul3A_174 : i32
    %add3A_176 = arith.addi %mul3A_6, %mul3A_175 : i32
    %dma_wait3A_177 = arith.constant 0 : i32
    %dma_wait3A_178 = tpu.memref_slice %arg6[%add3A_176, %dma_wait3A_177] : memref<156160x8xf32, #tpu.memory_space<hbm>> -> memref<128x8xf32, #tpu.memory_space<hbm>>
    %dma_wait3A_179 = arith.constant 0 : i32
    %dma_wait3A_180 = tpu.memref_slice %arg6[%add3A_176, %dma_wait3A_179] : memref<156160x8xf32, #tpu.memory_space<hbm>> -> memref<128x8xf32, #tpu.memory_space<hbm>>
    tpu.wait_dma2 semaphore(%arg35 : memref<!tpu.dma_semaphore, #tpu.memory_space<semaphore_mem>>) src(%arg11 : memref<128x8xf32, #tpu.memory_space<vmem>>) dst(%dma_wait3A_180 : memref<128x8xf32, #tpu.memory_space<hbm>>)
    %dma_wait3A_181 = arith.constant 0 : i32
    %dma_wait3A_182 = tpu.memref_slice %arg7[%add3A_176, %dma_wait3A_181] : memref<156160x8xf32, #tpu.memory_space<hbm>> -> memref<128x8xf32, #tpu.memory_space<hbm>>
    %dma_wait3A_183 = arith.constant 0 : i32
    %dma_wait3A_184 = tpu.memref_slice %arg7[%add3A_176, %dma_wait3A_183] : memref<156160x8xf32, #tpu.memory_space<hbm>> -> memref<128x8xf32, #tpu.memory_space<hbm>>
    tpu.wait_dma2 semaphore(%arg41 : memref<!tpu.dma_semaphore, #tpu.memory_space<semaphore_mem>>) src(%arg17 : memref<128x8xf32, #tpu.memory_space<vmem>>) dst(%dma_wait3A_184 : memref<128x8xf32, #tpu.memory_space<hbm>>)
    %add3A_185 = arith.constant 4864 : i32
    %add3A_186 = arith.addi %mul3A_6, %add3A_185 : i32
    %dma_start3A_187 = arith.constant 0 : i32
    %dma_start3A_188 = arith.constant 0 : i32
    %dma_start3A_189 = tpu.memref_slice %arg10[%dma_start3A_187, %dma_start3A_188] : memref<128x8xf32, #tpu.memory_space<vmem>> -> memref<16x8xf32, #tpu.memory_space<vmem>>
    %dma_start3A_190 = arith.constant 4864 : i32
    %dma_start3A_191 = tpu.memref_slice %arg8[%dma_start3A_190] : memref<4880xi32, #tpu.memory_space<vmem>> -> memref<16xi32, #tpu.memory_space<vmem>>
    %dma_start3A_192 = arith.constant 0 : i32
    %dma_start3A_193 = arith.constant 0 : i32
    %dma_start3A_194 = tpu.memref_slice %arg2[%dma_start3A_192, %dma_start3A_193] : memref<10000x8xf32, #tpu.memory_space<hbm>> -> memref<10000x8xf32, #tpu.memory_space<hbm>>
    tpu.enqueue_indirect_dma source(%dma_start3A_194 : memref<10000x8xf32, #tpu.memory_space<hbm>>) target(%dma_start3A_189 : memref<16x8xf32, #tpu.memory_space<vmem>>) offsets(%dma_start3A_191 : memref<16xi32, #tpu.memory_space<vmem>>) semaphore(%arg22 : memref<!tpu.dma_semaphore, #tpu.memory_space<semaphore_mem>>)
    %dma_start3A_195 = arith.constant 0 : i32
    %dma_start3A_196 = arith.constant 0 : i32
    %dma_start3A_197 = tpu.memref_slice %arg16[%dma_start3A_195, %dma_start3A_196] : memref<128x8xf32, #tpu.memory_space<vmem>> -> memref<16x8xf32, #tpu.memory_space<vmem>>
    %dma_start3A_198 = arith.constant 4864 : i32
    %dma_start3A_199 = tpu.memref_slice %arg9[%dma_start3A_198] : memref<4880xi32, #tpu.memory_space<vmem>> -> memref<16xi32, #tpu.memory_space<vmem>>
    %dma_start3A_200 = arith.constant 0 : i32
    %dma_start3A_201 = arith.constant 0 : i32
    %dma_start3A_202 = tpu.memref_slice %arg3[%dma_start3A_200, %dma_start3A_201] : memref<10000x8xf32, #tpu.memory_space<hbm>> -> memref<10000x8xf32, #tpu.memory_space<hbm>>
    tpu.enqueue_indirect_dma source(%dma_start3A_202 : memref<10000x8xf32, #tpu.memory_space<hbm>>) target(%dma_start3A_197 : memref<16x8xf32, #tpu.memory_space<vmem>>) offsets(%dma_start3A_199 : memref<16xi32, #tpu.memory_space<vmem>>) semaphore(%arg28 : memref<!tpu.dma_semaphore, #tpu.memory_space<semaphore_mem>>)
    %dma_wait3A_203 = arith.constant 0 : i32
    %dma_wait3A_204 = arith.constant 0 : i32
    %dma_wait3A_205 = tpu.memref_slice %arg10[%dma_wait3A_203, %dma_wait3A_204] : memref<128x8xf32, #tpu.memory_space<vmem>> -> memref<16x8xf32, #tpu.memory_space<vmem>>
    %dma_wait3A_206 = arith.constant 4864 : i32
    %dma_wait3A_207 = tpu.memref_slice %arg8[%dma_wait3A_206] : memref<4880xi32, #tpu.memory_space<vmem>> -> memref<16xi32, #tpu.memory_space<vmem>>
    %dma_wait3A_208 = arith.constant 0 : i32
    %dma_wait3A_209 = arith.constant 0 : i32
    %dma_wait3A_210 = tpu.memref_slice %arg2[%dma_wait3A_208, %dma_wait3A_209] : memref<10000x8xf32, #tpu.memory_space<hbm>> -> memref<10000x8xf32, #tpu.memory_space<hbm>>
    tpu.wait_indirect_dma semaphore(%arg22 : memref<!tpu.dma_semaphore, #tpu.memory_space<semaphore_mem>>) src(%dma_wait3A_210 : memref<10000x8xf32, #tpu.memory_space<hbm>>) dst(%dma_wait3A_205 : memref<16x8xf32, #tpu.memory_space<vmem>>)
    %dma_wait3A_211 = arith.constant 0 : i32
    %dma_wait3A_212 = arith.constant 0 : i32
    %dma_wait3A_213 = tpu.memref_slice %arg16[%dma_wait3A_211, %dma_wait3A_212] : memref<128x8xf32, #tpu.memory_space<vmem>> -> memref<16x8xf32, #tpu.memory_space<vmem>>
    %dma_wait3A_214 = arith.constant 4864 : i32
    %dma_wait3A_215 = tpu.memref_slice %arg9[%dma_wait3A_214] : memref<4880xi32, #tpu.memory_space<vmem>> -> memref<16xi32, #tpu.memory_space<vmem>>
    %dma_wait3A_216 = arith.constant 0 : i32
    %dma_wait3A_217 = arith.constant 0 : i32
    %dma_wait3A_218 = tpu.memref_slice %arg3[%dma_wait3A_216, %dma_wait3A_217] : memref<10000x8xf32, #tpu.memory_space<hbm>> -> memref<10000x8xf32, #tpu.memory_space<hbm>>
    tpu.wait_indirect_dma semaphore(%arg28 : memref<!tpu.dma_semaphore, #tpu.memory_space<semaphore_mem>>) src(%dma_wait3A_218 : memref<10000x8xf32, #tpu.memory_space<hbm>>) dst(%dma_wait3A_213 : memref<16x8xf32, #tpu.memory_space<vmem>>)
    "tpu.region"() ({
      %run_scoped3A = tpu.sem_alloc : memref<!tpu.dma_semaphore, #tpu.memory_space<semaphore_mem>>
      %dma_start3A_219 = arith.constant 0 : i32
      %dma_start3A_220 = arith.constant 0 : i32
      %dma_start3A_221 = tpu.memref_slice %arg10[%dma_start3A_219, %dma_start3A_220] : memref<128x8xf32, #tpu.memory_space<vmem>> -> memref<16x8xf32, #tpu.memory_space<vmem>>
      %dma_start3A_222 = arith.constant 0 : i32
      %dma_start3A_223 = tpu.memref_slice %arg6[%add3A_186, %dma_start3A_222] : memref<156160x8xf32, #tpu.memory_space<hbm>> -> memref<16x8xf32, #tpu.memory_space<hbm>>
      %dma_start3A_224 = arith.constant 0 : i32
      %dma_start3A_225 = tpu.memref_slice %arg6[%add3A_186, %dma_start3A_224] : memref<156160x8xf32, #tpu.memory_space<hbm>> -> memref<16x8xf32, #tpu.memory_space<hbm>>
      %dma_start3A_226 = arith.constant 0 : i32
      %dma_start3A_227 = arith.constant 0 : i32
      %dma_start3A_228 = tpu.memref_slice %arg10[%dma_start3A_226, %dma_start3A_227] : memref<128x8xf32, #tpu.memory_space<vmem>> -> memref<16x8xf32, #tpu.memory_space<vmem>>
      tpu.enqueue_dma source(%dma_start3A_228 : memref<16x8xf32, #tpu.memory_space<vmem>>) target(%dma_start3A_225 : memref<16x8xf32, #tpu.memory_space<hbm>>) target_semaphore(%run_scoped3A : memref<!tpu.dma_semaphore, #tpu.memory_space<semaphore_mem>>)
      %dma_wait3A_229 = arith.constant 0 : i32
      %dma_wait3A_230 = arith.constant 0 : i32
      %dma_wait3A_231 = tpu.memref_slice %arg10[%dma_wait3A_229, %dma_wait3A_230] : memref<128x8xf32, #tpu.memory_space<vmem>> -> memref<16x8xf32, #tpu.memory_space<vmem>>
      %dma_wait3A_232 = arith.constant 0 : i32
      %dma_wait3A_233 = tpu.memref_slice %arg6[%add3A_186, %dma_wait3A_232] : memref<156160x8xf32, #tpu.memory_space<hbm>> -> memref<16x8xf32, #tpu.memory_space<hbm>>
      %dma_wait3A_234 = arith.constant 0 : i32
      %dma_wait3A_235 = tpu.memref_slice %arg6[%add3A_186, %dma_wait3A_234] : memref<156160x8xf32, #tpu.memory_space<hbm>> -> memref<16x8xf32, #tpu.memory_space<hbm>>
      %dma_wait3A_236 = arith.constant 0 : i32
      %dma_wait3A_237 = arith.constant 0 : i32
      %dma_wait3A_238 = tpu.memref_slice %arg10[%dma_wait3A_236, %dma_wait3A_237] : memref<128x8xf32, #tpu.memory_space<vmem>> -> memref<16x8xf32, #tpu.memory_space<vmem>>
      tpu.wait_dma2 semaphore(%run_scoped3A : memref<!tpu.dma_semaphore, #tpu.memory_space<semaphore_mem>>) src(%dma_wait3A_238 : memref<16x8xf32, #tpu.memory_space<vmem>>) dst(%dma_wait3A_235 : memref<16x8xf32, #tpu.memory_space<hbm>>)
      tpu.yield
    }) : () -> ()
    "tpu.region"() ({
      %run_scoped3A = tpu.sem_alloc : memref<!tpu.dma_semaphore, #tpu.memory_space<semaphore_mem>>
      %dma_start3A_219 = arith.constant 0 : i32
      %dma_start3A_220 = arith.constant 0 : i32
      %dma_start3A_221 = tpu.memref_slice %arg16[%dma_start3A_219, %dma_start3A_220] : memref<128x8xf32, #tpu.memory_space<vmem>> -> memref<16x8xf32, #tpu.memory_space<vmem>>
      %dma_start3A_222 = arith.constant 0 : i32
      %dma_start3A_223 = tpu.memref_slice %arg7[%add3A_186, %dma_start3A_222] : memref<156160x8xf32, #tpu.memory_space<hbm>> -> memref<16x8xf32, #tpu.memory_space<hbm>>
      %dma_start3A_224 = arith.constant 0 : i32
      %dma_start3A_225 = tpu.memref_slice %arg7[%add3A_186, %dma_start3A_224] : memref<156160x8xf32, #tpu.memory_space<hbm>> -> memref<16x8xf32, #tpu.memory_space<hbm>>
      %dma_start3A_226 = arith.constant 0 : i32
      %dma_start3A_227 = arith.constant 0 : i32
      %dma_start3A_228 = tpu.memref_slice %arg16[%dma_start3A_226, %dma_start3A_227] : memref<128x8xf32, #tpu.memory_space<vmem>> -> memref<16x8xf32, #tpu.memory_space<vmem>>
      tpu.enqueue_dma source(%dma_start3A_228 : memref<16x8xf32, #tpu.memory_space<vmem>>) target(%dma_start3A_225 : memref<16x8xf32, #tpu.memory_space<hbm>>) target_semaphore(%run_scoped3A : memref<!tpu.dma_semaphore, #tpu.memory_space<semaphore_mem>>)
      %dma_wait3A_229 = arith.constant 0 : i32
      %dma_wait3A_230 = arith.constant 0 : i32
      %dma_wait3A_231 = tpu.memref_slice %arg16[%dma_wait3A_229, %dma_wait3A_230] : memref<128x8xf32, #tpu.memory_space<vmem>> -> memref<16x8xf32, #tpu.memory_space<vmem>>
      %dma_wait3A_232 = arith.constant 0 : i32
      %dma_wait3A_233 = tpu.memref_slice %arg7[%add3A_186, %dma_wait3A_232] : memref<156160x8xf32, #tpu.memory_space<hbm>> -> memref<16x8xf32, #tpu.memory_space<hbm>>
      %dma_wait3A_234 = arith.constant 0 : i32
      %dma_wait3A_235 = tpu.memref_slice %arg7[%add3A_186, %dma_wait3A_234] : memref<156160x8xf32, #tpu.memory_space<hbm>> -> memref<16x8xf32, #tpu.memory_space<hbm>>
      %dma_wait3A_236 = arith.constant 0 : i32
      %dma_wait3A_237 = arith.constant 0 : i32
      %dma_wait3A_238 = tpu.memref_slice %arg16[%dma_wait3A_236, %dma_wait3A_237] : memref<128x8xf32, #tpu.memory_space<vmem>> -> memref<16x8xf32, #tpu.memory_space<vmem>>
      tpu.wait_dma2 semaphore(%run_scoped3A : memref<!tpu.dma_semaphore, #tpu.memory_space<semaphore_mem>>) src(%dma_wait3A_238 : memref<16x8xf32, #tpu.memory_space<vmem>>) dst(%dma_wait3A_235 : memref<16x8xf32, #tpu.memory_space<hbm>>)
      tpu.yield
    }) : () -> ()
    return
  }
}

#map = affine_map<(d0, d1) -> (0, 0)>
#map1 = affine_map<(d0, d1) -> (0)>
module attributes {stable_mosaic.version = 14 : i64} {
  func.func @body(%arg0: i32, %arg1: i32, %arg2: memref<10000x8xf32, #tpu.memory_space<hbm>>, %arg3: memref<10000x8xf32, #tpu.memory_space<hbm>>, %arg4: memref<320000xi32, #tpu.memory_space<hbm>>, %arg5: memref<320000xi32, #tpu.memory_space<hbm>>, %arg6: memref<163840x8xf32, #tpu.memory_space<hbm>>, %arg7: memref<163840x8xf32, #tpu.memory_space<hbm>>, %arg8: memref<5120xi32, #tpu.memory_space<vmem>>, %arg9: memref<5120xi32, #tpu.memory_space<vmem>>, %arg10: memref<128x8xf32, #tpu.memory_space<vmem>>, %arg11: memref<128x8xf32, #tpu.memory_space<vmem>>, %arg12: memref<128x8xf32, #tpu.memory_space<vmem>>, %arg13: memref<128x8xf32, #tpu.memory_space<vmem>>, %arg14: memref<128x8xf32, #tpu.memory_space<vmem>>, %arg15: memref<128x8xf32, #tpu.memory_space<vmem>>, %arg16: memref<128x8xf32, #tpu.memory_space<vmem>>, %arg17: memref<128x8xf32, #tpu.memory_space<vmem>>, %arg18: memref<128x8xf32, #tpu.memory_space<vmem>>, %arg19: memref<128x8xf32, #tpu.memory_space<vmem>>, %arg20: memref<128x8xf32, #tpu.memory_space<vmem>>, %arg21: memref<128x8xf32, #tpu.memory_space<vmem>>, %arg22: memref<!tpu.dma_semaphore, #tpu.memory_space<semaphore_mem>>, %arg23: memref<!tpu.dma_semaphore, #tpu.memory_space<semaphore_mem>>, %arg24: memref<!tpu.dma_semaphore, #tpu.memory_space<semaphore_mem>>, %arg25: memref<!tpu.dma_semaphore, #tpu.memory_space<semaphore_mem>>, %arg26: memref<!tpu.dma_semaphore, #tpu.memory_space<semaphore_mem>>, %arg27: memref<!tpu.dma_semaphore, #tpu.memory_space<semaphore_mem>>, %arg28: memref<!tpu.dma_semaphore, #tpu.memory_space<semaphore_mem>>, %arg29: memref<!tpu.dma_semaphore, #tpu.memory_space<semaphore_mem>>, %arg30: memref<!tpu.dma_semaphore, #tpu.memory_space<semaphore_mem>>, %arg31: memref<!tpu.dma_semaphore, #tpu.memory_space<semaphore_mem>>, %arg32: memref<!tpu.dma_semaphore, #tpu.memory_space<semaphore_mem>>, %arg33: memref<!tpu.dma_semaphore, #tpu.memory_space<semaphore_mem>>, %arg34: memref<!tpu.dma_semaphore, #tpu.memory_space<semaphore_mem>>, %arg35: memref<!tpu.dma_semaphore, #tpu.memory_space<semaphore_mem>>, %arg36: memref<!tpu.dma_semaphore, #tpu.memory_space<semaphore_mem>>, %arg37: memref<!tpu.dma_semaphore, #tpu.memory_space<semaphore_mem>>, %arg38: memref<!tpu.dma_semaphore, #tpu.memory_space<semaphore_mem>>, %arg39: memref<!tpu.dma_semaphore, #tpu.memory_space<semaphore_mem>>, %arg40: memref<!tpu.dma_semaphore, #tpu.memory_space<semaphore_mem>>, %arg41: memref<!tpu.dma_semaphore, #tpu.memory_space<semaphore_mem>>, %arg42: memref<!tpu.dma_semaphore, #tpu.memory_space<semaphore_mem>>, %arg43: memref<!tpu.dma_semaphore, #tpu.memory_space<semaphore_mem>>, %arg44: memref<!tpu.dma_semaphore, #tpu.memory_space<semaphore_mem>>, %arg45: memref<!tpu.dma_semaphore, #tpu.memory_space<semaphore_mem>>) attributes {dimension_semantics = [#tpu.dimension_semantics<core_parallel>, #tpu.dimension_semantics<subcore_parallel>], iteration_bounds = array<i64: 2, 16>, scalar_prefetch = 0 : i64, scratch_operands = 38 : i64, tpu.core_type = #tpu.core_type<sc_vector_subcore>, window_params = [{transform_indices = #map}, {transform_indices = #map}, {transform_indices = #map1}, {transform_indices = #map1}, {transform_indices = #map}, {transform_indices = #map}]} {
    %mul3A = arith.constant 2 : i32
    %mul3A_0 = arith.muli %arg1, %mul3A : i32
    %add3A = arith.addi %mul3A_0, %arg0 : i32
    %mul3A_1 = arith.constant 5120 : i32
    %mul3A_2 = arith.muli %add3A, %mul3A_1 : i32
    %add3A_3 = arith.constant 0 : i32
    %add3A_4 = arith.addi %add3A_3, %mul3A_2 : i32
    %mul3A_5 = arith.constant 5120 : i32
    %mul3A_6 = arith.muli %add3A, %mul3A_5 : i32
    %dma_start3A = tpu.memref_slice %arg4[%add3A_4] : memref<320000xi32, #tpu.memory_space<hbm>> -> memref<5120xi32, #tpu.memory_space<hbm>>
    %dma_start3A_7 = tpu.memref_slice %arg4[%add3A_4] : memref<320000xi32, #tpu.memory_space<hbm>> -> memref<5120xi32, #tpu.memory_space<hbm>>
    tpu.enqueue_dma source(%dma_start3A_7 : memref<5120xi32, #tpu.memory_space<hbm>>) target(%arg8 : memref<5120xi32, #tpu.memory_space<vmem>>) target_semaphore(%arg22 : memref<!tpu.dma_semaphore, #tpu.memory_space<semaphore_mem>>)
    %dma_start3A_8 = tpu.memref_slice %arg5[%add3A_4] : memref<320000xi32, #tpu.memory_space<hbm>> -> memref<5120xi32, #tpu.memory_space<hbm>>
    %dma_start3A_9 = tpu.memref_slice %arg5[%add3A_4] : memref<320000xi32, #tpu.memory_space<hbm>> -> memref<5120xi32, #tpu.memory_space<hbm>>
    tpu.enqueue_dma source(%dma_start3A_9 : memref<5120xi32, #tpu.memory_space<hbm>>) target(%arg9 : memref<5120xi32, #tpu.memory_space<vmem>>) target_semaphore(%arg28 : memref<!tpu.dma_semaphore, #tpu.memory_space<semaphore_mem>>)
    %dma_wait3A = tpu.memref_slice %arg4[%add3A_4] : memref<320000xi32, #tpu.memory_space<hbm>> -> memref<5120xi32, #tpu.memory_space<hbm>>
    %dma_wait3A_10 = tpu.memref_slice %arg4[%add3A_4] : memref<320000xi32, #tpu.memory_space<hbm>> -> memref<5120xi32, #tpu.memory_space<hbm>>
    tpu.wait_dma2 semaphore(%arg22 : memref<!tpu.dma_semaphore, #tpu.memory_space<semaphore_mem>>) src(%dma_wait3A_10 : memref<5120xi32, #tpu.memory_space<hbm>>) dst(%arg8 : memref<5120xi32, #tpu.memory_space<vmem>>)
    %dma_wait3A_11 = tpu.memref_slice %arg5[%add3A_4] : memref<320000xi32, #tpu.memory_space<hbm>> -> memref<5120xi32, #tpu.memory_space<hbm>>
    %dma_wait3A_12 = tpu.memref_slice %arg5[%add3A_4] : memref<320000xi32, #tpu.memory_space<hbm>> -> memref<5120xi32, #tpu.memory_space<hbm>>
    tpu.wait_dma2 semaphore(%arg28 : memref<!tpu.dma_semaphore, #tpu.memory_space<semaphore_mem>>) src(%dma_wait3A_12 : memref<5120xi32, #tpu.memory_space<hbm>>) dst(%arg9 : memref<5120xi32, #tpu.memory_space<vmem>>)
    %mul3A_13 = arith.constant 0 : i32
    %mul3A_14 = arith.constant 128 : i32
    %mul3A_15 = arith.muli %mul3A_13, %mul3A_14 : i32
    %mul3A_16 = arith.constant 0 : i32
    %mul3A_17 = arith.constant 128 : i32
    %mul3A_18 = arith.muli %mul3A_16, %mul3A_17 : i32
    %dma_start3A_19 = tpu.memref_slice %arg8[%mul3A_15] : memref<5120xi32, #tpu.memory_space<vmem>> -> memref<128xi32, #tpu.memory_space<vmem>>
    %dma_start3A_20 = arith.constant 0 : i32
    %dma_start3A_21 = arith.constant 0 : i32
    %dma_start3A_22 = tpu.memref_slice %arg2[%dma_start3A_20, %dma_start3A_21] : memref<10000x8xf32, #tpu.memory_space<hbm>> -> memref<10000x8xf32, #tpu.memory_space<hbm>>
    tpu.enqueue_indirect_dma source(%dma_start3A_22 : memref<10000x8xf32, #tpu.memory_space<hbm>>) target(%arg10 : memref<128x8xf32, #tpu.memory_space<vmem>>) offsets(%dma_start3A_19 : memref<128xi32, #tpu.memory_space<vmem>>) semaphore(%arg22 : memref<!tpu.dma_semaphore, #tpu.memory_space<semaphore_mem>>)
    %dma_start3A_23 = tpu.memref_slice %arg9[%mul3A_18] : memref<5120xi32, #tpu.memory_space<vmem>> -> memref<128xi32, #tpu.memory_space<vmem>>
    %dma_start3A_24 = arith.constant 0 : i32
    %dma_start3A_25 = arith.constant 0 : i32
    %dma_start3A_26 = tpu.memref_slice %arg3[%dma_start3A_24, %dma_start3A_25] : memref<10000x8xf32, #tpu.memory_space<hbm>> -> memref<10000x8xf32, #tpu.memory_space<hbm>>
    tpu.enqueue_indirect_dma source(%dma_start3A_26 : memref<10000x8xf32, #tpu.memory_space<hbm>>) target(%arg16 : memref<128x8xf32, #tpu.memory_space<vmem>>) offsets(%dma_start3A_23 : memref<128xi32, #tpu.memory_space<vmem>>) semaphore(%arg28 : memref<!tpu.dma_semaphore, #tpu.memory_space<semaphore_mem>>)
    %mul3A_27 = arith.constant 1 : i32
    %mul3A_28 = arith.constant 128 : i32
    %mul3A_29 = arith.muli %mul3A_27, %mul3A_28 : i32
    %mul3A_30 = arith.constant 1 : i32
    %mul3A_31 = arith.constant 128 : i32
    %mul3A_32 = arith.muli %mul3A_30, %mul3A_31 : i32
    %dma_start3A_33 = tpu.memref_slice %arg8[%mul3A_29] : memref<5120xi32, #tpu.memory_space<vmem>> -> memref<128xi32, #tpu.memory_space<vmem>>
    %dma_start3A_34 = arith.constant 0 : i32
    %dma_start3A_35 = arith.constant 0 : i32
    %dma_start3A_36 = tpu.memref_slice %arg2[%dma_start3A_34, %dma_start3A_35] : memref<10000x8xf32, #tpu.memory_space<hbm>> -> memref<10000x8xf32, #tpu.memory_space<hbm>>
    tpu.enqueue_indirect_dma source(%dma_start3A_36 : memref<10000x8xf32, #tpu.memory_space<hbm>>) target(%arg11 : memref<128x8xf32, #tpu.memory_space<vmem>>) offsets(%dma_start3A_33 : memref<128xi32, #tpu.memory_space<vmem>>) semaphore(%arg23 : memref<!tpu.dma_semaphore, #tpu.memory_space<semaphore_mem>>)
    %dma_start3A_37 = tpu.memref_slice %arg9[%mul3A_32] : memref<5120xi32, #tpu.memory_space<vmem>> -> memref<128xi32, #tpu.memory_space<vmem>>
    %dma_start3A_38 = arith.constant 0 : i32
    %dma_start3A_39 = arith.constant 0 : i32
    %dma_start3A_40 = tpu.memref_slice %arg3[%dma_start3A_38, %dma_start3A_39] : memref<10000x8xf32, #tpu.memory_space<hbm>> -> memref<10000x8xf32, #tpu.memory_space<hbm>>
    tpu.enqueue_indirect_dma source(%dma_start3A_40 : memref<10000x8xf32, #tpu.memory_space<hbm>>) target(%arg17 : memref<128x8xf32, #tpu.memory_space<vmem>>) offsets(%dma_start3A_37 : memref<128xi32, #tpu.memory_space<vmem>>) semaphore(%arg29 : memref<!tpu.dma_semaphore, #tpu.memory_space<semaphore_mem>>)
    %mul3A_41 = arith.constant 2 : i32
    %mul3A_42 = arith.constant 128 : i32
    %mul3A_43 = arith.muli %mul3A_41, %mul3A_42 : i32
    %mul3A_44 = arith.constant 2 : i32
    %mul3A_45 = arith.constant 128 : i32
    %mul3A_46 = arith.muli %mul3A_44, %mul3A_45 : i32
    %dma_start3A_47 = tpu.memref_slice %arg8[%mul3A_43] : memref<5120xi32, #tpu.memory_space<vmem>> -> memref<128xi32, #tpu.memory_space<vmem>>
    %dma_start3A_48 = arith.constant 0 : i32
    %dma_start3A_49 = arith.constant 0 : i32
    %dma_start3A_50 = tpu.memref_slice %arg2[%dma_start3A_48, %dma_start3A_49] : memref<10000x8xf32, #tpu.memory_space<hbm>> -> memref<10000x8xf32, #tpu.memory_space<hbm>>
    tpu.enqueue_indirect_dma source(%dma_start3A_50 : memref<10000x8xf32, #tpu.memory_space<hbm>>) target(%arg12 : memref<128x8xf32, #tpu.memory_space<vmem>>) offsets(%dma_start3A_47 : memref<128xi32, #tpu.memory_space<vmem>>) semaphore(%arg24 : memref<!tpu.dma_semaphore, #tpu.memory_space<semaphore_mem>>)
    %dma_start3A_51 = tpu.memref_slice %arg9[%mul3A_46] : memref<5120xi32, #tpu.memory_space<vmem>> -> memref<128xi32, #tpu.memory_space<vmem>>
    %dma_start3A_52 = arith.constant 0 : i32
    %dma_start3A_53 = arith.constant 0 : i32
    %dma_start3A_54 = tpu.memref_slice %arg3[%dma_start3A_52, %dma_start3A_53] : memref<10000x8xf32, #tpu.memory_space<hbm>> -> memref<10000x8xf32, #tpu.memory_space<hbm>>
    tpu.enqueue_indirect_dma source(%dma_start3A_54 : memref<10000x8xf32, #tpu.memory_space<hbm>>) target(%arg18 : memref<128x8xf32, #tpu.memory_space<vmem>>) offsets(%dma_start3A_51 : memref<128xi32, #tpu.memory_space<vmem>>) semaphore(%arg30 : memref<!tpu.dma_semaphore, #tpu.memory_space<semaphore_mem>>)
    %mul3A_55 = arith.constant 3 : i32
    %mul3A_56 = arith.constant 128 : i32
    %mul3A_57 = arith.muli %mul3A_55, %mul3A_56 : i32
    %mul3A_58 = arith.constant 3 : i32
    %mul3A_59 = arith.constant 128 : i32
    %mul3A_60 = arith.muli %mul3A_58, %mul3A_59 : i32
    %dma_start3A_61 = tpu.memref_slice %arg8[%mul3A_57] : memref<5120xi32, #tpu.memory_space<vmem>> -> memref<128xi32, #tpu.memory_space<vmem>>
    %dma_start3A_62 = arith.constant 0 : i32
    %dma_start3A_63 = arith.constant 0 : i32
    %dma_start3A_64 = tpu.memref_slice %arg2[%dma_start3A_62, %dma_start3A_63] : memref<10000x8xf32, #tpu.memory_space<hbm>> -> memref<10000x8xf32, #tpu.memory_space<hbm>>
    tpu.enqueue_indirect_dma source(%dma_start3A_64 : memref<10000x8xf32, #tpu.memory_space<hbm>>) target(%arg13 : memref<128x8xf32, #tpu.memory_space<vmem>>) offsets(%dma_start3A_61 : memref<128xi32, #tpu.memory_space<vmem>>) semaphore(%arg25 : memref<!tpu.dma_semaphore, #tpu.memory_space<semaphore_mem>>)
    %dma_start3A_65 = tpu.memref_slice %arg9[%mul3A_60] : memref<5120xi32, #tpu.memory_space<vmem>> -> memref<128xi32, #tpu.memory_space<vmem>>
    %dma_start3A_66 = arith.constant 0 : i32
    %dma_start3A_67 = arith.constant 0 : i32
    %dma_start3A_68 = tpu.memref_slice %arg3[%dma_start3A_66, %dma_start3A_67] : memref<10000x8xf32, #tpu.memory_space<hbm>> -> memref<10000x8xf32, #tpu.memory_space<hbm>>
    tpu.enqueue_indirect_dma source(%dma_start3A_68 : memref<10000x8xf32, #tpu.memory_space<hbm>>) target(%arg19 : memref<128x8xf32, #tpu.memory_space<vmem>>) offsets(%dma_start3A_65 : memref<128xi32, #tpu.memory_space<vmem>>) semaphore(%arg31 : memref<!tpu.dma_semaphore, #tpu.memory_space<semaphore_mem>>)
    %scan3A = arith.constant 0 : i32
    %scan3A_69 = arith.constant 6 : i32
    %scan3A_70 = arith.addi %scan3A, %scan3A_69 : i32
    %scan3A_71 = arith.constant 1 : i32
    scf.for %scan3A_225 = %scan3A to %scan3A_70 step %scan3A_71  : i32 {
      %mul3A_226 = arith.constant 6 : i32
      %mul3A_227 = arith.muli %scan3A_225, %mul3A_226 : i32
      %add3A_228 = arith.constant 0 : i32
      %add3A_229 = arith.addi %mul3A_227, %add3A_228 : i32
      %mul3A_230 = arith.constant 128 : i32
      %mul3A_231 = arith.muli %add3A_229, %mul3A_230 : i32
      %mul3A_232 = arith.constant 128 : i32
      %mul3A_233 = arith.muli %add3A_229, %mul3A_232 : i32
      %dma_wait3A_234 = tpu.memref_slice %arg8[%mul3A_231] : memref<5120xi32, #tpu.memory_space<vmem>> -> memref<128xi32, #tpu.memory_space<vmem>>
      %dma_wait3A_235 = arith.constant 0 : i32
      %dma_wait3A_236 = arith.constant 0 : i32
      %dma_wait3A_237 = tpu.memref_slice %arg2[%dma_wait3A_235, %dma_wait3A_236] : memref<10000x8xf32, #tpu.memory_space<hbm>> -> memref<10000x8xf32, #tpu.memory_space<hbm>>
      tpu.wait_indirect_dma semaphore(%arg22 : memref<!tpu.dma_semaphore, #tpu.memory_space<semaphore_mem>>) src(%dma_wait3A_237 : memref<10000x8xf32, #tpu.memory_space<hbm>>) dst(%arg10 : memref<128x8xf32, #tpu.memory_space<vmem>>)
      %dma_wait3A_238 = tpu.memref_slice %arg9[%mul3A_233] : memref<5120xi32, #tpu.memory_space<vmem>> -> memref<128xi32, #tpu.memory_space<vmem>>
      %dma_wait3A_239 = arith.constant 0 : i32
      %dma_wait3A_240 = arith.constant 0 : i32
      %dma_wait3A_241 = tpu.memref_slice %arg3[%dma_wait3A_239, %dma_wait3A_240] : memref<10000x8xf32, #tpu.memory_space<hbm>> -> memref<10000x8xf32, #tpu.memory_space<hbm>>
      tpu.wait_indirect_dma semaphore(%arg28 : memref<!tpu.dma_semaphore, #tpu.memory_space<semaphore_mem>>) src(%dma_wait3A_241 : memref<10000x8xf32, #tpu.memory_space<hbm>>) dst(%arg16 : memref<128x8xf32, #tpu.memory_space<vmem>>)
      %mul3A_242 = arith.constant 128 : i32
      %mul3A_243 = arith.muli %add3A_229, %mul3A_242 : i32
      %add3A_244 = arith.addi %mul3A_6, %mul3A_243 : i32
      %dma_start3A_245 = arith.constant 0 : i32
      %dma_start3A_246 = tpu.memref_slice %arg6[%add3A_244, %dma_start3A_245] : memref<163840x8xf32, #tpu.memory_space<hbm>> -> memref<128x8xf32, #tpu.memory_space<hbm>>
      %dma_start3A_247 = arith.constant 0 : i32
      %dma_start3A_248 = tpu.memref_slice %arg6[%add3A_244, %dma_start3A_247] : memref<163840x8xf32, #tpu.memory_space<hbm>> -> memref<128x8xf32, #tpu.memory_space<hbm>>
      tpu.enqueue_dma source(%arg10 : memref<128x8xf32, #tpu.memory_space<vmem>>) target(%dma_start3A_248 : memref<128x8xf32, #tpu.memory_space<hbm>>) target_semaphore(%arg34 : memref<!tpu.dma_semaphore, #tpu.memory_space<semaphore_mem>>)
      %dma_start3A_249 = arith.constant 0 : i32
      %dma_start3A_250 = tpu.memref_slice %arg7[%add3A_244, %dma_start3A_249] : memref<163840x8xf32, #tpu.memory_space<hbm>> -> memref<128x8xf32, #tpu.memory_space<hbm>>
      %dma_start3A_251 = arith.constant 0 : i32
      %dma_start3A_252 = tpu.memref_slice %arg7[%add3A_244, %dma_start3A_251] : memref<163840x8xf32, #tpu.memory_space<hbm>> -> memref<128x8xf32, #tpu.memory_space<hbm>>
      tpu.enqueue_dma source(%arg16 : memref<128x8xf32, #tpu.memory_space<vmem>>) target(%dma_start3A_252 : memref<128x8xf32, #tpu.memory_space<hbm>>) target_semaphore(%arg40 : memref<!tpu.dma_semaphore, #tpu.memory_space<semaphore_mem>>)
      %add3A_253 = arith.constant 4 : i32
      %add3A_254 = arith.addi %add3A_229, %add3A_253 : i32
      %lt3A = arith.constant 40 : i32
      %lt3A_255 = arith.cmpi slt, %add3A_254, %lt3A : i32
      %convert_element_type3A = arith.extui %lt3A_255 : i1 to i32
      %cond3A = arith.constant 0 : i32
      %cond3A_256 = arith.cmpi ne, %convert_element_type3A, %cond3A : i32
      scf.if %cond3A_256 {
        %ge3A = arith.constant 2 : i32
        %ge3A_427 = arith.cmpi sge, %add3A_229, %ge3A : i32
        %convert_element_type3A_428 = arith.extui %ge3A_427 : i1 to i32
        %cond3A_429 = arith.constant 0 : i32
        %cond3A_430 = arith.cmpi ne, %convert_element_type3A_428, %cond3A_429 : i32
        scf.if %cond3A_430 {
          %sub3A = arith.constant 2 : i32
          %sub3A_443 = arith.subi %add3A_229, %sub3A : i32
          %mul3A_444 = arith.constant 128 : i32
          %mul3A_445 = arith.muli %sub3A_443, %mul3A_444 : i32
          %add3A_446 = arith.addi %mul3A_6, %mul3A_445 : i32
          %dma_wait3A_447 = arith.constant 0 : i32
          %dma_wait3A_448 = tpu.memref_slice %arg6[%add3A_446, %dma_wait3A_447] : memref<163840x8xf32, #tpu.memory_space<hbm>> -> memref<128x8xf32, #tpu.memory_space<hbm>>
          %dma_wait3A_449 = arith.constant 0 : i32
          %dma_wait3A_450 = tpu.memref_slice %arg6[%add3A_446, %dma_wait3A_449] : memref<163840x8xf32, #tpu.memory_space<hbm>> -> memref<128x8xf32, #tpu.memory_space<hbm>>
          tpu.wait_dma2 semaphore(%arg38 : memref<!tpu.dma_semaphore, #tpu.memory_space<semaphore_mem>>) src(%arg14 : memref<128x8xf32, #tpu.memory_space<vmem>>) dst(%dma_wait3A_450 : memref<128x8xf32, #tpu.memory_space<hbm>>)
          %dma_wait3A_451 = arith.constant 0 : i32
          %dma_wait3A_452 = tpu.memref_slice %arg7[%add3A_446, %dma_wait3A_451] : memref<163840x8xf32, #tpu.memory_space<hbm>> -> memref<128x8xf32, #tpu.memory_space<hbm>>
          %dma_wait3A_453 = arith.constant 0 : i32
          %dma_wait3A_454 = tpu.memref_slice %arg7[%add3A_446, %dma_wait3A_453] : memref<163840x8xf32, #tpu.memory_space<hbm>> -> memref<128x8xf32, #tpu.memory_space<hbm>>
          tpu.wait_dma2 semaphore(%arg44 : memref<!tpu.dma_semaphore, #tpu.memory_space<semaphore_mem>>) src(%arg20 : memref<128x8xf32, #tpu.memory_space<vmem>>) dst(%dma_wait3A_454 : memref<128x8xf32, #tpu.memory_space<hbm>>)
        } else {
        }
        %mul3A_431 = arith.constant 128 : i32
        %mul3A_432 = arith.muli %add3A_254, %mul3A_431 : i32
        %mul3A_433 = arith.constant 128 : i32
        %mul3A_434 = arith.muli %add3A_254, %mul3A_433 : i32
        %dma_start3A_435 = tpu.memref_slice %arg8[%mul3A_432] : memref<5120xi32, #tpu.memory_space<vmem>> -> memref<128xi32, #tpu.memory_space<vmem>>
        %dma_start3A_436 = arith.constant 0 : i32
        %dma_start3A_437 = arith.constant 0 : i32
        %dma_start3A_438 = tpu.memref_slice %arg2[%dma_start3A_436, %dma_start3A_437] : memref<10000x8xf32, #tpu.memory_space<hbm>> -> memref<10000x8xf32, #tpu.memory_space<hbm>>
        tpu.enqueue_indirect_dma source(%dma_start3A_438 : memref<10000x8xf32, #tpu.memory_space<hbm>>) target(%arg14 : memref<128x8xf32, #tpu.memory_space<vmem>>) offsets(%dma_start3A_435 : memref<128xi32, #tpu.memory_space<vmem>>) semaphore(%arg26 : memref<!tpu.dma_semaphore, #tpu.memory_space<semaphore_mem>>)
        %dma_start3A_439 = tpu.memref_slice %arg9[%mul3A_434] : memref<5120xi32, #tpu.memory_space<vmem>> -> memref<128xi32, #tpu.memory_space<vmem>>
        %dma_start3A_440 = arith.constant 0 : i32
        %dma_start3A_441 = arith.constant 0 : i32
        %dma_start3A_442 = tpu.memref_slice %arg3[%dma_start3A_440, %dma_start3A_441] : memref<10000x8xf32, #tpu.memory_space<hbm>> -> memref<10000x8xf32, #tpu.memory_space<hbm>>
        tpu.enqueue_indirect_dma source(%dma_start3A_442 : memref<10000x8xf32, #tpu.memory_space<hbm>>) target(%arg20 : memref<128x8xf32, #tpu.memory_space<vmem>>) offsets(%dma_start3A_439 : memref<128xi32, #tpu.memory_space<vmem>>) semaphore(%arg32 : memref<!tpu.dma_semaphore, #tpu.memory_space<semaphore_mem>>)
      } else {
      }
      %mul3A_257 = arith.constant 6 : i32
      %mul3A_258 = arith.muli %scan3A_225, %mul3A_257 : i32
      %add3A_259 = arith.constant 1 : i32
      %add3A_260 = arith.addi %mul3A_258, %add3A_259 : i32
      %mul3A_261 = arith.constant 128 : i32
      %mul3A_262 = arith.muli %add3A_260, %mul3A_261 : i32
      %mul3A_263 = arith.constant 128 : i32
      %mul3A_264 = arith.muli %add3A_260, %mul3A_263 : i32
      %dma_wait3A_265 = tpu.memref_slice %arg8[%mul3A_262] : memref<5120xi32, #tpu.memory_space<vmem>> -> memref<128xi32, #tpu.memory_space<vmem>>
      %dma_wait3A_266 = arith.constant 0 : i32
      %dma_wait3A_267 = arith.constant 0 : i32
      %dma_wait3A_268 = tpu.memref_slice %arg2[%dma_wait3A_266, %dma_wait3A_267] : memref<10000x8xf32, #tpu.memory_space<hbm>> -> memref<10000x8xf32, #tpu.memory_space<hbm>>
      tpu.wait_indirect_dma semaphore(%arg23 : memref<!tpu.dma_semaphore, #tpu.memory_space<semaphore_mem>>) src(%dma_wait3A_268 : memref<10000x8xf32, #tpu.memory_space<hbm>>) dst(%arg11 : memref<128x8xf32, #tpu.memory_space<vmem>>)
      %dma_wait3A_269 = tpu.memref_slice %arg9[%mul3A_264] : memref<5120xi32, #tpu.memory_space<vmem>> -> memref<128xi32, #tpu.memory_space<vmem>>
      %dma_wait3A_270 = arith.constant 0 : i32
      %dma_wait3A_271 = arith.constant 0 : i32
      %dma_wait3A_272 = tpu.memref_slice %arg3[%dma_wait3A_270, %dma_wait3A_271] : memref<10000x8xf32, #tpu.memory_space<hbm>> -> memref<10000x8xf32, #tpu.memory_space<hbm>>
      tpu.wait_indirect_dma semaphore(%arg29 : memref<!tpu.dma_semaphore, #tpu.memory_space<semaphore_mem>>) src(%dma_wait3A_272 : memref<10000x8xf32, #tpu.memory_space<hbm>>) dst(%arg17 : memref<128x8xf32, #tpu.memory_space<vmem>>)
      %mul3A_273 = arith.constant 128 : i32
      %mul3A_274 = arith.muli %add3A_260, %mul3A_273 : i32
      %add3A_275 = arith.addi %mul3A_6, %mul3A_274 : i32
      %dma_start3A_276 = arith.constant 0 : i32
      %dma_start3A_277 = tpu.memref_slice %arg6[%add3A_275, %dma_start3A_276] : memref<163840x8xf32, #tpu.memory_space<hbm>> -> memref<128x8xf32, #tpu.memory_space<hbm>>
      %dma_start3A_278 = arith.constant 0 : i32
      %dma_start3A_279 = tpu.memref_slice %arg6[%add3A_275, %dma_start3A_278] : memref<163840x8xf32, #tpu.memory_space<hbm>> -> memref<128x8xf32, #tpu.memory_space<hbm>>
      tpu.enqueue_dma source(%arg11 : memref<128x8xf32, #tpu.memory_space<vmem>>) target(%dma_start3A_279 : memref<128x8xf32, #tpu.memory_space<hbm>>) target_semaphore(%arg35 : memref<!tpu.dma_semaphore, #tpu.memory_space<semaphore_mem>>)
      %dma_start3A_280 = arith.constant 0 : i32
      %dma_start3A_281 = tpu.memref_slice %arg7[%add3A_275, %dma_start3A_280] : memref<163840x8xf32, #tpu.memory_space<hbm>> -> memref<128x8xf32, #tpu.memory_space<hbm>>
      %dma_start3A_282 = arith.constant 0 : i32
      %dma_start3A_283 = tpu.memref_slice %arg7[%add3A_275, %dma_start3A_282] : memref<163840x8xf32, #tpu.memory_space<hbm>> -> memref<128x8xf32, #tpu.memory_space<hbm>>
      tpu.enqueue_dma source(%arg17 : memref<128x8xf32, #tpu.memory_space<vmem>>) target(%dma_start3A_283 : memref<128x8xf32, #tpu.memory_space<hbm>>) target_semaphore(%arg41 : memref<!tpu.dma_semaphore, #tpu.memory_space<semaphore_mem>>)
      %add3A_284 = arith.constant 4 : i32
      %add3A_285 = arith.addi %add3A_260, %add3A_284 : i32
      %lt3A_286 = arith.constant 40 : i32
      %lt3A_287 = arith.cmpi slt, %add3A_285, %lt3A_286 : i32
      %convert_element_type3A_288 = arith.extui %lt3A_287 : i1 to i32
      %cond3A_289 = arith.constant 0 : i32
      %cond3A_290 = arith.cmpi ne, %convert_element_type3A_288, %cond3A_289 : i32
      scf.if %cond3A_290 {
        %ge3A = arith.constant 2 : i32
        %ge3A_427 = arith.cmpi sge, %add3A_260, %ge3A : i32
        %convert_element_type3A_428 = arith.extui %ge3A_427 : i1 to i32
        %cond3A_429 = arith.constant 0 : i32
        %cond3A_430 = arith.cmpi ne, %convert_element_type3A_428, %cond3A_429 : i32
        scf.if %cond3A_430 {
          %sub3A = arith.constant 2 : i32
          %sub3A_443 = arith.subi %add3A_260, %sub3A : i32
          %mul3A_444 = arith.constant 128 : i32
          %mul3A_445 = arith.muli %sub3A_443, %mul3A_444 : i32
          %add3A_446 = arith.addi %mul3A_6, %mul3A_445 : i32
          %dma_wait3A_447 = arith.constant 0 : i32
          %dma_wait3A_448 = tpu.memref_slice %arg6[%add3A_446, %dma_wait3A_447] : memref<163840x8xf32, #tpu.memory_space<hbm>> -> memref<128x8xf32, #tpu.memory_space<hbm>>
          %dma_wait3A_449 = arith.constant 0 : i32
          %dma_wait3A_450 = tpu.memref_slice %arg6[%add3A_446, %dma_wait3A_449] : memref<163840x8xf32, #tpu.memory_space<hbm>> -> memref<128x8xf32, #tpu.memory_space<hbm>>
          tpu.wait_dma2 semaphore(%arg39 : memref<!tpu.dma_semaphore, #tpu.memory_space<semaphore_mem>>) src(%arg15 : memref<128x8xf32, #tpu.memory_space<vmem>>) dst(%dma_wait3A_450 : memref<128x8xf32, #tpu.memory_space<hbm>>)
          %dma_wait3A_451 = arith.constant 0 : i32
          %dma_wait3A_452 = tpu.memref_slice %arg7[%add3A_446, %dma_wait3A_451] : memref<163840x8xf32, #tpu.memory_space<hbm>> -> memref<128x8xf32, #tpu.memory_space<hbm>>
          %dma_wait3A_453 = arith.constant 0 : i32
          %dma_wait3A_454 = tpu.memref_slice %arg7[%add3A_446, %dma_wait3A_453] : memref<163840x8xf32, #tpu.memory_space<hbm>> -> memref<128x8xf32, #tpu.memory_space<hbm>>
          tpu.wait_dma2 semaphore(%arg45 : memref<!tpu.dma_semaphore, #tpu.memory_space<semaphore_mem>>) src(%arg21 : memref<128x8xf32, #tpu.memory_space<vmem>>) dst(%dma_wait3A_454 : memref<128x8xf32, #tpu.memory_space<hbm>>)
        } else {
        }
        %mul3A_431 = arith.constant 128 : i32
        %mul3A_432 = arith.muli %add3A_285, %mul3A_431 : i32
        %mul3A_433 = arith.constant 128 : i32
        %mul3A_434 = arith.muli %add3A_285, %mul3A_433 : i32
        %dma_start3A_435 = tpu.memref_slice %arg8[%mul3A_432] : memref<5120xi32, #tpu.memory_space<vmem>> -> memref<128xi32, #tpu.memory_space<vmem>>
        %dma_start3A_436 = arith.constant 0 : i32
        %dma_start3A_437 = arith.constant 0 : i32
        %dma_start3A_438 = tpu.memref_slice %arg2[%dma_start3A_436, %dma_start3A_437] : memref<10000x8xf32, #tpu.memory_space<hbm>> -> memref<10000x8xf32, #tpu.memory_space<hbm>>
        tpu.enqueue_indirect_dma source(%dma_start3A_438 : memref<10000x8xf32, #tpu.memory_space<hbm>>) target(%arg15 : memref<128x8xf32, #tpu.memory_space<vmem>>) offsets(%dma_start3A_435 : memref<128xi32, #tpu.memory_space<vmem>>) semaphore(%arg27 : memref<!tpu.dma_semaphore, #tpu.memory_space<semaphore_mem>>)
        %dma_start3A_439 = tpu.memref_slice %arg9[%mul3A_434] : memref<5120xi32, #tpu.memory_space<vmem>> -> memref<128xi32, #tpu.memory_space<vmem>>
        %dma_start3A_440 = arith.constant 0 : i32
        %dma_start3A_441 = arith.constant 0 : i32
        %dma_start3A_442 = tpu.memref_slice %arg3[%dma_start3A_440, %dma_start3A_441] : memref<10000x8xf32, #tpu.memory_space<hbm>> -> memref<10000x8xf32, #tpu.memory_space<hbm>>
        tpu.enqueue_indirect_dma source(%dma_start3A_442 : memref<10000x8xf32, #tpu.memory_space<hbm>>) target(%arg21 : memref<128x8xf32, #tpu.memory_space<vmem>>) offsets(%dma_start3A_439 : memref<128xi32, #tpu.memory_space<vmem>>) semaphore(%arg33 : memref<!tpu.dma_semaphore, #tpu.memory_space<semaphore_mem>>)
      } else {
      }
      %mul3A_291 = arith.constant 6 : i32
      %mul3A_292 = arith.muli %scan3A_225, %mul3A_291 : i32
      %add3A_293 = arith.constant 2 : i32
      %add3A_294 = arith.addi %mul3A_292, %add3A_293 : i32
      %mul3A_295 = arith.constant 128 : i32
      %mul3A_296 = arith.muli %add3A_294, %mul3A_295 : i32
      %mul3A_297 = arith.constant 128 : i32
      %mul3A_298 = arith.muli %add3A_294, %mul3A_297 : i32
      %dma_wait3A_299 = tpu.memref_slice %arg8[%mul3A_296] : memref<5120xi32, #tpu.memory_space<vmem>> -> memref<128xi32, #tpu.memory_space<vmem>>
      %dma_wait3A_300 = arith.constant 0 : i32
      %dma_wait3A_301 = arith.constant 0 : i32
      %dma_wait3A_302 = tpu.memref_slice %arg2[%dma_wait3A_300, %dma_wait3A_301] : memref<10000x8xf32, #tpu.memory_space<hbm>> -> memref<10000x8xf32, #tpu.memory_space<hbm>>
      tpu.wait_indirect_dma semaphore(%arg24 : memref<!tpu.dma_semaphore, #tpu.memory_space<semaphore_mem>>) src(%dma_wait3A_302 : memref<10000x8xf32, #tpu.memory_space<hbm>>) dst(%arg12 : memref<128x8xf32, #tpu.memory_space<vmem>>)
      %dma_wait3A_303 = tpu.memref_slice %arg9[%mul3A_298] : memref<5120xi32, #tpu.memory_space<vmem>> -> memref<128xi32, #tpu.memory_space<vmem>>
      %dma_wait3A_304 = arith.constant 0 : i32
      %dma_wait3A_305 = arith.constant 0 : i32
      %dma_wait3A_306 = tpu.memref_slice %arg3[%dma_wait3A_304, %dma_wait3A_305] : memref<10000x8xf32, #tpu.memory_space<hbm>> -> memref<10000x8xf32, #tpu.memory_space<hbm>>
      tpu.wait_indirect_dma semaphore(%arg30 : memref<!tpu.dma_semaphore, #tpu.memory_space<semaphore_mem>>) src(%dma_wait3A_306 : memref<10000x8xf32, #tpu.memory_space<hbm>>) dst(%arg18 : memref<128x8xf32, #tpu.memory_space<vmem>>)
      %mul3A_307 = arith.constant 128 : i32
      %mul3A_308 = arith.muli %add3A_294, %mul3A_307 : i32
      %add3A_309 = arith.addi %mul3A_6, %mul3A_308 : i32
      %dma_start3A_310 = arith.constant 0 : i32
      %dma_start3A_311 = tpu.memref_slice %arg6[%add3A_309, %dma_start3A_310] : memref<163840x8xf32, #tpu.memory_space<hbm>> -> memref<128x8xf32, #tpu.memory_space<hbm>>
      %dma_start3A_312 = arith.constant 0 : i32
      %dma_start3A_313 = tpu.memref_slice %arg6[%add3A_309, %dma_start3A_312] : memref<163840x8xf32, #tpu.memory_space<hbm>> -> memref<128x8xf32, #tpu.memory_space<hbm>>
      tpu.enqueue_dma source(%arg12 : memref<128x8xf32, #tpu.memory_space<vmem>>) target(%dma_start3A_313 : memref<128x8xf32, #tpu.memory_space<hbm>>) target_semaphore(%arg36 : memref<!tpu.dma_semaphore, #tpu.memory_space<semaphore_mem>>)
      %dma_start3A_314 = arith.constant 0 : i32
      %dma_start3A_315 = tpu.memref_slice %arg7[%add3A_309, %dma_start3A_314] : memref<163840x8xf32, #tpu.memory_space<hbm>> -> memref<128x8xf32, #tpu.memory_space<hbm>>
      %dma_start3A_316 = arith.constant 0 : i32
      %dma_start3A_317 = tpu.memref_slice %arg7[%add3A_309, %dma_start3A_316] : memref<163840x8xf32, #tpu.memory_space<hbm>> -> memref<128x8xf32, #tpu.memory_space<hbm>>
      tpu.enqueue_dma source(%arg18 : memref<128x8xf32, #tpu.memory_space<vmem>>) target(%dma_start3A_317 : memref<128x8xf32, #tpu.memory_space<hbm>>) target_semaphore(%arg42 : memref<!tpu.dma_semaphore, #tpu.memory_space<semaphore_mem>>)
      %add3A_318 = arith.constant 4 : i32
      %add3A_319 = arith.addi %add3A_294, %add3A_318 : i32
      %lt3A_320 = arith.constant 40 : i32
      %lt3A_321 = arith.cmpi slt, %add3A_319, %lt3A_320 : i32
      %convert_element_type3A_322 = arith.extui %lt3A_321 : i1 to i32
      %cond3A_323 = arith.constant 0 : i32
      %cond3A_324 = arith.cmpi ne, %convert_element_type3A_322, %cond3A_323 : i32
      scf.if %cond3A_324 {
        %ge3A = arith.constant 2 : i32
        %ge3A_427 = arith.cmpi sge, %add3A_294, %ge3A : i32
        %convert_element_type3A_428 = arith.extui %ge3A_427 : i1 to i32
        %cond3A_429 = arith.constant 0 : i32
        %cond3A_430 = arith.cmpi ne, %convert_element_type3A_428, %cond3A_429 : i32
        scf.if %cond3A_430 {
          %sub3A = arith.constant 2 : i32
          %sub3A_443 = arith.subi %add3A_294, %sub3A : i32
          %mul3A_444 = arith.constant 128 : i32
          %mul3A_445 = arith.muli %sub3A_443, %mul3A_444 : i32
          %add3A_446 = arith.addi %mul3A_6, %mul3A_445 : i32
          %dma_wait3A_447 = arith.constant 0 : i32
          %dma_wait3A_448 = tpu.memref_slice %arg6[%add3A_446, %dma_wait3A_447] : memref<163840x8xf32, #tpu.memory_space<hbm>> -> memref<128x8xf32, #tpu.memory_space<hbm>>
          %dma_wait3A_449 = arith.constant 0 : i32
          %dma_wait3A_450 = tpu.memref_slice %arg6[%add3A_446, %dma_wait3A_449] : memref<163840x8xf32, #tpu.memory_space<hbm>> -> memref<128x8xf32, #tpu.memory_space<hbm>>
          tpu.wait_dma2 semaphore(%arg34 : memref<!tpu.dma_semaphore, #tpu.memory_space<semaphore_mem>>) src(%arg10 : memref<128x8xf32, #tpu.memory_space<vmem>>) dst(%dma_wait3A_450 : memref<128x8xf32, #tpu.memory_space<hbm>>)
          %dma_wait3A_451 = arith.constant 0 : i32
          %dma_wait3A_452 = tpu.memref_slice %arg7[%add3A_446, %dma_wait3A_451] : memref<163840x8xf32, #tpu.memory_space<hbm>> -> memref<128x8xf32, #tpu.memory_space<hbm>>
          %dma_wait3A_453 = arith.constant 0 : i32
          %dma_wait3A_454 = tpu.memref_slice %arg7[%add3A_446, %dma_wait3A_453] : memref<163840x8xf32, #tpu.memory_space<hbm>> -> memref<128x8xf32, #tpu.memory_space<hbm>>
          tpu.wait_dma2 semaphore(%arg40 : memref<!tpu.dma_semaphore, #tpu.memory_space<semaphore_mem>>) src(%arg16 : memref<128x8xf32, #tpu.memory_space<vmem>>) dst(%dma_wait3A_454 : memref<128x8xf32, #tpu.memory_space<hbm>>)
        } else {
        }
        %mul3A_431 = arith.constant 128 : i32
        %mul3A_432 = arith.muli %add3A_319, %mul3A_431 : i32
        %mul3A_433 = arith.constant 128 : i32
        %mul3A_434 = arith.muli %add3A_319, %mul3A_433 : i32
        %dma_start3A_435 = tpu.memref_slice %arg8[%mul3A_432] : memref<5120xi32, #tpu.memory_space<vmem>> -> memref<128xi32, #tpu.memory_space<vmem>>
        %dma_start3A_436 = arith.constant 0 : i32
        %dma_start3A_437 = arith.constant 0 : i32
        %dma_start3A_438 = tpu.memref_slice %arg2[%dma_start3A_436, %dma_start3A_437] : memref<10000x8xf32, #tpu.memory_space<hbm>> -> memref<10000x8xf32, #tpu.memory_space<hbm>>
        tpu.enqueue_indirect_dma source(%dma_start3A_438 : memref<10000x8xf32, #tpu.memory_space<hbm>>) target(%arg10 : memref<128x8xf32, #tpu.memory_space<vmem>>) offsets(%dma_start3A_435 : memref<128xi32, #tpu.memory_space<vmem>>) semaphore(%arg22 : memref<!tpu.dma_semaphore, #tpu.memory_space<semaphore_mem>>)
        %dma_start3A_439 = tpu.memref_slice %arg9[%mul3A_434] : memref<5120xi32, #tpu.memory_space<vmem>> -> memref<128xi32, #tpu.memory_space<vmem>>
        %dma_start3A_440 = arith.constant 0 : i32
        %dma_start3A_441 = arith.constant 0 : i32
        %dma_start3A_442 = tpu.memref_slice %arg3[%dma_start3A_440, %dma_start3A_441] : memref<10000x8xf32, #tpu.memory_space<hbm>> -> memref<10000x8xf32, #tpu.memory_space<hbm>>
        tpu.enqueue_indirect_dma source(%dma_start3A_442 : memref<10000x8xf32, #tpu.memory_space<hbm>>) target(%arg16 : memref<128x8xf32, #tpu.memory_space<vmem>>) offsets(%dma_start3A_439 : memref<128xi32, #tpu.memory_space<vmem>>) semaphore(%arg28 : memref<!tpu.dma_semaphore, #tpu.memory_space<semaphore_mem>>)
      } else {
      }
      %mul3A_325 = arith.constant 6 : i32
      %mul3A_326 = arith.muli %scan3A_225, %mul3A_325 : i32
      %add3A_327 = arith.constant 3 : i32
      %add3A_328 = arith.addi %mul3A_326, %add3A_327 : i32
      %mul3A_329 = arith.constant 128 : i32
      %mul3A_330 = arith.muli %add3A_328, %mul3A_329 : i32
      %mul3A_331 = arith.constant 128 : i32
      %mul3A_332 = arith.muli %add3A_328, %mul3A_331 : i32
      %dma_wait3A_333 = tpu.memref_slice %arg8[%mul3A_330] : memref<5120xi32, #tpu.memory_space<vmem>> -> memref<128xi32, #tpu.memory_space<vmem>>
      %dma_wait3A_334 = arith.constant 0 : i32
      %dma_wait3A_335 = arith.constant 0 : i32
      %dma_wait3A_336 = tpu.memref_slice %arg2[%dma_wait3A_334, %dma_wait3A_335] : memref<10000x8xf32, #tpu.memory_space<hbm>> -> memref<10000x8xf32, #tpu.memory_space<hbm>>
      tpu.wait_indirect_dma semaphore(%arg25 : memref<!tpu.dma_semaphore, #tpu.memory_space<semaphore_mem>>) src(%dma_wait3A_336 : memref<10000x8xf32, #tpu.memory_space<hbm>>) dst(%arg13 : memref<128x8xf32, #tpu.memory_space<vmem>>)
      %dma_wait3A_337 = tpu.memref_slice %arg9[%mul3A_332] : memref<5120xi32, #tpu.memory_space<vmem>> -> memref<128xi32, #tpu.memory_space<vmem>>
      %dma_wait3A_338 = arith.constant 0 : i32
      %dma_wait3A_339 = arith.constant 0 : i32
      %dma_wait3A_340 = tpu.memref_slice %arg3[%dma_wait3A_338, %dma_wait3A_339] : memref<10000x8xf32, #tpu.memory_space<hbm>> -> memref<10000x8xf32, #tpu.memory_space<hbm>>
      tpu.wait_indirect_dma semaphore(%arg31 : memref<!tpu.dma_semaphore, #tpu.memory_space<semaphore_mem>>) src(%dma_wait3A_340 : memref<10000x8xf32, #tpu.memory_space<hbm>>) dst(%arg19 : memref<128x8xf32, #tpu.memory_space<vmem>>)
      %mul3A_341 = arith.constant 128 : i32
      %mul3A_342 = arith.muli %add3A_328, %mul3A_341 : i32
      %add3A_343 = arith.addi %mul3A_6, %mul3A_342 : i32
      %dma_start3A_344 = arith.constant 0 : i32
      %dma_start3A_345 = tpu.memref_slice %arg6[%add3A_343, %dma_start3A_344] : memref<163840x8xf32, #tpu.memory_space<hbm>> -> memref<128x8xf32, #tpu.memory_space<hbm>>
      %dma_start3A_346 = arith.constant 0 : i32
      %dma_start3A_347 = tpu.memref_slice %arg6[%add3A_343, %dma_start3A_346] : memref<163840x8xf32, #tpu.memory_space<hbm>> -> memref<128x8xf32, #tpu.memory_space<hbm>>
      tpu.enqueue_dma source(%arg13 : memref<128x8xf32, #tpu.memory_space<vmem>>) target(%dma_start3A_347 : memref<128x8xf32, #tpu.memory_space<hbm>>) target_semaphore(%arg37 : memref<!tpu.dma_semaphore, #tpu.memory_space<semaphore_mem>>)
      %dma_start3A_348 = arith.constant 0 : i32
      %dma_start3A_349 = tpu.memref_slice %arg7[%add3A_343, %dma_start3A_348] : memref<163840x8xf32, #tpu.memory_space<hbm>> -> memref<128x8xf32, #tpu.memory_space<hbm>>
      %dma_start3A_350 = arith.constant 0 : i32
      %dma_start3A_351 = tpu.memref_slice %arg7[%add3A_343, %dma_start3A_350] : memref<163840x8xf32, #tpu.memory_space<hbm>> -> memref<128x8xf32, #tpu.memory_space<hbm>>
      tpu.enqueue_dma source(%arg19 : memref<128x8xf32, #tpu.memory_space<vmem>>) target(%dma_start3A_351 : memref<128x8xf32, #tpu.memory_space<hbm>>) target_semaphore(%arg43 : memref<!tpu.dma_semaphore, #tpu.memory_space<semaphore_mem>>)
      %add3A_352 = arith.constant 4 : i32
      %add3A_353 = arith.addi %add3A_328, %add3A_352 : i32
      %lt3A_354 = arith.constant 40 : i32
      %lt3A_355 = arith.cmpi slt, %add3A_353, %lt3A_354 : i32
      %convert_element_type3A_356 = arith.extui %lt3A_355 : i1 to i32
      %cond3A_357 = arith.constant 0 : i32
      %cond3A_358 = arith.cmpi ne, %convert_element_type3A_356, %cond3A_357 : i32
      scf.if %cond3A_358 {
        %ge3A = arith.constant 2 : i32
        %ge3A_427 = arith.cmpi sge, %add3A_328, %ge3A : i32
        %convert_element_type3A_428 = arith.extui %ge3A_427 : i1 to i32
        %cond3A_429 = arith.constant 0 : i32
        %cond3A_430 = arith.cmpi ne, %convert_element_type3A_428, %cond3A_429 : i32
        scf.if %cond3A_430 {
          %sub3A = arith.constant 2 : i32
          %sub3A_443 = arith.subi %add3A_328, %sub3A : i32
          %mul3A_444 = arith.constant 128 : i32
          %mul3A_445 = arith.muli %sub3A_443, %mul3A_444 : i32
          %add3A_446 = arith.addi %mul3A_6, %mul3A_445 : i32
          %dma_wait3A_447 = arith.constant 0 : i32
          %dma_wait3A_448 = tpu.memref_slice %arg6[%add3A_446, %dma_wait3A_447] : memref<163840x8xf32, #tpu.memory_space<hbm>> -> memref<128x8xf32, #tpu.memory_space<hbm>>
          %dma_wait3A_449 = arith.constant 0 : i32
          %dma_wait3A_450 = tpu.memref_slice %arg6[%add3A_446, %dma_wait3A_449] : memref<163840x8xf32, #tpu.memory_space<hbm>> -> memref<128x8xf32, #tpu.memory_space<hbm>>
          tpu.wait_dma2 semaphore(%arg35 : memref<!tpu.dma_semaphore, #tpu.memory_space<semaphore_mem>>) src(%arg11 : memref<128x8xf32, #tpu.memory_space<vmem>>) dst(%dma_wait3A_450 : memref<128x8xf32, #tpu.memory_space<hbm>>)
          %dma_wait3A_451 = arith.constant 0 : i32
          %dma_wait3A_452 = tpu.memref_slice %arg7[%add3A_446, %dma_wait3A_451] : memref<163840x8xf32, #tpu.memory_space<hbm>> -> memref<128x8xf32, #tpu.memory_space<hbm>>
          %dma_wait3A_453 = arith.constant 0 : i32
          %dma_wait3A_454 = tpu.memref_slice %arg7[%add3A_446, %dma_wait3A_453] : memref<163840x8xf32, #tpu.memory_space<hbm>> -> memref<128x8xf32, #tpu.memory_space<hbm>>
          tpu.wait_dma2 semaphore(%arg41 : memref<!tpu.dma_semaphore, #tpu.memory_space<semaphore_mem>>) src(%arg17 : memref<128x8xf32, #tpu.memory_space<vmem>>) dst(%dma_wait3A_454 : memref<128x8xf32, #tpu.memory_space<hbm>>)
        } else {
        }
        %mul3A_431 = arith.constant 128 : i32
        %mul3A_432 = arith.muli %add3A_353, %mul3A_431 : i32
        %mul3A_433 = arith.constant 128 : i32
        %mul3A_434 = arith.muli %add3A_353, %mul3A_433 : i32
        %dma_start3A_435 = tpu.memref_slice %arg8[%mul3A_432] : memref<5120xi32, #tpu.memory_space<vmem>> -> memref<128xi32, #tpu.memory_space<vmem>>
        %dma_start3A_436 = arith.constant 0 : i32
        %dma_start3A_437 = arith.constant 0 : i32
        %dma_start3A_438 = tpu.memref_slice %arg2[%dma_start3A_436, %dma_start3A_437] : memref<10000x8xf32, #tpu.memory_space<hbm>> -> memref<10000x8xf32, #tpu.memory_space<hbm>>
        tpu.enqueue_indirect_dma source(%dma_start3A_438 : memref<10000x8xf32, #tpu.memory_space<hbm>>) target(%arg11 : memref<128x8xf32, #tpu.memory_space<vmem>>) offsets(%dma_start3A_435 : memref<128xi32, #tpu.memory_space<vmem>>) semaphore(%arg23 : memref<!tpu.dma_semaphore, #tpu.memory_space<semaphore_mem>>)
        %dma_start3A_439 = tpu.memref_slice %arg9[%mul3A_434] : memref<5120xi32, #tpu.memory_space<vmem>> -> memref<128xi32, #tpu.memory_space<vmem>>
        %dma_start3A_440 = arith.constant 0 : i32
        %dma_start3A_441 = arith.constant 0 : i32
        %dma_start3A_442 = tpu.memref_slice %arg3[%dma_start3A_440, %dma_start3A_441] : memref<10000x8xf32, #tpu.memory_space<hbm>> -> memref<10000x8xf32, #tpu.memory_space<hbm>>
        tpu.enqueue_indirect_dma source(%dma_start3A_442 : memref<10000x8xf32, #tpu.memory_space<hbm>>) target(%arg17 : memref<128x8xf32, #tpu.memory_space<vmem>>) offsets(%dma_start3A_439 : memref<128xi32, #tpu.memory_space<vmem>>) semaphore(%arg29 : memref<!tpu.dma_semaphore, #tpu.memory_space<semaphore_mem>>)
      } else {
      }
      %mul3A_359 = arith.constant 6 : i32
      %mul3A_360 = arith.muli %scan3A_225, %mul3A_359 : i32
      %add3A_361 = arith.constant 4 : i32
      %add3A_362 = arith.addi %mul3A_360, %add3A_361 : i32
      %mul3A_363 = arith.constant 128 : i32
      %mul3A_364 = arith.muli %add3A_362, %mul3A_363 : i32
      %mul3A_365 = arith.constant 128 : i32
      %mul3A_366 = arith.muli %add3A_362, %mul3A_365 : i32
      %dma_wait3A_367 = tpu.memref_slice %arg8[%mul3A_364] : memref<5120xi32, #tpu.memory_space<vmem>> -> memref<128xi32, #tpu.memory_space<vmem>>
      %dma_wait3A_368 = arith.constant 0 : i32
      %dma_wait3A_369 = arith.constant 0 : i32
      %dma_wait3A_370 = tpu.memref_slice %arg2[%dma_wait3A_368, %dma_wait3A_369] : memref<10000x8xf32, #tpu.memory_space<hbm>> -> memref<10000x8xf32, #tpu.memory_space<hbm>>
      tpu.wait_indirect_dma semaphore(%arg26 : memref<!tpu.dma_semaphore, #tpu.memory_space<semaphore_mem>>) src(%dma_wait3A_370 : memref<10000x8xf32, #tpu.memory_space<hbm>>) dst(%arg14 : memref<128x8xf32, #tpu.memory_space<vmem>>)
      %dma_wait3A_371 = tpu.memref_slice %arg9[%mul3A_366] : memref<5120xi32, #tpu.memory_space<vmem>> -> memref<128xi32, #tpu.memory_space<vmem>>
      %dma_wait3A_372 = arith.constant 0 : i32
      %dma_wait3A_373 = arith.constant 0 : i32
      %dma_wait3A_374 = tpu.memref_slice %arg3[%dma_wait3A_372, %dma_wait3A_373] : memref<10000x8xf32, #tpu.memory_space<hbm>> -> memref<10000x8xf32, #tpu.memory_space<hbm>>
      tpu.wait_indirect_dma semaphore(%arg32 : memref<!tpu.dma_semaphore, #tpu.memory_space<semaphore_mem>>) src(%dma_wait3A_374 : memref<10000x8xf32, #tpu.memory_space<hbm>>) dst(%arg20 : memref<128x8xf32, #tpu.memory_space<vmem>>)
      %mul3A_375 = arith.constant 128 : i32
      %mul3A_376 = arith.muli %add3A_362, %mul3A_375 : i32
      %add3A_377 = arith.addi %mul3A_6, %mul3A_376 : i32
      %dma_start3A_378 = arith.constant 0 : i32
      %dma_start3A_379 = tpu.memref_slice %arg6[%add3A_377, %dma_start3A_378] : memref<163840x8xf32, #tpu.memory_space<hbm>> -> memref<128x8xf32, #tpu.memory_space<hbm>>
      %dma_start3A_380 = arith.constant 0 : i32
      %dma_start3A_381 = tpu.memref_slice %arg6[%add3A_377, %dma_start3A_380] : memref<163840x8xf32, #tpu.memory_space<hbm>> -> memref<128x8xf32, #tpu.memory_space<hbm>>
      tpu.enqueue_dma source(%arg14 : memref<128x8xf32, #tpu.memory_space<vmem>>) target(%dma_start3A_381 : memref<128x8xf32, #tpu.memory_space<hbm>>) target_semaphore(%arg38 : memref<!tpu.dma_semaphore, #tpu.memory_space<semaphore_mem>>)
      %dma_start3A_382 = arith.constant 0 : i32
      %dma_start3A_383 = tpu.memref_slice %arg7[%add3A_377, %dma_start3A_382] : memref<163840x8xf32, #tpu.memory_space<hbm>> -> memref<128x8xf32, #tpu.memory_space<hbm>>
      %dma_start3A_384 = arith.constant 0 : i32
      %dma_start3A_385 = tpu.memref_slice %arg7[%add3A_377, %dma_start3A_384] : memref<163840x8xf32, #tpu.memory_space<hbm>> -> memref<128x8xf32, #tpu.memory_space<hbm>>
      tpu.enqueue_dma source(%arg20 : memref<128x8xf32, #tpu.memory_space<vmem>>) target(%dma_start3A_385 : memref<128x8xf32, #tpu.memory_space<hbm>>) target_semaphore(%arg44 : memref<!tpu.dma_semaphore, #tpu.memory_space<semaphore_mem>>)
      %add3A_386 = arith.constant 4 : i32
      %add3A_387 = arith.addi %add3A_362, %add3A_386 : i32
      %lt3A_388 = arith.constant 40 : i32
      %lt3A_389 = arith.cmpi slt, %add3A_387, %lt3A_388 : i32
      %convert_element_type3A_390 = arith.extui %lt3A_389 : i1 to i32
      %cond3A_391 = arith.constant 0 : i32
      %cond3A_392 = arith.cmpi ne, %convert_element_type3A_390, %cond3A_391 : i32
      scf.if %cond3A_392 {
        %ge3A = arith.constant 2 : i32
        %ge3A_427 = arith.cmpi sge, %add3A_362, %ge3A : i32
        %convert_element_type3A_428 = arith.extui %ge3A_427 : i1 to i32
        %cond3A_429 = arith.constant 0 : i32
        %cond3A_430 = arith.cmpi ne, %convert_element_type3A_428, %cond3A_429 : i32
        scf.if %cond3A_430 {
          %sub3A = arith.constant 2 : i32
          %sub3A_443 = arith.subi %add3A_362, %sub3A : i32
          %mul3A_444 = arith.constant 128 : i32
          %mul3A_445 = arith.muli %sub3A_443, %mul3A_444 : i32
          %add3A_446 = arith.addi %mul3A_6, %mul3A_445 : i32
          %dma_wait3A_447 = arith.constant 0 : i32
          %dma_wait3A_448 = tpu.memref_slice %arg6[%add3A_446, %dma_wait3A_447] : memref<163840x8xf32, #tpu.memory_space<hbm>> -> memref<128x8xf32, #tpu.memory_space<hbm>>
          %dma_wait3A_449 = arith.constant 0 : i32
          %dma_wait3A_450 = tpu.memref_slice %arg6[%add3A_446, %dma_wait3A_449] : memref<163840x8xf32, #tpu.memory_space<hbm>> -> memref<128x8xf32, #tpu.memory_space<hbm>>
          tpu.wait_dma2 semaphore(%arg36 : memref<!tpu.dma_semaphore, #tpu.memory_space<semaphore_mem>>) src(%arg12 : memref<128x8xf32, #tpu.memory_space<vmem>>) dst(%dma_wait3A_450 : memref<128x8xf32, #tpu.memory_space<hbm>>)
          %dma_wait3A_451 = arith.constant 0 : i32
          %dma_wait3A_452 = tpu.memref_slice %arg7[%add3A_446, %dma_wait3A_451] : memref<163840x8xf32, #tpu.memory_space<hbm>> -> memref<128x8xf32, #tpu.memory_space<hbm>>
          %dma_wait3A_453 = arith.constant 0 : i32
          %dma_wait3A_454 = tpu.memref_slice %arg7[%add3A_446, %dma_wait3A_453] : memref<163840x8xf32, #tpu.memory_space<hbm>> -> memref<128x8xf32, #tpu.memory_space<hbm>>
          tpu.wait_dma2 semaphore(%arg42 : memref<!tpu.dma_semaphore, #tpu.memory_space<semaphore_mem>>) src(%arg18 : memref<128x8xf32, #tpu.memory_space<vmem>>) dst(%dma_wait3A_454 : memref<128x8xf32, #tpu.memory_space<hbm>>)
        } else {
        }
        %mul3A_431 = arith.constant 128 : i32
        %mul3A_432 = arith.muli %add3A_387, %mul3A_431 : i32
        %mul3A_433 = arith.constant 128 : i32
        %mul3A_434 = arith.muli %add3A_387, %mul3A_433 : i32
        %dma_start3A_435 = tpu.memref_slice %arg8[%mul3A_432] : memref<5120xi32, #tpu.memory_space<vmem>> -> memref<128xi32, #tpu.memory_space<vmem>>
        %dma_start3A_436 = arith.constant 0 : i32
        %dma_start3A_437 = arith.constant 0 : i32
        %dma_start3A_438 = tpu.memref_slice %arg2[%dma_start3A_436, %dma_start3A_437] : memref<10000x8xf32, #tpu.memory_space<hbm>> -> memref<10000x8xf32, #tpu.memory_space<hbm>>
        tpu.enqueue_indirect_dma source(%dma_start3A_438 : memref<10000x8xf32, #tpu.memory_space<hbm>>) target(%arg12 : memref<128x8xf32, #tpu.memory_space<vmem>>) offsets(%dma_start3A_435 : memref<128xi32, #tpu.memory_space<vmem>>) semaphore(%arg24 : memref<!tpu.dma_semaphore, #tpu.memory_space<semaphore_mem>>)
        %dma_start3A_439 = tpu.memref_slice %arg9[%mul3A_434] : memref<5120xi32, #tpu.memory_space<vmem>> -> memref<128xi32, #tpu.memory_space<vmem>>
        %dma_start3A_440 = arith.constant 0 : i32
        %dma_start3A_441 = arith.constant 0 : i32
        %dma_start3A_442 = tpu.memref_slice %arg3[%dma_start3A_440, %dma_start3A_441] : memref<10000x8xf32, #tpu.memory_space<hbm>> -> memref<10000x8xf32, #tpu.memory_space<hbm>>
        tpu.enqueue_indirect_dma source(%dma_start3A_442 : memref<10000x8xf32, #tpu.memory_space<hbm>>) target(%arg18 : memref<128x8xf32, #tpu.memory_space<vmem>>) offsets(%dma_start3A_439 : memref<128xi32, #tpu.memory_space<vmem>>) semaphore(%arg30 : memref<!tpu.dma_semaphore, #tpu.memory_space<semaphore_mem>>)
      } else {
      }
      %mul3A_393 = arith.constant 6 : i32
      %mul3A_394 = arith.muli %scan3A_225, %mul3A_393 : i32
      %add3A_395 = arith.constant 5 : i32
      %add3A_396 = arith.addi %mul3A_394, %add3A_395 : i32
      %mul3A_397 = arith.constant 128 : i32
      %mul3A_398 = arith.muli %add3A_396, %mul3A_397 : i32
      %mul3A_399 = arith.constant 128 : i32
      %mul3A_400 = arith.muli %add3A_396, %mul3A_399 : i32
      %dma_wait3A_401 = tpu.memref_slice %arg8[%mul3A_398] : memref<5120xi32, #tpu.memory_space<vmem>> -> memref<128xi32, #tpu.memory_space<vmem>>
      %dma_wait3A_402 = arith.constant 0 : i32
      %dma_wait3A_403 = arith.constant 0 : i32
      %dma_wait3A_404 = tpu.memref_slice %arg2[%dma_wait3A_402, %dma_wait3A_403] : memref<10000x8xf32, #tpu.memory_space<hbm>> -> memref<10000x8xf32, #tpu.memory_space<hbm>>
      tpu.wait_indirect_dma semaphore(%arg27 : memref<!tpu.dma_semaphore, #tpu.memory_space<semaphore_mem>>) src(%dma_wait3A_404 : memref<10000x8xf32, #tpu.memory_space<hbm>>) dst(%arg15 : memref<128x8xf32, #tpu.memory_space<vmem>>)
      %dma_wait3A_405 = tpu.memref_slice %arg9[%mul3A_400] : memref<5120xi32, #tpu.memory_space<vmem>> -> memref<128xi32, #tpu.memory_space<vmem>>
      %dma_wait3A_406 = arith.constant 0 : i32
      %dma_wait3A_407 = arith.constant 0 : i32
      %dma_wait3A_408 = tpu.memref_slice %arg3[%dma_wait3A_406, %dma_wait3A_407] : memref<10000x8xf32, #tpu.memory_space<hbm>> -> memref<10000x8xf32, #tpu.memory_space<hbm>>
      tpu.wait_indirect_dma semaphore(%arg33 : memref<!tpu.dma_semaphore, #tpu.memory_space<semaphore_mem>>) src(%dma_wait3A_408 : memref<10000x8xf32, #tpu.memory_space<hbm>>) dst(%arg21 : memref<128x8xf32, #tpu.memory_space<vmem>>)
      %mul3A_409 = arith.constant 128 : i32
      %mul3A_410 = arith.muli %add3A_396, %mul3A_409 : i32
      %add3A_411 = arith.addi %mul3A_6, %mul3A_410 : i32
      %dma_start3A_412 = arith.constant 0 : i32
      %dma_start3A_413 = tpu.memref_slice %arg6[%add3A_411, %dma_start3A_412] : memref<163840x8xf32, #tpu.memory_space<hbm>> -> memref<128x8xf32, #tpu.memory_space<hbm>>
      %dma_start3A_414 = arith.constant 0 : i32
      %dma_start3A_415 = tpu.memref_slice %arg6[%add3A_411, %dma_start3A_414] : memref<163840x8xf32, #tpu.memory_space<hbm>> -> memref<128x8xf32, #tpu.memory_space<hbm>>
      tpu.enqueue_dma source(%arg15 : memref<128x8xf32, #tpu.memory_space<vmem>>) target(%dma_start3A_415 : memref<128x8xf32, #tpu.memory_space<hbm>>) target_semaphore(%arg39 : memref<!tpu.dma_semaphore, #tpu.memory_space<semaphore_mem>>)
      %dma_start3A_416 = arith.constant 0 : i32
      %dma_start3A_417 = tpu.memref_slice %arg7[%add3A_411, %dma_start3A_416] : memref<163840x8xf32, #tpu.memory_space<hbm>> -> memref<128x8xf32, #tpu.memory_space<hbm>>
      %dma_start3A_418 = arith.constant 0 : i32
      %dma_start3A_419 = tpu.memref_slice %arg7[%add3A_411, %dma_start3A_418] : memref<163840x8xf32, #tpu.memory_space<hbm>> -> memref<128x8xf32, #tpu.memory_space<hbm>>
      tpu.enqueue_dma source(%arg21 : memref<128x8xf32, #tpu.memory_space<vmem>>) target(%dma_start3A_419 : memref<128x8xf32, #tpu.memory_space<hbm>>) target_semaphore(%arg45 : memref<!tpu.dma_semaphore, #tpu.memory_space<semaphore_mem>>)
      %add3A_420 = arith.constant 4 : i32
      %add3A_421 = arith.addi %add3A_396, %add3A_420 : i32
      %lt3A_422 = arith.constant 40 : i32
      %lt3A_423 = arith.cmpi slt, %add3A_421, %lt3A_422 : i32
      %convert_element_type3A_424 = arith.extui %lt3A_423 : i1 to i32
      %cond3A_425 = arith.constant 0 : i32
      %cond3A_426 = arith.cmpi ne, %convert_element_type3A_424, %cond3A_425 : i32
      scf.if %cond3A_426 {
        %ge3A = arith.constant 2 : i32
        %ge3A_427 = arith.cmpi sge, %add3A_396, %ge3A : i32
        %convert_element_type3A_428 = arith.extui %ge3A_427 : i1 to i32
        %cond3A_429 = arith.constant 0 : i32
        %cond3A_430 = arith.cmpi ne, %convert_element_type3A_428, %cond3A_429 : i32
        scf.if %cond3A_430 {
          %sub3A = arith.constant 2 : i32
          %sub3A_443 = arith.subi %add3A_396, %sub3A : i32
          %mul3A_444 = arith.constant 128 : i32
          %mul3A_445 = arith.muli %sub3A_443, %mul3A_444 : i32
          %add3A_446 = arith.addi %mul3A_6, %mul3A_445 : i32
          %dma_wait3A_447 = arith.constant 0 : i32
          %dma_wait3A_448 = tpu.memref_slice %arg6[%add3A_446, %dma_wait3A_447] : memref<163840x8xf32, #tpu.memory_space<hbm>> -> memref<128x8xf32, #tpu.memory_space<hbm>>
          %dma_wait3A_449 = arith.constant 0 : i32
          %dma_wait3A_450 = tpu.memref_slice %arg6[%add3A_446, %dma_wait3A_449] : memref<163840x8xf32, #tpu.memory_space<hbm>> -> memref<128x8xf32, #tpu.memory_space<hbm>>
          tpu.wait_dma2 semaphore(%arg37 : memref<!tpu.dma_semaphore, #tpu.memory_space<semaphore_mem>>) src(%arg13 : memref<128x8xf32, #tpu.memory_space<vmem>>) dst(%dma_wait3A_450 : memref<128x8xf32, #tpu.memory_space<hbm>>)
          %dma_wait3A_451 = arith.constant 0 : i32
          %dma_wait3A_452 = tpu.memref_slice %arg7[%add3A_446, %dma_wait3A_451] : memref<163840x8xf32, #tpu.memory_space<hbm>> -> memref<128x8xf32, #tpu.memory_space<hbm>>
          %dma_wait3A_453 = arith.constant 0 : i32
          %dma_wait3A_454 = tpu.memref_slice %arg7[%add3A_446, %dma_wait3A_453] : memref<163840x8xf32, #tpu.memory_space<hbm>> -> memref<128x8xf32, #tpu.memory_space<hbm>>
          tpu.wait_dma2 semaphore(%arg43 : memref<!tpu.dma_semaphore, #tpu.memory_space<semaphore_mem>>) src(%arg19 : memref<128x8xf32, #tpu.memory_space<vmem>>) dst(%dma_wait3A_454 : memref<128x8xf32, #tpu.memory_space<hbm>>)
        } else {
        }
        %mul3A_431 = arith.constant 128 : i32
        %mul3A_432 = arith.muli %add3A_421, %mul3A_431 : i32
        %mul3A_433 = arith.constant 128 : i32
        %mul3A_434 = arith.muli %add3A_421, %mul3A_433 : i32
        %dma_start3A_435 = tpu.memref_slice %arg8[%mul3A_432] : memref<5120xi32, #tpu.memory_space<vmem>> -> memref<128xi32, #tpu.memory_space<vmem>>
        %dma_start3A_436 = arith.constant 0 : i32
        %dma_start3A_437 = arith.constant 0 : i32
        %dma_start3A_438 = tpu.memref_slice %arg2[%dma_start3A_436, %dma_start3A_437] : memref<10000x8xf32, #tpu.memory_space<hbm>> -> memref<10000x8xf32, #tpu.memory_space<hbm>>
        tpu.enqueue_indirect_dma source(%dma_start3A_438 : memref<10000x8xf32, #tpu.memory_space<hbm>>) target(%arg13 : memref<128x8xf32, #tpu.memory_space<vmem>>) offsets(%dma_start3A_435 : memref<128xi32, #tpu.memory_space<vmem>>) semaphore(%arg25 : memref<!tpu.dma_semaphore, #tpu.memory_space<semaphore_mem>>)
        %dma_start3A_439 = tpu.memref_slice %arg9[%mul3A_434] : memref<5120xi32, #tpu.memory_space<vmem>> -> memref<128xi32, #tpu.memory_space<vmem>>
        %dma_start3A_440 = arith.constant 0 : i32
        %dma_start3A_441 = arith.constant 0 : i32
        %dma_start3A_442 = tpu.memref_slice %arg3[%dma_start3A_440, %dma_start3A_441] : memref<10000x8xf32, #tpu.memory_space<hbm>> -> memref<10000x8xf32, #tpu.memory_space<hbm>>
        tpu.enqueue_indirect_dma source(%dma_start3A_442 : memref<10000x8xf32, #tpu.memory_space<hbm>>) target(%arg19 : memref<128x8xf32, #tpu.memory_space<vmem>>) offsets(%dma_start3A_439 : memref<128xi32, #tpu.memory_space<vmem>>) semaphore(%arg31 : memref<!tpu.dma_semaphore, #tpu.memory_space<semaphore_mem>>)
      } else {
      }
    }
    %scan3A_72 = arith.constant 6 : i32
    %dma_wait3A_73 = arith.constant 4608 : i32
    %dma_wait3A_74 = tpu.memref_slice %arg8[%dma_wait3A_73] : memref<5120xi32, #tpu.memory_space<vmem>> -> memref<128xi32, #tpu.memory_space<vmem>>
    %dma_wait3A_75 = arith.constant 0 : i32
    %dma_wait3A_76 = arith.constant 0 : i32
    %dma_wait3A_77 = tpu.memref_slice %arg2[%dma_wait3A_75, %dma_wait3A_76] : memref<10000x8xf32, #tpu.memory_space<hbm>> -> memref<10000x8xf32, #tpu.memory_space<hbm>>
    tpu.wait_indirect_dma semaphore(%arg22 : memref<!tpu.dma_semaphore, #tpu.memory_space<semaphore_mem>>) src(%dma_wait3A_77 : memref<10000x8xf32, #tpu.memory_space<hbm>>) dst(%arg10 : memref<128x8xf32, #tpu.memory_space<vmem>>)
    %dma_wait3A_78 = arith.constant 4608 : i32
    %dma_wait3A_79 = tpu.memref_slice %arg9[%dma_wait3A_78] : memref<5120xi32, #tpu.memory_space<vmem>> -> memref<128xi32, #tpu.memory_space<vmem>>
    %dma_wait3A_80 = arith.constant 0 : i32
    %dma_wait3A_81 = arith.constant 0 : i32
    %dma_wait3A_82 = tpu.memref_slice %arg3[%dma_wait3A_80, %dma_wait3A_81] : memref<10000x8xf32, #tpu.memory_space<hbm>> -> memref<10000x8xf32, #tpu.memory_space<hbm>>
    tpu.wait_indirect_dma semaphore(%arg28 : memref<!tpu.dma_semaphore, #tpu.memory_space<semaphore_mem>>) src(%dma_wait3A_82 : memref<10000x8xf32, #tpu.memory_space<hbm>>) dst(%arg16 : memref<128x8xf32, #tpu.memory_space<vmem>>)
    %add3A_83 = arith.constant 4608 : i32
    %add3A_84 = arith.addi %mul3A_6, %add3A_83 : i32
    %dma_start3A_85 = arith.constant 0 : i32
    %dma_start3A_86 = tpu.memref_slice %arg6[%add3A_84, %dma_start3A_85] : memref<163840x8xf32, #tpu.memory_space<hbm>> -> memref<128x8xf32, #tpu.memory_space<hbm>>
    %dma_start3A_87 = arith.constant 0 : i32
    %dma_start3A_88 = tpu.memref_slice %arg6[%add3A_84, %dma_start3A_87] : memref<163840x8xf32, #tpu.memory_space<hbm>> -> memref<128x8xf32, #tpu.memory_space<hbm>>
    tpu.enqueue_dma source(%arg10 : memref<128x8xf32, #tpu.memory_space<vmem>>) target(%dma_start3A_88 : memref<128x8xf32, #tpu.memory_space<hbm>>) target_semaphore(%arg34 : memref<!tpu.dma_semaphore, #tpu.memory_space<semaphore_mem>>)
    %dma_start3A_89 = arith.constant 0 : i32
    %dma_start3A_90 = tpu.memref_slice %arg7[%add3A_84, %dma_start3A_89] : memref<163840x8xf32, #tpu.memory_space<hbm>> -> memref<128x8xf32, #tpu.memory_space<hbm>>
    %dma_start3A_91 = arith.constant 0 : i32
    %dma_start3A_92 = tpu.memref_slice %arg7[%add3A_84, %dma_start3A_91] : memref<163840x8xf32, #tpu.memory_space<hbm>> -> memref<128x8xf32, #tpu.memory_space<hbm>>
    tpu.enqueue_dma source(%arg16 : memref<128x8xf32, #tpu.memory_space<vmem>>) target(%dma_start3A_92 : memref<128x8xf32, #tpu.memory_space<hbm>>) target_semaphore(%arg40 : memref<!tpu.dma_semaphore, #tpu.memory_space<semaphore_mem>>)
    %dma_wait3A_93 = arith.constant 4736 : i32
    %dma_wait3A_94 = tpu.memref_slice %arg8[%dma_wait3A_93] : memref<5120xi32, #tpu.memory_space<vmem>> -> memref<128xi32, #tpu.memory_space<vmem>>
    %dma_wait3A_95 = arith.constant 0 : i32
    %dma_wait3A_96 = arith.constant 0 : i32
    %dma_wait3A_97 = tpu.memref_slice %arg2[%dma_wait3A_95, %dma_wait3A_96] : memref<10000x8xf32, #tpu.memory_space<hbm>> -> memref<10000x8xf32, #tpu.memory_space<hbm>>
    tpu.wait_indirect_dma semaphore(%arg23 : memref<!tpu.dma_semaphore, #tpu.memory_space<semaphore_mem>>) src(%dma_wait3A_97 : memref<10000x8xf32, #tpu.memory_space<hbm>>) dst(%arg11 : memref<128x8xf32, #tpu.memory_space<vmem>>)
    %dma_wait3A_98 = arith.constant 4736 : i32
    %dma_wait3A_99 = tpu.memref_slice %arg9[%dma_wait3A_98] : memref<5120xi32, #tpu.memory_space<vmem>> -> memref<128xi32, #tpu.memory_space<vmem>>
    %dma_wait3A_100 = arith.constant 0 : i32
    %dma_wait3A_101 = arith.constant 0 : i32
    %dma_wait3A_102 = tpu.memref_slice %arg3[%dma_wait3A_100, %dma_wait3A_101] : memref<10000x8xf32, #tpu.memory_space<hbm>> -> memref<10000x8xf32, #tpu.memory_space<hbm>>
    tpu.wait_indirect_dma semaphore(%arg29 : memref<!tpu.dma_semaphore, #tpu.memory_space<semaphore_mem>>) src(%dma_wait3A_102 : memref<10000x8xf32, #tpu.memory_space<hbm>>) dst(%arg17 : memref<128x8xf32, #tpu.memory_space<vmem>>)
    %add3A_103 = arith.constant 4736 : i32
    %add3A_104 = arith.addi %mul3A_6, %add3A_103 : i32
    %dma_start3A_105 = arith.constant 0 : i32
    %dma_start3A_106 = tpu.memref_slice %arg6[%add3A_104, %dma_start3A_105] : memref<163840x8xf32, #tpu.memory_space<hbm>> -> memref<128x8xf32, #tpu.memory_space<hbm>>
    %dma_start3A_107 = arith.constant 0 : i32
    %dma_start3A_108 = tpu.memref_slice %arg6[%add3A_104, %dma_start3A_107] : memref<163840x8xf32, #tpu.memory_space<hbm>> -> memref<128x8xf32, #tpu.memory_space<hbm>>
    tpu.enqueue_dma source(%arg11 : memref<128x8xf32, #tpu.memory_space<vmem>>) target(%dma_start3A_108 : memref<128x8xf32, #tpu.memory_space<hbm>>) target_semaphore(%arg35 : memref<!tpu.dma_semaphore, #tpu.memory_space<semaphore_mem>>)
    %dma_start3A_109 = arith.constant 0 : i32
    %dma_start3A_110 = tpu.memref_slice %arg7[%add3A_104, %dma_start3A_109] : memref<163840x8xf32, #tpu.memory_space<hbm>> -> memref<128x8xf32, #tpu.memory_space<hbm>>
    %dma_start3A_111 = arith.constant 0 : i32
    %dma_start3A_112 = tpu.memref_slice %arg7[%add3A_104, %dma_start3A_111] : memref<163840x8xf32, #tpu.memory_space<hbm>> -> memref<128x8xf32, #tpu.memory_space<hbm>>
    tpu.enqueue_dma source(%arg17 : memref<128x8xf32, #tpu.memory_space<vmem>>) target(%dma_start3A_112 : memref<128x8xf32, #tpu.memory_space<hbm>>) target_semaphore(%arg41 : memref<!tpu.dma_semaphore, #tpu.memory_space<semaphore_mem>>)
    %dma_wait3A_113 = arith.constant 4864 : i32
    %dma_wait3A_114 = tpu.memref_slice %arg8[%dma_wait3A_113] : memref<5120xi32, #tpu.memory_space<vmem>> -> memref<128xi32, #tpu.memory_space<vmem>>
    %dma_wait3A_115 = arith.constant 0 : i32
    %dma_wait3A_116 = arith.constant 0 : i32
    %dma_wait3A_117 = tpu.memref_slice %arg2[%dma_wait3A_115, %dma_wait3A_116] : memref<10000x8xf32, #tpu.memory_space<hbm>> -> memref<10000x8xf32, #tpu.memory_space<hbm>>
    tpu.wait_indirect_dma semaphore(%arg24 : memref<!tpu.dma_semaphore, #tpu.memory_space<semaphore_mem>>) src(%dma_wait3A_117 : memref<10000x8xf32, #tpu.memory_space<hbm>>) dst(%arg12 : memref<128x8xf32, #tpu.memory_space<vmem>>)
    %dma_wait3A_118 = arith.constant 4864 : i32
    %dma_wait3A_119 = tpu.memref_slice %arg9[%dma_wait3A_118] : memref<5120xi32, #tpu.memory_space<vmem>> -> memref<128xi32, #tpu.memory_space<vmem>>
    %dma_wait3A_120 = arith.constant 0 : i32
    %dma_wait3A_121 = arith.constant 0 : i32
    %dma_wait3A_122 = tpu.memref_slice %arg3[%dma_wait3A_120, %dma_wait3A_121] : memref<10000x8xf32, #tpu.memory_space<hbm>> -> memref<10000x8xf32, #tpu.memory_space<hbm>>
    tpu.wait_indirect_dma semaphore(%arg30 : memref<!tpu.dma_semaphore, #tpu.memory_space<semaphore_mem>>) src(%dma_wait3A_122 : memref<10000x8xf32, #tpu.memory_space<hbm>>) dst(%arg18 : memref<128x8xf32, #tpu.memory_space<vmem>>)
    %add3A_123 = arith.constant 4864 : i32
    %add3A_124 = arith.addi %mul3A_6, %add3A_123 : i32
    %dma_start3A_125 = arith.constant 0 : i32
    %dma_start3A_126 = tpu.memref_slice %arg6[%add3A_124, %dma_start3A_125] : memref<163840x8xf32, #tpu.memory_space<hbm>> -> memref<128x8xf32, #tpu.memory_space<hbm>>
    %dma_start3A_127 = arith.constant 0 : i32
    %dma_start3A_128 = tpu.memref_slice %arg6[%add3A_124, %dma_start3A_127] : memref<163840x8xf32, #tpu.memory_space<hbm>> -> memref<128x8xf32, #tpu.memory_space<hbm>>
    tpu.enqueue_dma source(%arg12 : memref<128x8xf32, #tpu.memory_space<vmem>>) target(%dma_start3A_128 : memref<128x8xf32, #tpu.memory_space<hbm>>) target_semaphore(%arg36 : memref<!tpu.dma_semaphore, #tpu.memory_space<semaphore_mem>>)
    %dma_start3A_129 = arith.constant 0 : i32
    %dma_start3A_130 = tpu.memref_slice %arg7[%add3A_124, %dma_start3A_129] : memref<163840x8xf32, #tpu.memory_space<hbm>> -> memref<128x8xf32, #tpu.memory_space<hbm>>
    %dma_start3A_131 = arith.constant 0 : i32
    %dma_start3A_132 = tpu.memref_slice %arg7[%add3A_124, %dma_start3A_131] : memref<163840x8xf32, #tpu.memory_space<hbm>> -> memref<128x8xf32, #tpu.memory_space<hbm>>
    tpu.enqueue_dma source(%arg18 : memref<128x8xf32, #tpu.memory_space<vmem>>) target(%dma_start3A_132 : memref<128x8xf32, #tpu.memory_space<hbm>>) target_semaphore(%arg42 : memref<!tpu.dma_semaphore, #tpu.memory_space<semaphore_mem>>)
    %dma_wait3A_133 = arith.constant 4992 : i32
    %dma_wait3A_134 = tpu.memref_slice %arg8[%dma_wait3A_133] : memref<5120xi32, #tpu.memory_space<vmem>> -> memref<128xi32, #tpu.memory_space<vmem>>
    %dma_wait3A_135 = arith.constant 0 : i32
    %dma_wait3A_136 = arith.constant 0 : i32
    %dma_wait3A_137 = tpu.memref_slice %arg2[%dma_wait3A_135, %dma_wait3A_136] : memref<10000x8xf32, #tpu.memory_space<hbm>> -> memref<10000x8xf32, #tpu.memory_space<hbm>>
    tpu.wait_indirect_dma semaphore(%arg25 : memref<!tpu.dma_semaphore, #tpu.memory_space<semaphore_mem>>) src(%dma_wait3A_137 : memref<10000x8xf32, #tpu.memory_space<hbm>>) dst(%arg13 : memref<128x8xf32, #tpu.memory_space<vmem>>)
    %dma_wait3A_138 = arith.constant 4992 : i32
    %dma_wait3A_139 = tpu.memref_slice %arg9[%dma_wait3A_138] : memref<5120xi32, #tpu.memory_space<vmem>> -> memref<128xi32, #tpu.memory_space<vmem>>
    %dma_wait3A_140 = arith.constant 0 : i32
    %dma_wait3A_141 = arith.constant 0 : i32
    %dma_wait3A_142 = tpu.memref_slice %arg3[%dma_wait3A_140, %dma_wait3A_141] : memref<10000x8xf32, #tpu.memory_space<hbm>> -> memref<10000x8xf32, #tpu.memory_space<hbm>>
    tpu.wait_indirect_dma semaphore(%arg31 : memref<!tpu.dma_semaphore, #tpu.memory_space<semaphore_mem>>) src(%dma_wait3A_142 : memref<10000x8xf32, #tpu.memory_space<hbm>>) dst(%arg19 : memref<128x8xf32, #tpu.memory_space<vmem>>)
    %add3A_143 = arith.constant 4992 : i32
    %add3A_144 = arith.addi %mul3A_6, %add3A_143 : i32
    %dma_start3A_145 = arith.constant 0 : i32
    %dma_start3A_146 = tpu.memref_slice %arg6[%add3A_144, %dma_start3A_145] : memref<163840x8xf32, #tpu.memory_space<hbm>> -> memref<128x8xf32, #tpu.memory_space<hbm>>
    %dma_start3A_147 = arith.constant 0 : i32
    %dma_start3A_148 = tpu.memref_slice %arg6[%add3A_144, %dma_start3A_147] : memref<163840x8xf32, #tpu.memory_space<hbm>> -> memref<128x8xf32, #tpu.memory_space<hbm>>
    tpu.enqueue_dma source(%arg13 : memref<128x8xf32, #tpu.memory_space<vmem>>) target(%dma_start3A_148 : memref<128x8xf32, #tpu.memory_space<hbm>>) target_semaphore(%arg37 : memref<!tpu.dma_semaphore, #tpu.memory_space<semaphore_mem>>)
    %dma_start3A_149 = arith.constant 0 : i32
    %dma_start3A_150 = tpu.memref_slice %arg7[%add3A_144, %dma_start3A_149] : memref<163840x8xf32, #tpu.memory_space<hbm>> -> memref<128x8xf32, #tpu.memory_space<hbm>>
    %dma_start3A_151 = arith.constant 0 : i32
    %dma_start3A_152 = tpu.memref_slice %arg7[%add3A_144, %dma_start3A_151] : memref<163840x8xf32, #tpu.memory_space<hbm>> -> memref<128x8xf32, #tpu.memory_space<hbm>>
    tpu.enqueue_dma source(%arg19 : memref<128x8xf32, #tpu.memory_space<vmem>>) target(%dma_start3A_152 : memref<128x8xf32, #tpu.memory_space<hbm>>) target_semaphore(%arg43 : memref<!tpu.dma_semaphore, #tpu.memory_space<semaphore_mem>>)
    %mul3A_153 = arith.constant 34 : i32
    %mul3A_154 = arith.constant 128 : i32
    %mul3A_155 = arith.muli %mul3A_153, %mul3A_154 : i32
    %add3A_156 = arith.addi %mul3A_6, %mul3A_155 : i32
    %dma_wait3A_157 = arith.constant 0 : i32
    %dma_wait3A_158 = tpu.memref_slice %arg6[%add3A_156, %dma_wait3A_157] : memref<163840x8xf32, #tpu.memory_space<hbm>> -> memref<128x8xf32, #tpu.memory_space<hbm>>
    %dma_wait3A_159 = arith.constant 0 : i32
    %dma_wait3A_160 = tpu.memref_slice %arg6[%add3A_156, %dma_wait3A_159] : memref<163840x8xf32, #tpu.memory_space<hbm>> -> memref<128x8xf32, #tpu.memory_space<hbm>>
    tpu.wait_dma2 semaphore(%arg38 : memref<!tpu.dma_semaphore, #tpu.memory_space<semaphore_mem>>) src(%arg14 : memref<128x8xf32, #tpu.memory_space<vmem>>) dst(%dma_wait3A_160 : memref<128x8xf32, #tpu.memory_space<hbm>>)
    %dma_wait3A_161 = arith.constant 0 : i32
    %dma_wait3A_162 = tpu.memref_slice %arg7[%add3A_156, %dma_wait3A_161] : memref<163840x8xf32, #tpu.memory_space<hbm>> -> memref<128x8xf32, #tpu.memory_space<hbm>>
    %dma_wait3A_163 = arith.constant 0 : i32
    %dma_wait3A_164 = tpu.memref_slice %arg7[%add3A_156, %dma_wait3A_163] : memref<163840x8xf32, #tpu.memory_space<hbm>> -> memref<128x8xf32, #tpu.memory_space<hbm>>
    tpu.wait_dma2 semaphore(%arg44 : memref<!tpu.dma_semaphore, #tpu.memory_space<semaphore_mem>>) src(%arg20 : memref<128x8xf32, #tpu.memory_space<vmem>>) dst(%dma_wait3A_164 : memref<128x8xf32, #tpu.memory_space<hbm>>)
    %mul3A_165 = arith.constant 35 : i32
    %mul3A_166 = arith.constant 128 : i32
    %mul3A_167 = arith.muli %mul3A_165, %mul3A_166 : i32
    %add3A_168 = arith.addi %mul3A_6, %mul3A_167 : i32
    %dma_wait3A_169 = arith.constant 0 : i32
    %dma_wait3A_170 = tpu.memref_slice %arg6[%add3A_168, %dma_wait3A_169] : memref<163840x8xf32, #tpu.memory_space<hbm>> -> memref<128x8xf32, #tpu.memory_space<hbm>>
    %dma_wait3A_171 = arith.constant 0 : i32
    %dma_wait3A_172 = tpu.memref_slice %arg6[%add3A_168, %dma_wait3A_171] : memref<163840x8xf32, #tpu.memory_space<hbm>> -> memref<128x8xf32, #tpu.memory_space<hbm>>
    tpu.wait_dma2 semaphore(%arg39 : memref<!tpu.dma_semaphore, #tpu.memory_space<semaphore_mem>>) src(%arg15 : memref<128x8xf32, #tpu.memory_space<vmem>>) dst(%dma_wait3A_172 : memref<128x8xf32, #tpu.memory_space<hbm>>)
    %dma_wait3A_173 = arith.constant 0 : i32
    %dma_wait3A_174 = tpu.memref_slice %arg7[%add3A_168, %dma_wait3A_173] : memref<163840x8xf32, #tpu.memory_space<hbm>> -> memref<128x8xf32, #tpu.memory_space<hbm>>
    %dma_wait3A_175 = arith.constant 0 : i32
    %dma_wait3A_176 = tpu.memref_slice %arg7[%add3A_168, %dma_wait3A_175] : memref<163840x8xf32, #tpu.memory_space<hbm>> -> memref<128x8xf32, #tpu.memory_space<hbm>>
    tpu.wait_dma2 semaphore(%arg45 : memref<!tpu.dma_semaphore, #tpu.memory_space<semaphore_mem>>) src(%arg21 : memref<128x8xf32, #tpu.memory_space<vmem>>) dst(%dma_wait3A_176 : memref<128x8xf32, #tpu.memory_space<hbm>>)
    %mul3A_177 = arith.constant 36 : i32
    %mul3A_178 = arith.constant 128 : i32
    %mul3A_179 = arith.muli %mul3A_177, %mul3A_178 : i32
    %add3A_180 = arith.addi %mul3A_6, %mul3A_179 : i32
    %dma_wait3A_181 = arith.constant 0 : i32
    %dma_wait3A_182 = tpu.memref_slice %arg6[%add3A_180, %dma_wait3A_181] : memref<163840x8xf32, #tpu.memory_space<hbm>> -> memref<128x8xf32, #tpu.memory_space<hbm>>
    %dma_wait3A_183 = arith.constant 0 : i32
    %dma_wait3A_184 = tpu.memref_slice %arg6[%add3A_180, %dma_wait3A_183] : memref<163840x8xf32, #tpu.memory_space<hbm>> -> memref<128x8xf32, #tpu.memory_space<hbm>>
    tpu.wait_dma2 semaphore(%arg34 : memref<!tpu.dma_semaphore, #tpu.memory_space<semaphore_mem>>) src(%arg10 : memref<128x8xf32, #tpu.memory_space<vmem>>) dst(%dma_wait3A_184 : memref<128x8xf32, #tpu.memory_space<hbm>>)
    %dma_wait3A_185 = arith.constant 0 : i32
    %dma_wait3A_186 = tpu.memref_slice %arg7[%add3A_180, %dma_wait3A_185] : memref<163840x8xf32, #tpu.memory_space<hbm>> -> memref<128x8xf32, #tpu.memory_space<hbm>>
    %dma_wait3A_187 = arith.constant 0 : i32
    %dma_wait3A_188 = tpu.memref_slice %arg7[%add3A_180, %dma_wait3A_187] : memref<163840x8xf32, #tpu.memory_space<hbm>> -> memref<128x8xf32, #tpu.memory_space<hbm>>
    tpu.wait_dma2 semaphore(%arg40 : memref<!tpu.dma_semaphore, #tpu.memory_space<semaphore_mem>>) src(%arg16 : memref<128x8xf32, #tpu.memory_space<vmem>>) dst(%dma_wait3A_188 : memref<128x8xf32, #tpu.memory_space<hbm>>)
    %mul3A_189 = arith.constant 37 : i32
    %mul3A_190 = arith.constant 128 : i32
    %mul3A_191 = arith.muli %mul3A_189, %mul3A_190 : i32
    %add3A_192 = arith.addi %mul3A_6, %mul3A_191 : i32
    %dma_wait3A_193 = arith.constant 0 : i32
    %dma_wait3A_194 = tpu.memref_slice %arg6[%add3A_192, %dma_wait3A_193] : memref<163840x8xf32, #tpu.memory_space<hbm>> -> memref<128x8xf32, #tpu.memory_space<hbm>>
    %dma_wait3A_195 = arith.constant 0 : i32
    %dma_wait3A_196 = tpu.memref_slice %arg6[%add3A_192, %dma_wait3A_195] : memref<163840x8xf32, #tpu.memory_space<hbm>> -> memref<128x8xf32, #tpu.memory_space<hbm>>
    tpu.wait_dma2 semaphore(%arg35 : memref<!tpu.dma_semaphore, #tpu.memory_space<semaphore_mem>>) src(%arg11 : memref<128x8xf32, #tpu.memory_space<vmem>>) dst(%dma_wait3A_196 : memref<128x8xf32, #tpu.memory_space<hbm>>)
    %dma_wait3A_197 = arith.constant 0 : i32
    %dma_wait3A_198 = tpu.memref_slice %arg7[%add3A_192, %dma_wait3A_197] : memref<163840x8xf32, #tpu.memory_space<hbm>> -> memref<128x8xf32, #tpu.memory_space<hbm>>
    %dma_wait3A_199 = arith.constant 0 : i32
    %dma_wait3A_200 = tpu.memref_slice %arg7[%add3A_192, %dma_wait3A_199] : memref<163840x8xf32, #tpu.memory_space<hbm>> -> memref<128x8xf32, #tpu.memory_space<hbm>>
    tpu.wait_dma2 semaphore(%arg41 : memref<!tpu.dma_semaphore, #tpu.memory_space<semaphore_mem>>) src(%arg17 : memref<128x8xf32, #tpu.memory_space<vmem>>) dst(%dma_wait3A_200 : memref<128x8xf32, #tpu.memory_space<hbm>>)
    %mul3A_201 = arith.constant 38 : i32
    %mul3A_202 = arith.constant 128 : i32
    %mul3A_203 = arith.muli %mul3A_201, %mul3A_202 : i32
    %add3A_204 = arith.addi %mul3A_6, %mul3A_203 : i32
    %dma_wait3A_205 = arith.constant 0 : i32
    %dma_wait3A_206 = tpu.memref_slice %arg6[%add3A_204, %dma_wait3A_205] : memref<163840x8xf32, #tpu.memory_space<hbm>> -> memref<128x8xf32, #tpu.memory_space<hbm>>
    %dma_wait3A_207 = arith.constant 0 : i32
    %dma_wait3A_208 = tpu.memref_slice %arg6[%add3A_204, %dma_wait3A_207] : memref<163840x8xf32, #tpu.memory_space<hbm>> -> memref<128x8xf32, #tpu.memory_space<hbm>>
    tpu.wait_dma2 semaphore(%arg36 : memref<!tpu.dma_semaphore, #tpu.memory_space<semaphore_mem>>) src(%arg12 : memref<128x8xf32, #tpu.memory_space<vmem>>) dst(%dma_wait3A_208 : memref<128x8xf32, #tpu.memory_space<hbm>>)
    %dma_wait3A_209 = arith.constant 0 : i32
    %dma_wait3A_210 = tpu.memref_slice %arg7[%add3A_204, %dma_wait3A_209] : memref<163840x8xf32, #tpu.memory_space<hbm>> -> memref<128x8xf32, #tpu.memory_space<hbm>>
    %dma_wait3A_211 = arith.constant 0 : i32
    %dma_wait3A_212 = tpu.memref_slice %arg7[%add3A_204, %dma_wait3A_211] : memref<163840x8xf32, #tpu.memory_space<hbm>> -> memref<128x8xf32, #tpu.memory_space<hbm>>
    tpu.wait_dma2 semaphore(%arg42 : memref<!tpu.dma_semaphore, #tpu.memory_space<semaphore_mem>>) src(%arg18 : memref<128x8xf32, #tpu.memory_space<vmem>>) dst(%dma_wait3A_212 : memref<128x8xf32, #tpu.memory_space<hbm>>)
    %mul3A_213 = arith.constant 39 : i32
    %mul3A_214 = arith.constant 128 : i32
    %mul3A_215 = arith.muli %mul3A_213, %mul3A_214 : i32
    %add3A_216 = arith.addi %mul3A_6, %mul3A_215 : i32
    %dma_wait3A_217 = arith.constant 0 : i32
    %dma_wait3A_218 = tpu.memref_slice %arg6[%add3A_216, %dma_wait3A_217] : memref<163840x8xf32, #tpu.memory_space<hbm>> -> memref<128x8xf32, #tpu.memory_space<hbm>>
    %dma_wait3A_219 = arith.constant 0 : i32
    %dma_wait3A_220 = tpu.memref_slice %arg6[%add3A_216, %dma_wait3A_219] : memref<163840x8xf32, #tpu.memory_space<hbm>> -> memref<128x8xf32, #tpu.memory_space<hbm>>
    tpu.wait_dma2 semaphore(%arg37 : memref<!tpu.dma_semaphore, #tpu.memory_space<semaphore_mem>>) src(%arg13 : memref<128x8xf32, #tpu.memory_space<vmem>>) dst(%dma_wait3A_220 : memref<128x8xf32, #tpu.memory_space<hbm>>)
    %dma_wait3A_221 = arith.constant 0 : i32
    %dma_wait3A_222 = tpu.memref_slice %arg7[%add3A_216, %dma_wait3A_221] : memref<163840x8xf32, #tpu.memory_space<hbm>> -> memref<128x8xf32, #tpu.memory_space<hbm>>
    %dma_wait3A_223 = arith.constant 0 : i32
    %dma_wait3A_224 = tpu.memref_slice %arg7[%add3A_216, %dma_wait3A_223] : memref<163840x8xf32, #tpu.memory_space<hbm>> -> memref<128x8xf32, #tpu.memory_space<hbm>>
    tpu.wait_dma2 semaphore(%arg43 : memref<!tpu.dma_semaphore, #tpu.memory_space<semaphore_mem>>) src(%arg19 : memref<128x8xf32, #tpu.memory_space<vmem>>) dst(%dma_wait3A_224 : memref<128x8xf32, #tpu.memory_space<hbm>>)
    return
  }
}

module attributes {stable_mosaic.version = 14 : i64} {
  func.func @_stage_a_body(%arg0: memref<625x2048xf32, #tpu.memory_space<vmem>>, %arg1: memref<256x8xf32, #tpu.memory_space<vmem>>, %arg2: memref<1x8xf32, #tpu.memory_space<vmem>>, %arg3: memref<625x128xf32, #tpu.memory_space<vmem>>, %arg4: memref<625x128xf32, #tpu.memory_space<vmem>>) attributes {dimension_semantics = [], scalar_prefetch = 0 : i64, scratch_operands = 0 : i64, tpu.core_type = #tpu.core_type<tc>} {
    %iota3A = tpu.iota {dimensions = array<i32: 0>} : vector<2048x128xi32>
    %iota3A_0 = tpu.iota {dimensions = array<i32: 1>} : vector<2048x128xi32>
    %jit3A = arith.constant 128 : i32
    %eq3A = arith.constant 0 : i32
    %eq3A_1 = arith.cmpi eq, %jit3A, %eq3A : i32
    %jit3A_2 = arith.constant 1 : i32
    %select_n3A = arith.select %eq3A_1, %jit3A_2, %jit3A : i32
    %rem3A = vector.broadcast %select_n3A : i32 to vector<2048x128xi32>
    %rem3A_3 = arith.remsi %iota3A, %rem3A : vector<2048x128xi32>
    %ne3A = arith.constant 0 : i32
    %ne3A_4 = vector.broadcast %ne3A : i32 to vector<2048x128xi32>
    %ne3A_5 = arith.cmpi ne, %rem3A_3, %ne3A_4 : vector<2048x128xi32>
    %lt3A = arith.constant 0 : i32
    %lt3A_6 = vector.broadcast %lt3A : i32 to vector<2048x128xi32>
    %lt3A_7 = arith.cmpi slt, %rem3A_3, %lt3A_6 : vector<2048x128xi32>
    %lt3A_8 = arith.constant 0 : i32
    %lt3A_9 = arith.cmpi slt, %select_n3A, %lt3A_8 : i32
    %ne3A_10 = vector.broadcast %lt3A_9 : i1 to vector<2048x128xi1>
    %ne3A_11 = vector.broadcast %ne3A_10 : vector<2048x128xi1> to vector<2048x128xi1>
    %ne3A_12 = arith.xori %lt3A_7, %ne3A_11 : vector<2048x128xi1>
    %and3A = arith.andi %ne3A_12, %ne3A_5 : vector<2048x128xi1>
    %add3A = vector.broadcast %select_n3A : i32 to vector<2048x128xi32>
    %add3A_13 = arith.addi %rem3A_3, %add3A : vector<2048x128xi32>
    %select_n3A_14 = arith.select %and3A, %add3A_13, %rem3A_3 : vector<2048x128xi1>, vector<2048x128xi32>
    %eq3A_15 = arith.cmpi eq, %select_n3A_14, %iota3A_0 : vector<2048x128xi32>
    %jit3A_16 = arith.constant 1.000000e+00 : f32
    %jit3A_17 = arith.constant 0.000000e+00 : f32
    %broadcast_in_dim3A = vector.broadcast %jit3A_16 : f32 to vector<2048x128xf32>
    %broadcast_in_dim3A_18 = vector.broadcast %jit3A_17 : f32 to vector<2048x128xf32>
    %select_n3A_19 = arith.select %eq3A_15, %broadcast_in_dim3A, %broadcast_in_dim3A_18 : vector<2048x128xi1>, vector<2048x128xf32>
    %iota3A_20 = tpu.iota {dimensions = array<i32: 0>} : vector<2048x128xi32>
    %iota3A_21 = tpu.iota {dimensions = array<i32: 1>} : vector<2048x128xi32>
    %jit3A_22 = arith.constant 128 : i32
    %div3A = vector.broadcast %jit3A_22 : i32 to vector<2048x128xi32>
    %div3A_23 = arith.divsi %iota3A_20, %div3A : vector<2048x128xi32>
    %sign3A = arith.constant 0 : i32
    %sign3A_24 = vector.broadcast %sign3A : i32 to vector<2048x128xi32>
    %sign3A_25 = arith.cmpi sgt, %iota3A_20, %sign3A_24 : vector<2048x128xi32>
    %sign3A_26 = arith.extui %sign3A_25 : vector<2048x128xi1> to vector<2048x128xi32>
    %sign3A_27 = arith.constant 0 : i32
    %sign3A_28 = vector.broadcast %sign3A_27 : i32 to vector<2048x128xi32>
    %sign3A_29 = arith.cmpi slt, %iota3A_20, %sign3A_28 : vector<2048x128xi32>
    %sign3A_30 = arith.extui %sign3A_29 : vector<2048x128xi1> to vector<2048x128xi32>
    %sign3A_31 = arith.subi %sign3A_26, %sign3A_30 : vector<2048x128xi32>
    %sign3A_32 = arith.constant 0 : i32
    %sign3A_33 = arith.cmpi sgt, %jit3A_22, %sign3A_32 : i32
    %sign3A_34 = arith.extui %sign3A_33 : i1 to i32
    %sign3A_35 = arith.constant 0 : i32
    %sign3A_36 = arith.cmpi slt, %jit3A_22, %sign3A_35 : i32
    %sign3A_37 = arith.extui %sign3A_36 : i1 to i32
    %sign3A_38 = arith.subi %sign3A_34, %sign3A_37 : i32
    %ne3A_39 = vector.broadcast %sign3A_38 : i32 to vector<2048x128xi32>
    %ne3A_40 = arith.cmpi ne, %sign3A_31, %ne3A_39 : vector<2048x128xi32>
    %rem3A_41 = vector.broadcast %jit3A_22 : i32 to vector<2048x128xi32>
    %rem3A_42 = arith.remsi %iota3A_20, %rem3A_41 : vector<2048x128xi32>
    %ne3A_43 = arith.constant 0 : i32
    %ne3A_44 = vector.broadcast %ne3A_43 : i32 to vector<2048x128xi32>
    %ne3A_45 = arith.cmpi ne, %rem3A_42, %ne3A_44 : vector<2048x128xi32>
    %and3A_46 = arith.andi %ne3A_40, %ne3A_45 : vector<2048x128xi1>
    %sub3A = arith.constant 1 : i32
    %sub3A_47 = vector.broadcast %sub3A : i32 to vector<2048x128xi32>
    %sub3A_48 = arith.subi %div3A_23, %sub3A_47 : vector<2048x128xi32>
    %select_n3A_49 = arith.select %and3A_46, %sub3A_48, %div3A_23 : vector<2048x128xi1>, vector<2048x128xi32>
    %jit3A_50 = arith.constant 8 : i32
    %div3A_51 = vector.broadcast %jit3A_50 : i32 to vector<2048x128xi32>
    %div3A_52 = arith.divsi %iota3A_21, %div3A_51 : vector<2048x128xi32>
    %sign3A_53 = arith.constant 0 : i32
    %sign3A_54 = vector.broadcast %sign3A_53 : i32 to vector<2048x128xi32>
    %sign3A_55 = arith.cmpi sgt, %iota3A_21, %sign3A_54 : vector<2048x128xi32>
    %sign3A_56 = arith.extui %sign3A_55 : vector<2048x128xi1> to vector<2048x128xi32>
    %sign3A_57 = arith.constant 0 : i32
    %sign3A_58 = vector.broadcast %sign3A_57 : i32 to vector<2048x128xi32>
    %sign3A_59 = arith.cmpi slt, %iota3A_21, %sign3A_58 : vector<2048x128xi32>
    %sign3A_60 = arith.extui %sign3A_59 : vector<2048x128xi1> to vector<2048x128xi32>
    %sign3A_61 = arith.subi %sign3A_56, %sign3A_60 : vector<2048x128xi32>
    %sign3A_62 = arith.constant 0 : i32
    %sign3A_63 = arith.cmpi sgt, %jit3A_50, %sign3A_62 : i32
    %sign3A_64 = arith.extui %sign3A_63 : i1 to i32
    %sign3A_65 = arith.constant 0 : i32
    %sign3A_66 = arith.cmpi slt, %jit3A_50, %sign3A_65 : i32
    %sign3A_67 = arith.extui %sign3A_66 : i1 to i32
    %sign3A_68 = arith.subi %sign3A_64, %sign3A_67 : i32
    %ne3A_69 = vector.broadcast %sign3A_68 : i32 to vector<2048x128xi32>
    %ne3A_70 = arith.cmpi ne, %sign3A_61, %ne3A_69 : vector<2048x128xi32>
    %rem3A_71 = vector.broadcast %jit3A_50 : i32 to vector<2048x128xi32>
    %rem3A_72 = arith.remsi %iota3A_21, %rem3A_71 : vector<2048x128xi32>
    %ne3A_73 = arith.constant 0 : i32
    %ne3A_74 = vector.broadcast %ne3A_73 : i32 to vector<2048x128xi32>
    %ne3A_75 = arith.cmpi ne, %rem3A_72, %ne3A_74 : vector<2048x128xi32>
    %and3A_76 = arith.andi %ne3A_70, %ne3A_75 : vector<2048x128xi1>
    %sub3A_77 = arith.constant 1 : i32
    %sub3A_78 = vector.broadcast %sub3A_77 : i32 to vector<2048x128xi32>
    %sub3A_79 = arith.subi %div3A_52, %sub3A_78 : vector<2048x128xi32>
    %select_n3A_80 = arith.select %and3A_76, %sub3A_79, %div3A_52 : vector<2048x128xi1>, vector<2048x128xi32>
    %eq3A_81 = arith.cmpi eq, %select_n3A_49, %select_n3A_80 : vector<2048x128xi32>
    %jit3A_82 = arith.constant 1.000000e+00 : f32
    %jit3A_83 = arith.constant 0.000000e+00 : f32
    %broadcast_in_dim3A_84 = vector.broadcast %jit3A_82 : f32 to vector<2048x128xf32>
    %broadcast_in_dim3A_85 = vector.broadcast %jit3A_83 : f32 to vector<2048x128xf32>
    %select_n3A_86 = arith.select %eq3A_81, %broadcast_in_dim3A_84, %broadcast_in_dim3A_85 : vector<2048x128xi1>, vector<2048x128xf32>
    %iota3A_87 = tpu.iota {dimensions = array<i32: 0>} : vector<8x128xi32>
    %iota3A_88 = tpu.iota {dimensions = array<i32: 1>} : vector<8x128xi32>
    %jit3A_89 = arith.constant 8 : i32
    %eq3A_90 = arith.constant 0 : i32
    %eq3A_91 = arith.cmpi eq, %jit3A_89, %eq3A_90 : i32
    %jit3A_92 = arith.constant 1 : i32
    %select_n3A_93 = arith.select %eq3A_91, %jit3A_92, %jit3A_89 : i32
    %rem3A_94 = vector.broadcast %select_n3A_93 : i32 to vector<8x128xi32>
    %rem3A_95 = arith.remsi %iota3A_88, %rem3A_94 : vector<8x128xi32>
    %ne3A_96 = arith.constant 0 : i32
    %ne3A_97 = vector.broadcast %ne3A_96 : i32 to vector<8x128xi32>
    %ne3A_98 = arith.cmpi ne, %rem3A_95, %ne3A_97 : vector<8x128xi32>
    %lt3A_99 = arith.constant 0 : i32
    %lt3A_100 = vector.broadcast %lt3A_99 : i32 to vector<8x128xi32>
    %lt3A_101 = arith.cmpi slt, %rem3A_95, %lt3A_100 : vector<8x128xi32>
    %lt3A_102 = arith.constant 0 : i32
    %lt3A_103 = arith.cmpi slt, %select_n3A_93, %lt3A_102 : i32
    %ne3A_104 = vector.broadcast %lt3A_103 : i1 to vector<8x128xi1>
    %ne3A_105 = vector.broadcast %ne3A_104 : vector<8x128xi1> to vector<8x128xi1>
    %ne3A_106 = arith.xori %lt3A_101, %ne3A_105 : vector<8x128xi1>
    %and3A_107 = arith.andi %ne3A_106, %ne3A_98 : vector<8x128xi1>
    %add3A_108 = vector.broadcast %select_n3A_93 : i32 to vector<8x128xi32>
    %add3A_109 = arith.addi %rem3A_95, %add3A_108 : vector<8x128xi32>
    %select_n3A_110 = arith.select %and3A_107, %add3A_109, %rem3A_95 : vector<8x128xi1>, vector<8x128xi32>
    %eq3A_111 = arith.cmpi eq, %select_n3A_110, %iota3A_87 : vector<8x128xi32>
    %jit3A_112 = arith.constant 1.000000e+00 : f32
    %jit3A_113 = arith.constant 0.000000e+00 : f32
    %broadcast_in_dim3A_114 = vector.broadcast %jit3A_112 : f32 to vector<8x128xf32>
    %broadcast_in_dim3A_115 = vector.broadcast %jit3A_113 : f32 to vector<8x128xf32>
    %select_n3A_116 = arith.select %eq3A_111, %broadcast_in_dim3A_114, %broadcast_in_dim3A_115 : vector<8x128xi1>, vector<8x128xf32>
    %get3A = arith.constant 0 : index
    %get3A_117 = arith.constant 0 : index
    %get3A_118 = vector.load %arg0[%get3A, %get3A_117] : memref<625x2048xf32, #tpu.memory_space<vmem>>, vector<625x2048xf32>
    %get3A_119 = arith.constant 0 : index
    %get3A_120 = arith.constant 0 : index
    %get3A_121 = vector.load %arg2[%get3A_119, %get3A_120] : memref<1x8xf32, #tpu.memory_space<vmem>>, vector<1x8xf32>
    %dot_general3A = arith.constant dense<0.000000e+00> : vector<1x128xf32>
    %dot_general3A_122 = tpu.matmul %get3A_121, %select_n3A_116, %dot_general3A {dimension_numbers = #tpu.dot_dimension_numbers<[1], [0], [0], [1], [0, 0, 1, 1], [], []>, transpose_lhs_hint = false} : vector<1x8xf32>, vector<8x128xf32>, vector<1x128xf32> -> vector<1x128xf32>
    %get3A_123 = arith.constant 0 : index
    %get3A_124 = arith.constant 0 : index
    %get3A_125 = vector.load %arg1[%get3A_123, %get3A_124] : memref<256x8xf32, #tpu.memory_space<vmem>>, vector<128x8xf32>
    %dot_general3A_126 = arith.constant dense<0.000000e+00> : vector<2048x8xf32>
    %dot_general3A_127 = tpu.matmul %select_n3A_19, %get3A_125, %dot_general3A_126 {dimension_numbers = #tpu.dot_dimension_numbers<[1], [0], [0], [1], [0, 0, 1, 1], [], []>, transpose_lhs_hint = false} : vector<2048x128xf32>, vector<128x8xf32>, vector<2048x8xf32> -> vector<2048x8xf32>
    %dot_general3A_128 = arith.constant dense<0.000000e+00> : vector<2048x128xf32>
    %dot_general3A_129 = tpu.matmul %dot_general3A_127, %select_n3A_116, %dot_general3A_128 {dimension_numbers = #tpu.dot_dimension_numbers<[1], [0], [0], [1], [0, 0, 1, 1], [], []>, transpose_lhs_hint = false} : vector<2048x8xf32>, vector<8x128xf32>, vector<2048x128xf32> -> vector<2048x128xf32>
    %mul3A = arith.mulf %dot_general3A_129, %select_n3A_86 : vector<2048x128xf32>
    %dot_general3A_130 = arith.constant dense<0.000000e+00> : vector<625x128xf32>
    %dot_general3A_131 = tpu.matmul %get3A_118, %mul3A, %dot_general3A_130 {dimension_numbers = #tpu.dot_dimension_numbers<[1], [0], [0], [1], [0, 0, 1, 1], [], []>, transpose_lhs_hint = false} : vector<625x2048xf32>, vector<2048x128xf32>, vector<625x128xf32> -> vector<625x128xf32>
    %add3A_132 = vector.broadcast %dot_general3A_122 : vector<1x128xf32> to vector<625x128xf32>
    %add3A_133 = arith.addf %dot_general3A_131, %add3A_132 : vector<625x128xf32>
    %swap3A = arith.constant 0 : index
    %swap3A_134 = arith.constant 0 : index
    %swap3A_135 = vector.load %arg3[%swap3A, %swap3A_134] : memref<625x128xf32, #tpu.memory_space<vmem>>, vector<625x128xf32>
    tpu.vector_store %arg3[%swap3A, %swap3A_134], %add3A_133 {strides = array<i32>} : memref<625x128xf32, #tpu.memory_space<vmem>>, vector<625x128xf32>,
    %get3A_136 = arith.constant 128 : index
    %get3A_137 = arith.constant 0 : index
    %get3A_138 = vector.load %arg1[%get3A_136, %get3A_137] : memref<256x8xf32, #tpu.memory_space<vmem>>, vector<128x8xf32>
    %dot_general3A_139 = arith.constant dense<0.000000e+00> : vector<2048x8xf32>
    %dot_general3A_140 = tpu.matmul %select_n3A_19, %get3A_138, %dot_general3A_139 {dimension_numbers = #tpu.dot_dimension_numbers<[1], [0], [0], [1], [0, 0, 1, 1], [], []>, transpose_lhs_hint = false} : vector<2048x128xf32>, vector<128x8xf32>, vector<2048x8xf32> -> vector<2048x8xf32>
    %dot_general3A_141 = arith.constant dense<0.000000e+00> : vector<2048x128xf32>
    %dot_general3A_142 = tpu.matmul %dot_general3A_140, %select_n3A_116, %dot_general3A_141 {dimension_numbers = #tpu.dot_dimension_numbers<[1], [0], [0], [1], [0, 0, 1, 1], [], []>, transpose_lhs_hint = false} : vector<2048x8xf32>, vector<8x128xf32>, vector<2048x128xf32> -> vector<2048x128xf32>
    %mul3A_143 = arith.mulf %dot_general3A_142, %select_n3A_86 : vector<2048x128xf32>
    %dot_general3A_144 = arith.constant dense<0.000000e+00> : vector<625x128xf32>
    %dot_general3A_145 = tpu.matmul %get3A_118, %mul3A_143, %dot_general3A_144 {dimension_numbers = #tpu.dot_dimension_numbers<[1], [0], [0], [1], [0, 0, 1, 1], [], []>, transpose_lhs_hint = false} : vector<625x2048xf32>, vector<2048x128xf32>, vector<625x128xf32> -> vector<625x128xf32>
    %swap3A_146 = arith.constant 0 : index
    %swap3A_147 = arith.constant 0 : index
    %swap3A_148 = vector.load %arg4[%swap3A_146, %swap3A_147] : memref<625x128xf32, #tpu.memory_space<vmem>>, vector<625x128xf32>
    tpu.vector_store %arg4[%swap3A_146, %swap3A_147], %dot_general3A_145 {strides = array<i32>} : memref<625x128xf32, #tpu.memory_space<vmem>>, vector<625x128xf32>,
    return
  }
}

module attributes {stable_mosaic.version = 14 : i64} {
  func.func @_stage_c_body(%arg0: i32, %arg1: memref<1952x128xf32, #tpu.memory_space<vmem>>, %arg2: memref<1952x128xf32, #tpu.memory_space<vmem>>, %arg3: memref<8x8xf32, #tpu.memory_space<vmem>>, %arg4: memref<8x8xf32, #tpu.memory_space<vmem>>, %arg5: memref<8x1xf32, #tpu.memory_space<vmem>>, %arg6: memref<9x8xf32, #tpu.memory_space<vmem>>, %arg7: memref<1952x16xf32, #tpu.memory_space<vmem>>) attributes {dimension_semantics = [#tpu.dimension_semantics<arbitrary>], iteration_bounds = array<i64: 5>, scalar_prefetch = 0 : i64, scratch_operands = 0 : i64, tpu.core_type = #tpu.core_type<tc>, window_params = [{transform_indices = @transform_0, window_bounds = array<i64: 1952, 128>}, {transform_indices = @transform_1, window_bounds = array<i64: 1952, 128>}, {pipeline_mode = #tpu.pipeline_mode<synchronous>, transform_indices = @transform_2, window_bounds = array<i64: 8, 8>}, {pipeline_mode = #tpu.pipeline_mode<synchronous>, transform_indices = @transform_3, window_bounds = array<i64: 8, 8>}, {pipeline_mode = #tpu.pipeline_mode<synchronous>, transform_indices = @transform_4, window_bounds = array<i64: 8, 1>}, {pipeline_mode = #tpu.pipeline_mode<synchronous>, transform_indices = @transform_5, window_bounds = array<i64: 9, 8>}, {transform_indices = @transform_6, window_bounds = array<i64: 1952, 16>}]} {
    %iota3A = tpu.iota {dimensions = array<i32: 0>} : vector<128x128xi32>
    %iota3A_0 = tpu.iota {dimensions = array<i32: 1>} : vector<128x128xi32>
    %jit3A = arith.constant 8 : i32
    %div3A = vector.broadcast %jit3A : i32 to vector<128x128xi32>
    %div3A_1 = arith.divsi %iota3A, %div3A : vector<128x128xi32>
    %sign3A = arith.constant 0 : i32
    %sign3A_2 = vector.broadcast %sign3A : i32 to vector<128x128xi32>
    %sign3A_3 = arith.cmpi sgt, %iota3A, %sign3A_2 : vector<128x128xi32>
    %sign3A_4 = arith.extui %sign3A_3 : vector<128x128xi1> to vector<128x128xi32>
    %sign3A_5 = arith.constant 0 : i32
    %sign3A_6 = vector.broadcast %sign3A_5 : i32 to vector<128x128xi32>
    %sign3A_7 = arith.cmpi slt, %iota3A, %sign3A_6 : vector<128x128xi32>
    %sign3A_8 = arith.extui %sign3A_7 : vector<128x128xi1> to vector<128x128xi32>
    %sign3A_9 = arith.subi %sign3A_4, %sign3A_8 : vector<128x128xi32>
    %sign3A_10 = arith.constant 0 : i32
    %sign3A_11 = arith.cmpi sgt, %jit3A, %sign3A_10 : i32
    %sign3A_12 = arith.extui %sign3A_11 : i1 to i32
    %sign3A_13 = arith.constant 0 : i32
    %sign3A_14 = arith.cmpi slt, %jit3A, %sign3A_13 : i32
    %sign3A_15 = arith.extui %sign3A_14 : i1 to i32
    %sign3A_16 = arith.subi %sign3A_12, %sign3A_15 : i32
    %ne3A = vector.broadcast %sign3A_16 : i32 to vector<128x128xi32>
    %ne3A_17 = arith.cmpi ne, %sign3A_9, %ne3A : vector<128x128xi32>
    %rem3A = vector.broadcast %jit3A : i32 to vector<128x128xi32>
    %rem3A_18 = arith.remsi %iota3A, %rem3A : vector<128x128xi32>
    %ne3A_19 = arith.constant 0 : i32
    %ne3A_20 = vector.broadcast %ne3A_19 : i32 to vector<128x128xi32>
    %ne3A_21 = arith.cmpi ne, %rem3A_18, %ne3A_20 : vector<128x128xi32>
    %and3A = arith.andi %ne3A_17, %ne3A_21 : vector<128x128xi1>
    %sub3A = arith.constant 1 : i32
    %sub3A_22 = vector.broadcast %sub3A : i32 to vector<128x128xi32>
    %sub3A_23 = arith.subi %div3A_1, %sub3A_22 : vector<128x128xi32>
    %select_n3A = arith.select %and3A, %sub3A_23, %div3A_1 : vector<128x128xi1>, vector<128x128xi32>
    %jit3A_24 = arith.constant 8 : i32
    %div3A_25 = vector.broadcast %jit3A_24 : i32 to vector<128x128xi32>
    %div3A_26 = arith.divsi %iota3A_0, %div3A_25 : vector<128x128xi32>
    %sign3A_27 = arith.constant 0 : i32
    %sign3A_28 = vector.broadcast %sign3A_27 : i32 to vector<128x128xi32>
    %sign3A_29 = arith.cmpi sgt, %iota3A_0, %sign3A_28 : vector<128x128xi32>
    %sign3A_30 = arith.extui %sign3A_29 : vector<128x128xi1> to vector<128x128xi32>
    %sign3A_31 = arith.constant 0 : i32
    %sign3A_32 = vector.broadcast %sign3A_31 : i32 to vector<128x128xi32>
    %sign3A_33 = arith.cmpi slt, %iota3A_0, %sign3A_32 : vector<128x128xi32>
    %sign3A_34 = arith.extui %sign3A_33 : vector<128x128xi1> to vector<128x128xi32>
    %sign3A_35 = arith.subi %sign3A_30, %sign3A_34 : vector<128x128xi32>
    %sign3A_36 = arith.constant 0 : i32
    %sign3A_37 = arith.cmpi sgt, %jit3A_24, %sign3A_36 : i32
    %sign3A_38 = arith.extui %sign3A_37 : i1 to i32
    %sign3A_39 = arith.constant 0 : i32
    %sign3A_40 = arith.cmpi slt, %jit3A_24, %sign3A_39 : i32
    %sign3A_41 = arith.extui %sign3A_40 : i1 to i32
    %sign3A_42 = arith.subi %sign3A_38, %sign3A_41 : i32
    %ne3A_43 = vector.broadcast %sign3A_42 : i32 to vector<128x128xi32>
    %ne3A_44 = arith.cmpi ne, %sign3A_35, %ne3A_43 : vector<128x128xi32>
    %rem3A_45 = vector.broadcast %jit3A_24 : i32 to vector<128x128xi32>
    %rem3A_46 = arith.remsi %iota3A_0, %rem3A_45 : vector<128x128xi32>
    %ne3A_47 = arith.constant 0 : i32
    %ne3A_48 = vector.broadcast %ne3A_47 : i32 to vector<128x128xi32>
    %ne3A_49 = arith.cmpi ne, %rem3A_46, %ne3A_48 : vector<128x128xi32>
    %and3A_50 = arith.andi %ne3A_44, %ne3A_49 : vector<128x128xi1>
    %sub3A_51 = arith.constant 1 : i32
    %sub3A_52 = vector.broadcast %sub3A_51 : i32 to vector<128x128xi32>
    %sub3A_53 = arith.subi %div3A_26, %sub3A_52 : vector<128x128xi32>
    %select_n3A_54 = arith.select %and3A_50, %sub3A_53, %div3A_26 : vector<128x128xi1>, vector<128x128xi32>
    %eq3A = arith.cmpi eq, %select_n3A, %select_n3A_54 : vector<128x128xi32>
    %jit3A_55 = arith.constant 1.000000e+00 : f32
    %jit3A_56 = arith.constant 0.000000e+00 : f32
    %broadcast_in_dim3A = vector.broadcast %jit3A_55 : f32 to vector<128x128xf32>
    %broadcast_in_dim3A_57 = vector.broadcast %jit3A_56 : f32 to vector<128x128xf32>
    %select_n3A_58 = arith.select %eq3A, %broadcast_in_dim3A, %broadcast_in_dim3A_57 : vector<128x128xi1>, vector<128x128xf32>
    %iota3A_59 = tpu.iota {dimensions = array<i32: 0>} : vector<128x8xi32>
    %iota3A_60 = tpu.iota {dimensions = array<i32: 1>} : vector<128x8xi32>
    %jit3A_61 = arith.constant 8 : i32
    %eq3A_62 = arith.constant 0 : i32
    %eq3A_63 = arith.cmpi eq, %jit3A_61, %eq3A_62 : i32
    %jit3A_64 = arith.constant 1 : i32
    %select_n3A_65 = arith.select %eq3A_63, %jit3A_64, %jit3A_61 : i32
    %rem3A_66 = vector.broadcast %select_n3A_65 : i32 to vector<128x8xi32>
    %rem3A_67 = arith.remsi %iota3A_59, %rem3A_66 : vector<128x8xi32>
    %ne3A_68 = arith.constant 0 : i32
    %ne3A_69 = vector.broadcast %ne3A_68 : i32 to vector<128x8xi32>
    %ne3A_70 = arith.cmpi ne, %rem3A_67, %ne3A_69 : vector<128x8xi32>
    %lt3A = arith.constant 0 : i32
    %lt3A_71 = vector.broadcast %lt3A : i32 to vector<128x8xi32>
    %lt3A_72 = arith.cmpi slt, %rem3A_67, %lt3A_71 : vector<128x8xi32>
    %lt3A_73 = arith.constant 0 : i32
    %lt3A_74 = arith.cmpi slt, %select_n3A_65, %lt3A_73 : i32
    %ne3A_75 = vector.broadcast %lt3A_74 : i1 to vector<128x8xi1>
    %ne3A_76 = vector.broadcast %ne3A_75 : vector<128x8xi1> to vector<128x8xi1>
    %ne3A_77 = arith.xori %lt3A_72, %ne3A_76 : vector<128x8xi1>
    %and3A_78 = arith.andi %ne3A_77, %ne3A_70 : vector<128x8xi1>
    %add3A = vector.broadcast %select_n3A_65 : i32 to vector<128x8xi32>
    %add3A_79 = arith.addi %rem3A_67, %add3A : vector<128x8xi32>
    %select_n3A_80 = arith.select %and3A_78, %add3A_79, %rem3A_67 : vector<128x8xi1>, vector<128x8xi32>
    %eq3A_81 = arith.cmpi eq, %select_n3A_80, %iota3A_60 : vector<128x8xi32>
    %jit3A_82 = arith.constant 1.000000e+00 : f32
    %jit3A_83 = arith.constant 0.000000e+00 : f32
    %broadcast_in_dim3A_84 = vector.broadcast %jit3A_82 : f32 to vector<128x8xf32>
    %broadcast_in_dim3A_85 = vector.broadcast %jit3A_83 : f32 to vector<128x8xf32>
    %select_n3A_86 = arith.select %eq3A_81, %broadcast_in_dim3A_84, %broadcast_in_dim3A_85 : vector<128x8xi1>, vector<128x8xf32>
    %iota3A_87 = tpu.iota {dimensions = array<i32: 0>} : vector<8x128xi32>
    %iota3A_88 = tpu.iota {dimensions = array<i32: 1>} : vector<8x128xi32>
    %jit3A_89 = arith.constant 8 : i32
    %eq3A_90 = arith.constant 0 : i32
    %eq3A_91 = arith.cmpi eq, %jit3A_89, %eq3A_90 : i32
    %jit3A_92 = arith.constant 1 : i32
    %select_n3A_93 = arith.select %eq3A_91, %jit3A_92, %jit3A_89 : i32
    %rem3A_94 = vector.broadcast %select_n3A_93 : i32 to vector<8x128xi32>
    %rem3A_95 = arith.remsi %iota3A_88, %rem3A_94 : vector<8x128xi32>
    %ne3A_96 = arith.constant 0 : i32
    %ne3A_97 = vector.broadcast %ne3A_96 : i32 to vector<8x128xi32>
    %ne3A_98 = arith.cmpi ne, %rem3A_95, %ne3A_97 : vector<8x128xi32>
    %lt3A_99 = arith.constant 0 : i32
    %lt3A_100 = vector.broadcast %lt3A_99 : i32 to vector<8x128xi32>
    %lt3A_101 = arith.cmpi slt, %rem3A_95, %lt3A_100 : vector<8x128xi32>
    %lt3A_102 = arith.constant 0 : i32
    %lt3A_103 = arith.cmpi slt, %select_n3A_93, %lt3A_102 : i32
    %ne3A_104 = vector.broadcast %lt3A_103 : i1 to vector<8x128xi1>
    %ne3A_105 = vector.broadcast %ne3A_104 : vector<8x128xi1> to vector<8x128xi1>
    %ne3A_106 = arith.xori %lt3A_101, %ne3A_105 : vector<8x128xi1>
    %and3A_107 = arith.andi %ne3A_106, %ne3A_98 : vector<8x128xi1>
    %add3A_108 = vector.broadcast %select_n3A_93 : i32 to vector<8x128xi32>
    %add3A_109 = arith.addi %rem3A_95, %add3A_108 : vector<8x128xi32>
    %select_n3A_110 = arith.select %and3A_107, %add3A_109, %rem3A_95 : vector<8x128xi1>, vector<8x128xi32>
    %eq3A_111 = arith.cmpi eq, %select_n3A_110, %iota3A_87 : vector<8x128xi32>
    %jit3A_112 = arith.constant 1.000000e+00 : f32
    %jit3A_113 = arith.constant 0.000000e+00 : f32
    %broadcast_in_dim3A_114 = vector.broadcast %jit3A_112 : f32 to vector<8x128xf32>
    %broadcast_in_dim3A_115 = vector.broadcast %jit3A_113 : f32 to vector<8x128xf32>
    %select_n3A_116 = arith.select %eq3A_111, %broadcast_in_dim3A_114, %broadcast_in_dim3A_115 : vector<8x128xi1>, vector<8x128xf32>
    %get3A = arith.constant 0 : index
    %get3A_117 = arith.constant 0 : index
    %get3A_118 = vector.load %arg3[%get3A, %get3A_117] : memref<8x8xf32, #tpu.memory_space<vmem>>, vector<8x8xf32>
    %dot_general3A = arith.constant dense<0.000000e+00> : vector<128x8xf32>
    %dot_general3A_119 = tpu.matmul %select_n3A_86, %get3A_118, %dot_general3A {dimension_numbers = #tpu.dot_dimension_numbers<[1], [0], [0], [1], [0, 0, 1, 1], [], []>, transpose_lhs_hint = false} : vector<128x8xf32>, vector<8x8xf32>, vector<128x8xf32> -> vector<128x8xf32>
    %dot_general3A_120 = arith.constant dense<0.000000e+00> : vector<128x128xf32>
    %dot_general3A_121 = tpu.matmul %dot_general3A_119, %select_n3A_116, %dot_general3A_120 {dimension_numbers = #tpu.dot_dimension_numbers<[1], [0], [0], [1], [0, 0, 1, 1], [], []>, transpose_lhs_hint = false} : vector<128x8xf32>, vector<8x128xf32>, vector<128x128xf32> -> vector<128x128xf32>
    %mul3A = arith.mulf %dot_general3A_121, %select_n3A_58 : vector<128x128xf32>
    %get3A_122 = arith.constant 0 : index
    %get3A_123 = arith.constant 0 : index
    %get3A_124 = vector.load %arg4[%get3A_122, %get3A_123] : memref<8x8xf32, #tpu.memory_space<vmem>>, vector<8x8xf32>
    %dot_general3A_125 = arith.constant dense<0.000000e+00> : vector<128x8xf32>
    %dot_general3A_126 = tpu.matmul %select_n3A_86, %get3A_124, %dot_general3A_125 {dimension_numbers = #tpu.dot_dimension_numbers<[1], [0], [0], [1], [0, 0, 1, 1], [], []>, transpose_lhs_hint = false} : vector<128x8xf32>, vector<8x8xf32>, vector<128x8xf32> -> vector<128x8xf32>
    %dot_general3A_127 = arith.constant dense<0.000000e+00> : vector<128x128xf32>
    %dot_general3A_128 = tpu.matmul %dot_general3A_126, %select_n3A_116, %dot_general3A_127 {dimension_numbers = #tpu.dot_dimension_numbers<[1], [0], [0], [1], [0, 0, 1, 1], [], []>, transpose_lhs_hint = false} : vector<128x8xf32>, vector<8x128xf32>, vector<128x128xf32> -> vector<128x128xf32>
    %mul3A_129 = arith.mulf %dot_general3A_128, %select_n3A_58 : vector<128x128xf32>
    %iota3A_130 = tpu.iota {dimensions = array<i32: 0>} : vector<128x16xi32>
    %iota3A_131 = tpu.iota {dimensions = array<i32: 1>} : vector<128x16xi32>
    %jit3A_132 = arith.constant 8 : i32
    %div3A_133 = vector.broadcast %jit3A_132 : i32 to vector<128x16xi32>
    %div3A_134 = arith.divsi %iota3A_130, %div3A_133 : vector<128x16xi32>
    %sign3A_135 = arith.constant 0 : i32
    %sign3A_136 = vector.broadcast %sign3A_135 : i32 to vector<128x16xi32>
    %sign3A_137 = arith.cmpi sgt, %iota3A_130, %sign3A_136 : vector<128x16xi32>
    %sign3A_138 = arith.extui %sign3A_137 : vector<128x16xi1> to vector<128x16xi32>
    %sign3A_139 = arith.constant 0 : i32
    %sign3A_140 = vector.broadcast %sign3A_139 : i32 to vector<128x16xi32>
    %sign3A_141 = arith.cmpi slt, %iota3A_130, %sign3A_140 : vector<128x16xi32>
    %sign3A_142 = arith.extui %sign3A_141 : vector<128x16xi1> to vector<128x16xi32>
    %sign3A_143 = arith.subi %sign3A_138, %sign3A_142 : vector<128x16xi32>
    %sign3A_144 = arith.constant 0 : i32
    %sign3A_145 = arith.cmpi sgt, %jit3A_132, %sign3A_144 : i32
    %sign3A_146 = arith.extui %sign3A_145 : i1 to i32
    %sign3A_147 = arith.constant 0 : i32
    %sign3A_148 = arith.cmpi slt, %jit3A_132, %sign3A_147 : i32
    %sign3A_149 = arith.extui %sign3A_148 : i1 to i32
    %sign3A_150 = arith.subi %sign3A_146, %sign3A_149 : i32
    %ne3A_151 = vector.broadcast %sign3A_150 : i32 to vector<128x16xi32>
    %ne3A_152 = arith.cmpi ne, %sign3A_143, %ne3A_151 : vector<128x16xi32>
    %rem3A_153 = vector.broadcast %jit3A_132 : i32 to vector<128x16xi32>
    %rem3A_154 = arith.remsi %iota3A_130, %rem3A_153 : vector<128x16xi32>
    %ne3A_155 = arith.constant 0 : i32
    %ne3A_156 = vector.broadcast %ne3A_155 : i32 to vector<128x16xi32>
    %ne3A_157 = arith.cmpi ne, %rem3A_154, %ne3A_156 : vector<128x16xi32>
    %and3A_158 = arith.andi %ne3A_152, %ne3A_157 : vector<128x16xi1>
    %sub3A_159 = arith.constant 1 : i32
    %sub3A_160 = vector.broadcast %sub3A_159 : i32 to vector<128x16xi32>
    %sub3A_161 = arith.subi %div3A_134, %sub3A_160 : vector<128x16xi32>
    %select_n3A_162 = arith.select %and3A_158, %sub3A_161, %div3A_134 : vector<128x16xi1>, vector<128x16xi32>
    %eq3A_163 = arith.cmpi eq, %select_n3A_162, %iota3A_131 : vector<128x16xi32>
    %jit3A_164 = arith.constant 1.000000e+00 : f32
    %jit3A_165 = arith.constant 0.000000e+00 : f32
    %broadcast_in_dim3A_166 = vector.broadcast %jit3A_164 : f32 to vector<128x16xf32>
    %broadcast_in_dim3A_167 = vector.broadcast %jit3A_165 : f32 to vector<128x16xf32>
    %select_n3A_168 = arith.select %eq3A_163, %broadcast_in_dim3A_166, %broadcast_in_dim3A_167 : vector<128x16xi1>, vector<128x16xf32>
    %get3A_169 = arith.constant 0 : index
    %get3A_170 = arith.constant 0 : index
    %get3A_171 = vector.load %arg5[%get3A_169, %get3A_170] : memref<8x1xf32, #tpu.memory_space<vmem>>, vector<8x1xf32>
    %dot_general3A_172 = arith.constant dense<0.000000e+00> : vector<128x1xf32>
    %dot_general3A_173 = tpu.matmul %select_n3A_86, %get3A_171, %dot_general3A_172 {dimension_numbers = #tpu.dot_dimension_numbers<[1], [0], [0], [1], [0, 0, 1, 1], [], []>, transpose_lhs_hint = false} : vector<128x8xf32>, vector<8x1xf32>, vector<128x1xf32> -> vector<128x1xf32>
    %mul3A_174 = vector.broadcast %dot_general3A_173 : vector<128x1xf32> to vector<128x16xf32>
    %mul3A_175 = arith.mulf %mul3A_174, %select_n3A_168 : vector<128x16xf32>
    %get3A_176 = arith.constant 0 : index
    %get3A_177 = arith.constant 0 : index
    %get3A_178 = vector.load %arg6[%get3A_176, %get3A_177] : memref<9x8xf32, #tpu.memory_space<vmem>>, vector<9x8xf32>
    %dot_general3A_179 = arith.constant dense<0.000000e+00> : vector<9x128xf32>
    %dot_general3A_180 = tpu.matmul %get3A_178, %select_n3A_116, %dot_general3A_179 {dimension_numbers = #tpu.dot_dimension_numbers<[1], [0], [0], [1], [0, 0, 1, 1], [], []>, transpose_lhs_hint = false} : vector<9x8xf32>, vector<8x128xf32>, vector<9x128xf32> -> vector<9x128xf32>
    %get3A_181 = arith.constant 0 : index
    %get3A_182 = arith.constant 0 : index
    %get3A_183 = vector.load %arg1[%get3A_181, %get3A_182] : memref<1952x128xf32, #tpu.memory_space<vmem>>, vector<1952x128xf32>
    %get3A_184 = arith.constant 0 : index
    %get3A_185 = arith.constant 0 : index
    %get3A_186 = vector.load %arg2[%get3A_184, %get3A_185] : memref<1952x128xf32, #tpu.memory_space<vmem>>, vector<1952x128xf32>
    %add3A_187 = arith.addf %get3A_183, %get3A_186 : vector<1952x128xf32>
    %slice3A = vector.extract_strided_slice %dot_general3A_180 {offsets = [0, 0], sizes = [1, 128], strides = [1, 1]} : vector<9x128xf32> to vector<1x128xf32>
    %slice3A_188 = vector.extract_strided_slice %dot_general3A_180 {offsets = [1, 0], sizes = [1, 128], strides = [1, 1]} : vector<9x128xf32> to vector<1x128xf32>
    %dot_general3A_189 = arith.constant dense<0.000000e+00> : vector<1952x128xf32>
    %dot_general3A_190 = tpu.matmul %add3A_187, %select_n3A_58, %dot_general3A_189 {dimension_numbers = #tpu.dot_dimension_numbers<[1], [0], [0], [1], [0, 0, 1, 1], [], []>, transpose_lhs_hint = false} : vector<1952x128xf32>, vector<128x128xf32>, vector<1952x128xf32> -> vector<1952x128xf32>
    %mul3A_191 = arith.constant 1.250000e-01 : f32
    %mul3A_192 = vector.broadcast %mul3A_191 : f32 to vector<1952x128xf32>
    %mul3A_193 = arith.mulf %dot_general3A_190, %mul3A_192 : vector<1952x128xf32>
    %sub3A_194 = arith.subf %add3A_187, %mul3A_193 : vector<1952x128xf32>
    %mul3A_195 = arith.mulf %sub3A_194, %sub3A_194 : vector<1952x128xf32>
    %dot_general3A_196 = arith.constant dense<0.000000e+00> : vector<1952x128xf32>
    %dot_general3A_197 = tpu.matmul %mul3A_195, %select_n3A_58, %dot_general3A_196 {dimension_numbers = #tpu.dot_dimension_numbers<[1], [0], [0], [1], [0, 0, 1, 1], [], []>, transpose_lhs_hint = false} : vector<1952x128xf32>, vector<128x128xf32>, vector<1952x128xf32> -> vector<1952x128xf32>
    %mul3A_198 = arith.constant 1.250000e-01 : f32
    %mul3A_199 = vector.broadcast %mul3A_198 : f32 to vector<1952x128xf32>
    %mul3A_200 = arith.mulf %dot_general3A_197, %mul3A_199 : vector<1952x128xf32>
    %add3A_201 = arith.constant 9.99999974E-6 : f32
    %add3A_202 = vector.broadcast %add3A_201 : f32 to vector<1952x128xf32>
    %add3A_203 = arith.addf %mul3A_200, %add3A_202 : vector<1952x128xf32>
    %sqrt3A = math.sqrt %add3A_203 : vector<1952x128xf32>
    %div3A_204 = arith.divf %sub3A_194, %sqrt3A : vector<1952x128xf32>
    %mul3A_205 = vector.broadcast %slice3A : vector<1x128xf32> to vector<1952x128xf32>
    %mul3A_206 = arith.mulf %div3A_204, %mul3A_205 : vector<1952x128xf32>
    %add3A_207 = vector.broadcast %slice3A_188 : vector<1x128xf32> to vector<1952x128xf32>
    %add3A_208 = arith.addf %mul3A_206, %add3A_207 : vector<1952x128xf32>
    %max3A = arith.constant 0.000000e+00 : f32
    %max3A_209 = vector.broadcast %max3A : f32 to vector<1952x128xf32>
    %max3A_210 = arith.maximumf %add3A_208, %max3A_209 : vector<1952x128xf32>
    %dot_general3A_211 = arith.constant dense<0.000000e+00> : vector<1952x128xf32>
    %dot_general3A_212 = tpu.matmul %max3A_210, %mul3A, %dot_general3A_211 {dimension_numbers = #tpu.dot_dimension_numbers<[1], [0], [0], [1], [0, 0, 1, 1], [], []>, transpose_lhs_hint = false} : vector<1952x128xf32>, vector<128x128xf32>, vector<1952x128xf32> -> vector<1952x128xf32>
    %slice3A_213 = vector.extract_strided_slice %dot_general3A_180 {offsets = [2, 0], sizes = [1, 128], strides = [1, 1]} : vector<9x128xf32> to vector<1x128xf32>
    %add3A_214 = vector.broadcast %slice3A_213 : vector<1x128xf32> to vector<1952x128xf32>
    %add3A_215 = arith.addf %dot_general3A_212, %add3A_214 : vector<1952x128xf32>
    %slice3A_216 = vector.extract_strided_slice %dot_general3A_180 {offsets = [3, 0], sizes = [1, 128], strides = [1, 1]} : vector<9x128xf32> to vector<1x128xf32>
    %slice3A_217 = vector.extract_strided_slice %dot_general3A_180 {offsets = [4, 0], sizes = [1, 128], strides = [1, 1]} : vector<9x128xf32> to vector<1x128xf32>
    %dot_general3A_218 = arith.constant dense<0.000000e+00> : vector<1952x128xf32>
    %dot_general3A_219 = tpu.matmul %add3A_215, %select_n3A_58, %dot_general3A_218 {dimension_numbers = #tpu.dot_dimension_numbers<[1], [0], [0], [1], [0, 0, 1, 1], [], []>, transpose_lhs_hint = false} : vector<1952x128xf32>, vector<128x128xf32>, vector<1952x128xf32> -> vector<1952x128xf32>
    %mul3A_220 = arith.constant 1.250000e-01 : f32
    %mul3A_221 = vector.broadcast %mul3A_220 : f32 to vector<1952x128xf32>
    %mul3A_222 = arith.mulf %dot_general3A_219, %mul3A_221 : vector<1952x128xf32>
    %sub3A_223 = arith.subf %add3A_215, %mul3A_222 : vector<1952x128xf32>
    %mul3A_224 = arith.mulf %sub3A_223, %sub3A_223 : vector<1952x128xf32>
    %dot_general3A_225 = arith.constant dense<0.000000e+00> : vector<1952x128xf32>
    %dot_general3A_226 = tpu.matmul %mul3A_224, %select_n3A_58, %dot_general3A_225 {dimension_numbers = #tpu.dot_dimension_numbers<[1], [0], [0], [1], [0, 0, 1, 1], [], []>, transpose_lhs_hint = false} : vector<1952x128xf32>, vector<128x128xf32>, vector<1952x128xf32> -> vector<1952x128xf32>
    %mul3A_227 = arith.constant 1.250000e-01 : f32
    %mul3A_228 = vector.broadcast %mul3A_227 : f32 to vector<1952x128xf32>
    %mul3A_229 = arith.mulf %dot_general3A_226, %mul3A_228 : vector<1952x128xf32>
    %add3A_230 = arith.constant 9.99999974E-6 : f32
    %add3A_231 = vector.broadcast %add3A_230 : f32 to vector<1952x128xf32>
    %add3A_232 = arith.addf %mul3A_229, %add3A_231 : vector<1952x128xf32>
    %sqrt3A_233 = math.sqrt %add3A_232 : vector<1952x128xf32>
    %div3A_234 = arith.divf %sub3A_223, %sqrt3A_233 : vector<1952x128xf32>
    %mul3A_235 = vector.broadcast %slice3A_216 : vector<1x128xf32> to vector<1952x128xf32>
    %mul3A_236 = arith.mulf %div3A_234, %mul3A_235 : vector<1952x128xf32>
    %add3A_237 = vector.broadcast %slice3A_217 : vector<1x128xf32> to vector<1952x128xf32>
    %add3A_238 = arith.addf %mul3A_236, %add3A_237 : vector<1952x128xf32>
    %max3A_239 = arith.constant 0.000000e+00 : f32
    %max3A_240 = vector.broadcast %max3A_239 : f32 to vector<1952x128xf32>
    %max3A_241 = arith.maximumf %add3A_238, %max3A_240 : vector<1952x128xf32>
    %dot_general3A_242 = arith.constant dense<0.000000e+00> : vector<1952x128xf32>
    %dot_general3A_243 = tpu.matmul %max3A_241, %mul3A_129, %dot_general3A_242 {dimension_numbers = #tpu.dot_dimension_numbers<[1], [0], [0], [1], [0, 0, 1, 1], [], []>, transpose_lhs_hint = false} : vector<1952x128xf32>, vector<128x128xf32>, vector<1952x128xf32> -> vector<1952x128xf32>
    %slice3A_244 = vector.extract_strided_slice %dot_general3A_180 {offsets = [5, 0], sizes = [1, 128], strides = [1, 1]} : vector<9x128xf32> to vector<1x128xf32>
    %add3A_245 = vector.broadcast %slice3A_244 : vector<1x128xf32> to vector<1952x128xf32>
    %add3A_246 = arith.addf %dot_general3A_243, %add3A_245 : vector<1952x128xf32>
    %slice3A_247 = vector.extract_strided_slice %dot_general3A_180 {offsets = [6, 0], sizes = [1, 128], strides = [1, 1]} : vector<9x128xf32> to vector<1x128xf32>
    %slice3A_248 = vector.extract_strided_slice %dot_general3A_180 {offsets = [7, 0], sizes = [1, 128], strides = [1, 1]} : vector<9x128xf32> to vector<1x128xf32>
    %dot_general3A_249 = arith.constant dense<0.000000e+00> : vector<1952x128xf32>
    %dot_general3A_250 = tpu.matmul %add3A_246, %select_n3A_58, %dot_general3A_249 {dimension_numbers = #tpu.dot_dimension_numbers<[1], [0], [0], [1], [0, 0, 1, 1], [], []>, transpose_lhs_hint = false} : vector<1952x128xf32>, vector<128x128xf32>, vector<1952x128xf32> -> vector<1952x128xf32>
    %mul3A_251 = arith.constant 1.250000e-01 : f32
    %mul3A_252 = vector.broadcast %mul3A_251 : f32 to vector<1952x128xf32>
    %mul3A_253 = arith.mulf %dot_general3A_250, %mul3A_252 : vector<1952x128xf32>
    %sub3A_254 = arith.subf %add3A_246, %mul3A_253 : vector<1952x128xf32>
    %mul3A_255 = arith.mulf %sub3A_254, %sub3A_254 : vector<1952x128xf32>
    %dot_general3A_256 = arith.constant dense<0.000000e+00> : vector<1952x128xf32>
    %dot_general3A_257 = tpu.matmul %mul3A_255, %select_n3A_58, %dot_general3A_256 {dimension_numbers = #tpu.dot_dimension_numbers<[1], [0], [0], [1], [0, 0, 1, 1], [], []>, transpose_lhs_hint = false} : vector<1952x128xf32>, vector<128x128xf32>, vector<1952x128xf32> -> vector<1952x128xf32>
    %mul3A_258 = arith.constant 1.250000e-01 : f32
    %mul3A_259 = vector.broadcast %mul3A_258 : f32 to vector<1952x128xf32>
    %mul3A_260 = arith.mulf %dot_general3A_257, %mul3A_259 : vector<1952x128xf32>
    %add3A_261 = arith.constant 9.99999974E-6 : f32
    %add3A_262 = vector.broadcast %add3A_261 : f32 to vector<1952x128xf32>
    %add3A_263 = arith.addf %mul3A_260, %add3A_262 : vector<1952x128xf32>
    %sqrt3A_264 = math.sqrt %add3A_263 : vector<1952x128xf32>
    %div3A_265 = arith.divf %sub3A_254, %sqrt3A_264 : vector<1952x128xf32>
    %mul3A_266 = vector.broadcast %slice3A_247 : vector<1x128xf32> to vector<1952x128xf32>
    %mul3A_267 = arith.mulf %div3A_265, %mul3A_266 : vector<1952x128xf32>
    %add3A_268 = vector.broadcast %slice3A_248 : vector<1x128xf32> to vector<1952x128xf32>
    %add3A_269 = arith.addf %mul3A_267, %add3A_268 : vector<1952x128xf32>
    %max3A_270 = arith.constant 0.000000e+00 : f32
    %max3A_271 = vector.broadcast %max3A_270 : f32 to vector<1952x128xf32>
    %max3A_272 = arith.maximumf %add3A_269, %max3A_271 : vector<1952x128xf32>
    %dot_general3A_273 = arith.constant dense<0.000000e+00> : vector<1952x16xf32>
    %dot_general3A_274 = tpu.matmul %max3A_272, %mul3A_175, %dot_general3A_273 {dimension_numbers = #tpu.dot_dimension_numbers<[1], [0], [0], [1], [0, 0, 1, 1], [], []>, transpose_lhs_hint = false} : vector<1952x128xf32>, vector<128x16xf32>, vector<1952x16xf32> -> vector<1952x16xf32>
    %slice3A_275 = vector.extract_strided_slice %dot_general3A_180 {offsets = [8, 0], sizes = [1, 16], strides = [1, 1]} : vector<9x128xf32> to vector<1x16xf32>
    %add3A_276 = vector.broadcast %slice3A_275 : vector<1x16xf32> to vector<1952x16xf32>
    %add3A_277 = arith.addf %dot_general3A_274, %add3A_276 : vector<1952x16xf32>
    %swap3A = arith.constant 0 : index
    %swap3A_278 = arith.constant 0 : index
    %swap3A_279 = vector.load %arg7[%swap3A, %swap3A_278] : memref<1952x16xf32, #tpu.memory_space<vmem>>, vector<1952x16xf32>
    tpu.vector_store %arg7[%swap3A, %swap3A_278], %add3A_277 {strides = array<i32>} : memref<1952x16xf32, #tpu.memory_space<vmem>>, vector<1952x16xf32>,
    return
  }
  func.func @transform_0(%arg0: i32) -> (i32, i32) {
    %c0_i32 = arith.constant 0 : i32
    %c0_i32_0 = arith.constant 0 : i32
    return %arg0, %c0_i32 : i32, i32
  }
  func.func @transform_1(%arg0: i32) -> (i32, i32) {
    %c0_i32 = arith.constant 0 : i32
    %c0_i32_0 = arith.constant 0 : i32
    return %arg0, %c0_i32 : i32, i32
  }
  func.func @transform_2(%arg0: i32) -> (i32, i32) {
    %c0_i32 = arith.constant 0 : i32
    %c0_i32_0 = arith.constant 0 : i32
    %c0_i32_1 = arith.constant 0 : i32
    return %c0_i32, %c0_i32_0 : i32, i32
  }
  func.func @transform_3(%arg0: i32) -> (i32, i32) {
    %c0_i32 = arith.constant 0 : i32
    %c0_i32_0 = arith.constant 0 : i32
    %c0_i32_1 = arith.constant 0 : i32
    return %c0_i32, %c0_i32_0 : i32, i32
  }
  func.func @transform_4(%arg0: i32) -> (i32, i32) {
    %c0_i32 = arith.constant 0 : i32
    %c0_i32_0 = arith.constant 0 : i32
    %c0_i32_1 = arith.constant 0 : i32
    return %c0_i32, %c0_i32_0 : i32, i32
  }
  func.func @transform_5(%arg0: i32) -> (i32, i32) {
    %c0_i32 = arith.constant 0 : i32
    %c0_i32_0 = arith.constant 0 : i32
    %c0_i32_1 = arith.constant 0 : i32
    return %c0_i32, %c0_i32_0 : i32, i32
  }
  func.func @transform_6(%arg0: i32) -> (i32, i32) {
    %c0_i32 = arith.constant 0 : i32
    %c0_i32_0 = arith.constant 0 : i32
    return %arg0, %c0_i32 : i32, i32
  }
}

module attributes {stable_mosaic.version = 14 : i64} {
  func.func @_stage_c_body(%arg0: i32, %arg1: memref<2048x128xf32, #tpu.memory_space<vmem>>, %arg2: memref<2048x128xf32, #tpu.memory_space<vmem>>, %arg3: memref<8x8xf32, #tpu.memory_space<vmem>>, %arg4: memref<8x8xf32, #tpu.memory_space<vmem>>, %arg5: memref<8x1xf32, #tpu.memory_space<vmem>>, %arg6: memref<9x8xf32, #tpu.memory_space<vmem>>, %arg7: memref<2048x16xf32, #tpu.memory_space<vmem>>) attributes {dimension_semantics = [#tpu.dimension_semantics<arbitrary>], iteration_bounds = array<i64: 5>, scalar_prefetch = 0 : i64, scratch_operands = 0 : i64, tpu.core_type = #tpu.core_type<tc>, window_params = [{transform_indices = @transform_0, window_bounds = array<i64: 2048, 128>}, {transform_indices = @transform_1, window_bounds = array<i64: 2048, 128>}, {pipeline_mode = #tpu.pipeline_mode<synchronous>, transform_indices = @transform_2, window_bounds = array<i64: 8, 8>}, {pipeline_mode = #tpu.pipeline_mode<synchronous>, transform_indices = @transform_3, window_bounds = array<i64: 8, 8>}, {pipeline_mode = #tpu.pipeline_mode<synchronous>, transform_indices = @transform_4, window_bounds = array<i64: 8, 1>}, {pipeline_mode = #tpu.pipeline_mode<synchronous>, transform_indices = @transform_5, window_bounds = array<i64: 9, 8>}, {transform_indices = @transform_6, window_bounds = array<i64: 2048, 16>}]} {
    %iota3A = tpu.iota {dimensions = array<i32: 0>} : vector<128x128xi32>
    %iota3A_0 = tpu.iota {dimensions = array<i32: 1>} : vector<128x128xi32>
    %jit3A = arith.constant 8 : i32
    %div3A = vector.broadcast %jit3A : i32 to vector<128x128xi32>
    %div3A_1 = arith.divsi %iota3A, %div3A : vector<128x128xi32>
    %sign3A = arith.constant 0 : i32
    %sign3A_2 = vector.broadcast %sign3A : i32 to vector<128x128xi32>
    %sign3A_3 = arith.cmpi sgt, %iota3A, %sign3A_2 : vector<128x128xi32>
    %sign3A_4 = arith.extui %sign3A_3 : vector<128x128xi1> to vector<128x128xi32>
    %sign3A_5 = arith.constant 0 : i32
    %sign3A_6 = vector.broadcast %sign3A_5 : i32 to vector<128x128xi32>
    %sign3A_7 = arith.cmpi slt, %iota3A, %sign3A_6 : vector<128x128xi32>
    %sign3A_8 = arith.extui %sign3A_7 : vector<128x128xi1> to vector<128x128xi32>
    %sign3A_9 = arith.subi %sign3A_4, %sign3A_8 : vector<128x128xi32>
    %sign3A_10 = arith.constant 0 : i32
    %sign3A_11 = arith.cmpi sgt, %jit3A, %sign3A_10 : i32
    %sign3A_12 = arith.extui %sign3A_11 : i1 to i32
    %sign3A_13 = arith.constant 0 : i32
    %sign3A_14 = arith.cmpi slt, %jit3A, %sign3A_13 : i32
    %sign3A_15 = arith.extui %sign3A_14 : i1 to i32
    %sign3A_16 = arith.subi %sign3A_12, %sign3A_15 : i32
    %ne3A = vector.broadcast %sign3A_16 : i32 to vector<128x128xi32>
    %ne3A_17 = arith.cmpi ne, %sign3A_9, %ne3A : vector<128x128xi32>
    %rem3A = vector.broadcast %jit3A : i32 to vector<128x128xi32>
    %rem3A_18 = arith.remsi %iota3A, %rem3A : vector<128x128xi32>
    %ne3A_19 = arith.constant 0 : i32
    %ne3A_20 = vector.broadcast %ne3A_19 : i32 to vector<128x128xi32>
    %ne3A_21 = arith.cmpi ne, %rem3A_18, %ne3A_20 : vector<128x128xi32>
    %and3A = arith.andi %ne3A_17, %ne3A_21 : vector<128x128xi1>
    %sub3A = arith.constant 1 : i32
    %sub3A_22 = vector.broadcast %sub3A : i32 to vector<128x128xi32>
    %sub3A_23 = arith.subi %div3A_1, %sub3A_22 : vector<128x128xi32>
    %select_n3A = arith.select %and3A, %sub3A_23, %div3A_1 : vector<128x128xi1>, vector<128x128xi32>
    %jit3A_24 = arith.constant 8 : i32
    %div3A_25 = vector.broadcast %jit3A_24 : i32 to vector<128x128xi32>
    %div3A_26 = arith.divsi %iota3A_0, %div3A_25 : vector<128x128xi32>
    %sign3A_27 = arith.constant 0 : i32
    %sign3A_28 = vector.broadcast %sign3A_27 : i32 to vector<128x128xi32>
    %sign3A_29 = arith.cmpi sgt, %iota3A_0, %sign3A_28 : vector<128x128xi32>
    %sign3A_30 = arith.extui %sign3A_29 : vector<128x128xi1> to vector<128x128xi32>
    %sign3A_31 = arith.constant 0 : i32
    %sign3A_32 = vector.broadcast %sign3A_31 : i32 to vector<128x128xi32>
    %sign3A_33 = arith.cmpi slt, %iota3A_0, %sign3A_32 : vector<128x128xi32>
    %sign3A_34 = arith.extui %sign3A_33 : vector<128x128xi1> to vector<128x128xi32>
    %sign3A_35 = arith.subi %sign3A_30, %sign3A_34 : vector<128x128xi32>
    %sign3A_36 = arith.constant 0 : i32
    %sign3A_37 = arith.cmpi sgt, %jit3A_24, %sign3A_36 : i32
    %sign3A_38 = arith.extui %sign3A_37 : i1 to i32
    %sign3A_39 = arith.constant 0 : i32
    %sign3A_40 = arith.cmpi slt, %jit3A_24, %sign3A_39 : i32
    %sign3A_41 = arith.extui %sign3A_40 : i1 to i32
    %sign3A_42 = arith.subi %sign3A_38, %sign3A_41 : i32
    %ne3A_43 = vector.broadcast %sign3A_42 : i32 to vector<128x128xi32>
    %ne3A_44 = arith.cmpi ne, %sign3A_35, %ne3A_43 : vector<128x128xi32>
    %rem3A_45 = vector.broadcast %jit3A_24 : i32 to vector<128x128xi32>
    %rem3A_46 = arith.remsi %iota3A_0, %rem3A_45 : vector<128x128xi32>
    %ne3A_47 = arith.constant 0 : i32
    %ne3A_48 = vector.broadcast %ne3A_47 : i32 to vector<128x128xi32>
    %ne3A_49 = arith.cmpi ne, %rem3A_46, %ne3A_48 : vector<128x128xi32>
    %and3A_50 = arith.andi %ne3A_44, %ne3A_49 : vector<128x128xi1>
    %sub3A_51 = arith.constant 1 : i32
    %sub3A_52 = vector.broadcast %sub3A_51 : i32 to vector<128x128xi32>
    %sub3A_53 = arith.subi %div3A_26, %sub3A_52 : vector<128x128xi32>
    %select_n3A_54 = arith.select %and3A_50, %sub3A_53, %div3A_26 : vector<128x128xi1>, vector<128x128xi32>
    %eq3A = arith.cmpi eq, %select_n3A, %select_n3A_54 : vector<128x128xi32>
    %jit3A_55 = arith.constant 1.000000e+00 : f32
    %jit3A_56 = arith.constant 0.000000e+00 : f32
    %broadcast_in_dim3A = vector.broadcast %jit3A_55 : f32 to vector<128x128xf32>
    %broadcast_in_dim3A_57 = vector.broadcast %jit3A_56 : f32 to vector<128x128xf32>
    %select_n3A_58 = arith.select %eq3A, %broadcast_in_dim3A, %broadcast_in_dim3A_57 : vector<128x128xi1>, vector<128x128xf32>
    %iota3A_59 = tpu.iota {dimensions = array<i32: 0>} : vector<128x8xi32>
    %iota3A_60 = tpu.iota {dimensions = array<i32: 1>} : vector<128x8xi32>
    %jit3A_61 = arith.constant 8 : i32
    %eq3A_62 = arith.constant 0 : i32
    %eq3A_63 = arith.cmpi eq, %jit3A_61, %eq3A_62 : i32
    %jit3A_64 = arith.constant 1 : i32
    %select_n3A_65 = arith.select %eq3A_63, %jit3A_64, %jit3A_61 : i32
    %rem3A_66 = vector.broadcast %select_n3A_65 : i32 to vector<128x8xi32>
    %rem3A_67 = arith.remsi %iota3A_59, %rem3A_66 : vector<128x8xi32>
    %ne3A_68 = arith.constant 0 : i32
    %ne3A_69 = vector.broadcast %ne3A_68 : i32 to vector<128x8xi32>
    %ne3A_70 = arith.cmpi ne, %rem3A_67, %ne3A_69 : vector<128x8xi32>
    %lt3A = arith.constant 0 : i32
    %lt3A_71 = vector.broadcast %lt3A : i32 to vector<128x8xi32>
    %lt3A_72 = arith.cmpi slt, %rem3A_67, %lt3A_71 : vector<128x8xi32>
    %lt3A_73 = arith.constant 0 : i32
    %lt3A_74 = arith.cmpi slt, %select_n3A_65, %lt3A_73 : i32
    %ne3A_75 = vector.broadcast %lt3A_74 : i1 to vector<128x8xi1>
    %ne3A_76 = vector.broadcast %ne3A_75 : vector<128x8xi1> to vector<128x8xi1>
    %ne3A_77 = arith.xori %lt3A_72, %ne3A_76 : vector<128x8xi1>
    %and3A_78 = arith.andi %ne3A_77, %ne3A_70 : vector<128x8xi1>
    %add3A = vector.broadcast %select_n3A_65 : i32 to vector<128x8xi32>
    %add3A_79 = arith.addi %rem3A_67, %add3A : vector<128x8xi32>
    %select_n3A_80 = arith.select %and3A_78, %add3A_79, %rem3A_67 : vector<128x8xi1>, vector<128x8xi32>
    %eq3A_81 = arith.cmpi eq, %select_n3A_80, %iota3A_60 : vector<128x8xi32>
    %jit3A_82 = arith.constant 1.000000e+00 : f32
    %jit3A_83 = arith.constant 0.000000e+00 : f32
    %broadcast_in_dim3A_84 = vector.broadcast %jit3A_82 : f32 to vector<128x8xf32>
    %broadcast_in_dim3A_85 = vector.broadcast %jit3A_83 : f32 to vector<128x8xf32>
    %select_n3A_86 = arith.select %eq3A_81, %broadcast_in_dim3A_84, %broadcast_in_dim3A_85 : vector<128x8xi1>, vector<128x8xf32>
    %iota3A_87 = tpu.iota {dimensions = array<i32: 0>} : vector<8x128xi32>
    %iota3A_88 = tpu.iota {dimensions = array<i32: 1>} : vector<8x128xi32>
    %jit3A_89 = arith.constant 8 : i32
    %eq3A_90 = arith.constant 0 : i32
    %eq3A_91 = arith.cmpi eq, %jit3A_89, %eq3A_90 : i32
    %jit3A_92 = arith.constant 1 : i32
    %select_n3A_93 = arith.select %eq3A_91, %jit3A_92, %jit3A_89 : i32
    %rem3A_94 = vector.broadcast %select_n3A_93 : i32 to vector<8x128xi32>
    %rem3A_95 = arith.remsi %iota3A_88, %rem3A_94 : vector<8x128xi32>
    %ne3A_96 = arith.constant 0 : i32
    %ne3A_97 = vector.broadcast %ne3A_96 : i32 to vector<8x128xi32>
    %ne3A_98 = arith.cmpi ne, %rem3A_95, %ne3A_97 : vector<8x128xi32>
    %lt3A_99 = arith.constant 0 : i32
    %lt3A_100 = vector.broadcast %lt3A_99 : i32 to vector<8x128xi32>
    %lt3A_101 = arith.cmpi slt, %rem3A_95, %lt3A_100 : vector<8x128xi32>
    %lt3A_102 = arith.constant 0 : i32
    %lt3A_103 = arith.cmpi slt, %select_n3A_93, %lt3A_102 : i32
    %ne3A_104 = vector.broadcast %lt3A_103 : i1 to vector<8x128xi1>
    %ne3A_105 = vector.broadcast %ne3A_104 : vector<8x128xi1> to vector<8x128xi1>
    %ne3A_106 = arith.xori %lt3A_101, %ne3A_105 : vector<8x128xi1>
    %and3A_107 = arith.andi %ne3A_106, %ne3A_98 : vector<8x128xi1>
    %add3A_108 = vector.broadcast %select_n3A_93 : i32 to vector<8x128xi32>
    %add3A_109 = arith.addi %rem3A_95, %add3A_108 : vector<8x128xi32>
    %select_n3A_110 = arith.select %and3A_107, %add3A_109, %rem3A_95 : vector<8x128xi1>, vector<8x128xi32>
    %eq3A_111 = arith.cmpi eq, %select_n3A_110, %iota3A_87 : vector<8x128xi32>
    %jit3A_112 = arith.constant 1.000000e+00 : f32
    %jit3A_113 = arith.constant 0.000000e+00 : f32
    %broadcast_in_dim3A_114 = vector.broadcast %jit3A_112 : f32 to vector<8x128xf32>
    %broadcast_in_dim3A_115 = vector.broadcast %jit3A_113 : f32 to vector<8x128xf32>
    %select_n3A_116 = arith.select %eq3A_111, %broadcast_in_dim3A_114, %broadcast_in_dim3A_115 : vector<8x128xi1>, vector<8x128xf32>
    %get3A = arith.constant 0 : index
    %get3A_117 = arith.constant 0 : index
    %get3A_118 = vector.load %arg3[%get3A, %get3A_117] : memref<8x8xf32, #tpu.memory_space<vmem>>, vector<8x8xf32>
    %dot_general3A = arith.constant dense<0.000000e+00> : vector<128x8xf32>
    %dot_general3A_119 = tpu.matmul %select_n3A_86, %get3A_118, %dot_general3A {dimension_numbers = #tpu.dot_dimension_numbers<[1], [0], [0], [1], [0, 0, 1, 1], [], []>, transpose_lhs_hint = false} : vector<128x8xf32>, vector<8x8xf32>, vector<128x8xf32> -> vector<128x8xf32>
    %dot_general3A_120 = arith.constant dense<0.000000e+00> : vector<128x128xf32>
    %dot_general3A_121 = tpu.matmul %dot_general3A_119, %select_n3A_116, %dot_general3A_120 {dimension_numbers = #tpu.dot_dimension_numbers<[1], [0], [0], [1], [0, 0, 1, 1], [], []>, transpose_lhs_hint = false} : vector<128x8xf32>, vector<8x128xf32>, vector<128x128xf32> -> vector<128x128xf32>
    %mul3A = arith.mulf %dot_general3A_121, %select_n3A_58 : vector<128x128xf32>
    %get3A_122 = arith.constant 0 : index
    %get3A_123 = arith.constant 0 : index
    %get3A_124 = vector.load %arg4[%get3A_122, %get3A_123] : memref<8x8xf32, #tpu.memory_space<vmem>>, vector<8x8xf32>
    %dot_general3A_125 = arith.constant dense<0.000000e+00> : vector<128x8xf32>
    %dot_general3A_126 = tpu.matmul %select_n3A_86, %get3A_124, %dot_general3A_125 {dimension_numbers = #tpu.dot_dimension_numbers<[1], [0], [0], [1], [0, 0, 1, 1], [], []>, transpose_lhs_hint = false} : vector<128x8xf32>, vector<8x8xf32>, vector<128x8xf32> -> vector<128x8xf32>
    %dot_general3A_127 = arith.constant dense<0.000000e+00> : vector<128x128xf32>
    %dot_general3A_128 = tpu.matmul %dot_general3A_126, %select_n3A_116, %dot_general3A_127 {dimension_numbers = #tpu.dot_dimension_numbers<[1], [0], [0], [1], [0, 0, 1, 1], [], []>, transpose_lhs_hint = false} : vector<128x8xf32>, vector<8x128xf32>, vector<128x128xf32> -> vector<128x128xf32>
    %mul3A_129 = arith.mulf %dot_general3A_128, %select_n3A_58 : vector<128x128xf32>
    %iota3A_130 = tpu.iota {dimensions = array<i32: 0>} : vector<128x16xi32>
    %iota3A_131 = tpu.iota {dimensions = array<i32: 1>} : vector<128x16xi32>
    %jit3A_132 = arith.constant 8 : i32
    %div3A_133 = vector.broadcast %jit3A_132 : i32 to vector<128x16xi32>
    %div3A_134 = arith.divsi %iota3A_130, %div3A_133 : vector<128x16xi32>
    %sign3A_135 = arith.constant 0 : i32
    %sign3A_136 = vector.broadcast %sign3A_135 : i32 to vector<128x16xi32>
    %sign3A_137 = arith.cmpi sgt, %iota3A_130, %sign3A_136 : vector<128x16xi32>
    %sign3A_138 = arith.extui %sign3A_137 : vector<128x16xi1> to vector<128x16xi32>
    %sign3A_139 = arith.constant 0 : i32
    %sign3A_140 = vector.broadcast %sign3A_139 : i32 to vector<128x16xi32>
    %sign3A_141 = arith.cmpi slt, %iota3A_130, %sign3A_140 : vector<128x16xi32>
    %sign3A_142 = arith.extui %sign3A_141 : vector<128x16xi1> to vector<128x16xi32>
    %sign3A_143 = arith.subi %sign3A_138, %sign3A_142 : vector<128x16xi32>
    %sign3A_144 = arith.constant 0 : i32
    %sign3A_145 = arith.cmpi sgt, %jit3A_132, %sign3A_144 : i32
    %sign3A_146 = arith.extui %sign3A_145 : i1 to i32
    %sign3A_147 = arith.constant 0 : i32
    %sign3A_148 = arith.cmpi slt, %jit3A_132, %sign3A_147 : i32
    %sign3A_149 = arith.extui %sign3A_148 : i1 to i32
    %sign3A_150 = arith.subi %sign3A_146, %sign3A_149 : i32
    %ne3A_151 = vector.broadcast %sign3A_150 : i32 to vector<128x16xi32>
    %ne3A_152 = arith.cmpi ne, %sign3A_143, %ne3A_151 : vector<128x16xi32>
    %rem3A_153 = vector.broadcast %jit3A_132 : i32 to vector<128x16xi32>
    %rem3A_154 = arith.remsi %iota3A_130, %rem3A_153 : vector<128x16xi32>
    %ne3A_155 = arith.constant 0 : i32
    %ne3A_156 = vector.broadcast %ne3A_155 : i32 to vector<128x16xi32>
    %ne3A_157 = arith.cmpi ne, %rem3A_154, %ne3A_156 : vector<128x16xi32>
    %and3A_158 = arith.andi %ne3A_152, %ne3A_157 : vector<128x16xi1>
    %sub3A_159 = arith.constant 1 : i32
    %sub3A_160 = vector.broadcast %sub3A_159 : i32 to vector<128x16xi32>
    %sub3A_161 = arith.subi %div3A_134, %sub3A_160 : vector<128x16xi32>
    %select_n3A_162 = arith.select %and3A_158, %sub3A_161, %div3A_134 : vector<128x16xi1>, vector<128x16xi32>
    %eq3A_163 = arith.cmpi eq, %select_n3A_162, %iota3A_131 : vector<128x16xi32>
    %jit3A_164 = arith.constant 1.000000e+00 : f32
    %jit3A_165 = arith.constant 0.000000e+00 : f32
    %broadcast_in_dim3A_166 = vector.broadcast %jit3A_164 : f32 to vector<128x16xf32>
    %broadcast_in_dim3A_167 = vector.broadcast %jit3A_165 : f32 to vector<128x16xf32>
    %select_n3A_168 = arith.select %eq3A_163, %broadcast_in_dim3A_166, %broadcast_in_dim3A_167 : vector<128x16xi1>, vector<128x16xf32>
    %get3A_169 = arith.constant 0 : index
    %get3A_170 = arith.constant 0 : index
    %get3A_171 = vector.load %arg5[%get3A_169, %get3A_170] : memref<8x1xf32, #tpu.memory_space<vmem>>, vector<8x1xf32>
    %dot_general3A_172 = arith.constant dense<0.000000e+00> : vector<128x1xf32>
    %dot_general3A_173 = tpu.matmul %select_n3A_86, %get3A_171, %dot_general3A_172 {dimension_numbers = #tpu.dot_dimension_numbers<[1], [0], [0], [1], [0, 0, 1, 1], [], []>, transpose_lhs_hint = false} : vector<128x8xf32>, vector<8x1xf32>, vector<128x1xf32> -> vector<128x1xf32>
    %mul3A_174 = vector.broadcast %dot_general3A_173 : vector<128x1xf32> to vector<128x16xf32>
    %mul3A_175 = arith.mulf %mul3A_174, %select_n3A_168 : vector<128x16xf32>
    %get3A_176 = arith.constant 0 : index
    %get3A_177 = arith.constant 0 : index
    %get3A_178 = vector.load %arg6[%get3A_176, %get3A_177] : memref<9x8xf32, #tpu.memory_space<vmem>>, vector<9x8xf32>
    %dot_general3A_179 = arith.constant dense<0.000000e+00> : vector<9x128xf32>
    %dot_general3A_180 = tpu.matmul %get3A_178, %select_n3A_116, %dot_general3A_179 {dimension_numbers = #tpu.dot_dimension_numbers<[1], [0], [0], [1], [0, 0, 1, 1], [], []>, transpose_lhs_hint = false} : vector<9x8xf32>, vector<8x128xf32>, vector<9x128xf32> -> vector<9x128xf32>
    %get3A_181 = arith.constant 0 : index
    %get3A_182 = arith.constant 0 : index
    %get3A_183 = vector.load %arg1[%get3A_181, %get3A_182] : memref<2048x128xf32, #tpu.memory_space<vmem>>, vector<2048x128xf32>
    %get3A_184 = arith.constant 0 : index
    %get3A_185 = arith.constant 0 : index
    %get3A_186 = vector.load %arg2[%get3A_184, %get3A_185] : memref<2048x128xf32, #tpu.memory_space<vmem>>, vector<2048x128xf32>
    %add3A_187 = arith.addf %get3A_183, %get3A_186 : vector<2048x128xf32>
    %slice3A = vector.extract_strided_slice %dot_general3A_180 {offsets = [0, 0], sizes = [1, 128], strides = [1, 1]} : vector<9x128xf32> to vector<1x128xf32>
    %slice3A_188 = vector.extract_strided_slice %dot_general3A_180 {offsets = [1, 0], sizes = [1, 128], strides = [1, 1]} : vector<9x128xf32> to vector<1x128xf32>
    %dot_general3A_189 = arith.constant dense<0.000000e+00> : vector<2048x128xf32>
    %dot_general3A_190 = tpu.matmul %add3A_187, %select_n3A_58, %dot_general3A_189 {dimension_numbers = #tpu.dot_dimension_numbers<[1], [0], [0], [1], [0, 0, 1, 1], [], []>, transpose_lhs_hint = false} : vector<2048x128xf32>, vector<128x128xf32>, vector<2048x128xf32> -> vector<2048x128xf32>
    %mul3A_191 = arith.constant 1.250000e-01 : f32
    %mul3A_192 = vector.broadcast %mul3A_191 : f32 to vector<2048x128xf32>
    %mul3A_193 = arith.mulf %dot_general3A_190, %mul3A_192 : vector<2048x128xf32>
    %sub3A_194 = arith.subf %add3A_187, %mul3A_193 : vector<2048x128xf32>
    %mul3A_195 = arith.mulf %sub3A_194, %sub3A_194 : vector<2048x128xf32>
    %dot_general3A_196 = arith.constant dense<0.000000e+00> : vector<2048x128xf32>
    %dot_general3A_197 = tpu.matmul %mul3A_195, %select_n3A_58, %dot_general3A_196 {dimension_numbers = #tpu.dot_dimension_numbers<[1], [0], [0], [1], [0, 0, 1, 1], [], []>, transpose_lhs_hint = false} : vector<2048x128xf32>, vector<128x128xf32>, vector<2048x128xf32> -> vector<2048x128xf32>
    %mul3A_198 = arith.constant 1.250000e-01 : f32
    %mul3A_199 = vector.broadcast %mul3A_198 : f32 to vector<2048x128xf32>
    %mul3A_200 = arith.mulf %dot_general3A_197, %mul3A_199 : vector<2048x128xf32>
    %add3A_201 = arith.constant 9.99999974E-6 : f32
    %add3A_202 = vector.broadcast %add3A_201 : f32 to vector<2048x128xf32>
    %add3A_203 = arith.addf %mul3A_200, %add3A_202 : vector<2048x128xf32>
    %sqrt3A = math.sqrt %add3A_203 : vector<2048x128xf32>
    %div3A_204 = arith.divf %sub3A_194, %sqrt3A : vector<2048x128xf32>
    %mul3A_205 = vector.broadcast %slice3A : vector<1x128xf32> to vector<2048x128xf32>
    %mul3A_206 = arith.mulf %div3A_204, %mul3A_205 : vector<2048x128xf32>
    %add3A_207 = vector.broadcast %slice3A_188 : vector<1x128xf32> to vector<2048x128xf32>
    %add3A_208 = arith.addf %mul3A_206, %add3A_207 : vector<2048x128xf32>
    %max3A = arith.constant 0.000000e+00 : f32
    %max3A_209 = vector.broadcast %max3A : f32 to vector<2048x128xf32>
    %max3A_210 = arith.maximumf %add3A_208, %max3A_209 : vector<2048x128xf32>
    %dot_general3A_211 = arith.constant dense<0.000000e+00> : vector<2048x128xf32>
    %dot_general3A_212 = tpu.matmul %max3A_210, %mul3A, %dot_general3A_211 {dimension_numbers = #tpu.dot_dimension_numbers<[1], [0], [0], [1], [0, 0, 1, 1], [], []>, transpose_lhs_hint = false} : vector<2048x128xf32>, vector<128x128xf32>, vector<2048x128xf32> -> vector<2048x128xf32>
    %slice3A_213 = vector.extract_strided_slice %dot_general3A_180 {offsets = [2, 0], sizes = [1, 128], strides = [1, 1]} : vector<9x128xf32> to vector<1x128xf32>
    %add3A_214 = vector.broadcast %slice3A_213 : vector<1x128xf32> to vector<2048x128xf32>
    %add3A_215 = arith.addf %dot_general3A_212, %add3A_214 : vector<2048x128xf32>
    %slice3A_216 = vector.extract_strided_slice %dot_general3A_180 {offsets = [3, 0], sizes = [1, 128], strides = [1, 1]} : vector<9x128xf32> to vector<1x128xf32>
    %slice3A_217 = vector.extract_strided_slice %dot_general3A_180 {offsets = [4, 0], sizes = [1, 128], strides = [1, 1]} : vector<9x128xf32> to vector<1x128xf32>
    %dot_general3A_218 = arith.constant dense<0.000000e+00> : vector<2048x128xf32>
    %dot_general3A_219 = tpu.matmul %add3A_215, %select_n3A_58, %dot_general3A_218 {dimension_numbers = #tpu.dot_dimension_numbers<[1], [0], [0], [1], [0, 0, 1, 1], [], []>, transpose_lhs_hint = false} : vector<2048x128xf32>, vector<128x128xf32>, vector<2048x128xf32> -> vector<2048x128xf32>
    %mul3A_220 = arith.constant 1.250000e-01 : f32
    %mul3A_221 = vector.broadcast %mul3A_220 : f32 to vector<2048x128xf32>
    %mul3A_222 = arith.mulf %dot_general3A_219, %mul3A_221 : vector<2048x128xf32>
    %sub3A_223 = arith.subf %add3A_215, %mul3A_222 : vector<2048x128xf32>
    %mul3A_224 = arith.mulf %sub3A_223, %sub3A_223 : vector<2048x128xf32>
    %dot_general3A_225 = arith.constant dense<0.000000e+00> : vector<2048x128xf32>
    %dot_general3A_226 = tpu.matmul %mul3A_224, %select_n3A_58, %dot_general3A_225 {dimension_numbers = #tpu.dot_dimension_numbers<[1], [0], [0], [1], [0, 0, 1, 1], [], []>, transpose_lhs_hint = false} : vector<2048x128xf32>, vector<128x128xf32>, vector<2048x128xf32> -> vector<2048x128xf32>
    %mul3A_227 = arith.constant 1.250000e-01 : f32
    %mul3A_228 = vector.broadcast %mul3A_227 : f32 to vector<2048x128xf32>
    %mul3A_229 = arith.mulf %dot_general3A_226, %mul3A_228 : vector<2048x128xf32>
    %add3A_230 = arith.constant 9.99999974E-6 : f32
    %add3A_231 = vector.broadcast %add3A_230 : f32 to vector<2048x128xf32>
    %add3A_232 = arith.addf %mul3A_229, %add3A_231 : vector<2048x128xf32>
    %sqrt3A_233 = math.sqrt %add3A_232 : vector<2048x128xf32>
    %div3A_234 = arith.divf %sub3A_223, %sqrt3A_233 : vector<2048x128xf32>
    %mul3A_235 = vector.broadcast %slice3A_216 : vector<1x128xf32> to vector<2048x128xf32>
    %mul3A_236 = arith.mulf %div3A_234, %mul3A_235 : vector<2048x128xf32>
    %add3A_237 = vector.broadcast %slice3A_217 : vector<1x128xf32> to vector<2048x128xf32>
    %add3A_238 = arith.addf %mul3A_236, %add3A_237 : vector<2048x128xf32>
    %max3A_239 = arith.constant 0.000000e+00 : f32
    %max3A_240 = vector.broadcast %max3A_239 : f32 to vector<2048x128xf32>
    %max3A_241 = arith.maximumf %add3A_238, %max3A_240 : vector<2048x128xf32>
    %dot_general3A_242 = arith.constant dense<0.000000e+00> : vector<2048x128xf32>
    %dot_general3A_243 = tpu.matmul %max3A_241, %mul3A_129, %dot_general3A_242 {dimension_numbers = #tpu.dot_dimension_numbers<[1], [0], [0], [1], [0, 0, 1, 1], [], []>, transpose_lhs_hint = false} : vector<2048x128xf32>, vector<128x128xf32>, vector<2048x128xf32> -> vector<2048x128xf32>
    %slice3A_244 = vector.extract_strided_slice %dot_general3A_180 {offsets = [5, 0], sizes = [1, 128], strides = [1, 1]} : vector<9x128xf32> to vector<1x128xf32>
    %add3A_245 = vector.broadcast %slice3A_244 : vector<1x128xf32> to vector<2048x128xf32>
    %add3A_246 = arith.addf %dot_general3A_243, %add3A_245 : vector<2048x128xf32>
    %slice3A_247 = vector.extract_strided_slice %dot_general3A_180 {offsets = [6, 0], sizes = [1, 128], strides = [1, 1]} : vector<9x128xf32> to vector<1x128xf32>
    %slice3A_248 = vector.extract_strided_slice %dot_general3A_180 {offsets = [7, 0], sizes = [1, 128], strides = [1, 1]} : vector<9x128xf32> to vector<1x128xf32>
    %dot_general3A_249 = arith.constant dense<0.000000e+00> : vector<2048x128xf32>
    %dot_general3A_250 = tpu.matmul %add3A_246, %select_n3A_58, %dot_general3A_249 {dimension_numbers = #tpu.dot_dimension_numbers<[1], [0], [0], [1], [0, 0, 1, 1], [], []>, transpose_lhs_hint = false} : vector<2048x128xf32>, vector<128x128xf32>, vector<2048x128xf32> -> vector<2048x128xf32>
    %mul3A_251 = arith.constant 1.250000e-01 : f32
    %mul3A_252 = vector.broadcast %mul3A_251 : f32 to vector<2048x128xf32>
    %mul3A_253 = arith.mulf %dot_general3A_250, %mul3A_252 : vector<2048x128xf32>
    %sub3A_254 = arith.subf %add3A_246, %mul3A_253 : vector<2048x128xf32>
    %mul3A_255 = arith.mulf %sub3A_254, %sub3A_254 : vector<2048x128xf32>
    %dot_general3A_256 = arith.constant dense<0.000000e+00> : vector<2048x128xf32>
    %dot_general3A_257 = tpu.matmul %mul3A_255, %select_n3A_58, %dot_general3A_256 {dimension_numbers = #tpu.dot_dimension_numbers<[1], [0], [0], [1], [0, 0, 1, 1], [], []>, transpose_lhs_hint = false} : vector<2048x128xf32>, vector<128x128xf32>, vector<2048x128xf32> -> vector<2048x128xf32>
    %mul3A_258 = arith.constant 1.250000e-01 : f32
    %mul3A_259 = vector.broadcast %mul3A_258 : f32 to vector<2048x128xf32>
    %mul3A_260 = arith.mulf %dot_general3A_257, %mul3A_259 : vector<2048x128xf32>
    %add3A_261 = arith.constant 9.99999974E-6 : f32
    %add3A_262 = vector.broadcast %add3A_261 : f32 to vector<2048x128xf32>
    %add3A_263 = arith.addf %mul3A_260, %add3A_262 : vector<2048x128xf32>
    %sqrt3A_264 = math.sqrt %add3A_263 : vector<2048x128xf32>
    %div3A_265 = arith.divf %sub3A_254, %sqrt3A_264 : vector<2048x128xf32>
    %mul3A_266 = vector.broadcast %slice3A_247 : vector<1x128xf32> to vector<2048x128xf32>
    %mul3A_267 = arith.mulf %div3A_265, %mul3A_266 : vector<2048x128xf32>
    %add3A_268 = vector.broadcast %slice3A_248 : vector<1x128xf32> to vector<2048x128xf32>
    %add3A_269 = arith.addf %mul3A_267, %add3A_268 : vector<2048x128xf32>
    %max3A_270 = arith.constant 0.000000e+00 : f32
    %max3A_271 = vector.broadcast %max3A_270 : f32 to vector<2048x128xf32>
    %max3A_272 = arith.maximumf %add3A_269, %max3A_271 : vector<2048x128xf32>
    %dot_general3A_273 = arith.constant dense<0.000000e+00> : vector<2048x16xf32>
    %dot_general3A_274 = tpu.matmul %max3A_272, %mul3A_175, %dot_general3A_273 {dimension_numbers = #tpu.dot_dimension_numbers<[1], [0], [0], [1], [0, 0, 1, 1], [], []>, transpose_lhs_hint = false} : vector<2048x128xf32>, vector<128x16xf32>, vector<2048x16xf32> -> vector<2048x16xf32>
    %slice3A_275 = vector.extract_strided_slice %dot_general3A_180 {offsets = [8, 0], sizes = [1, 16], strides = [1, 1]} : vector<9x128xf32> to vector<1x16xf32>
    %add3A_276 = vector.broadcast %slice3A_275 : vector<1x16xf32> to vector<2048x16xf32>
    %add3A_277 = arith.addf %dot_general3A_274, %add3A_276 : vector<2048x16xf32>
    %swap3A = arith.constant 0 : index
    %swap3A_278 = arith.constant 0 : index
    %swap3A_279 = vector.load %arg7[%swap3A, %swap3A_278] : memref<2048x16xf32, #tpu.memory_space<vmem>>, vector<2048x16xf32>
    tpu.vector_store %arg7[%swap3A, %swap3A_278], %add3A_277 {strides = array<i32>} : memref<2048x16xf32, #tpu.memory_space<vmem>>, vector<2048x16xf32>,
    return
  }
  func.func @transform_0(%arg0: i32) -> (i32, i32) {
    %c0_i32 = arith.constant 0 : i32
    %c0_i32_0 = arith.constant 0 : i32
    return %arg0, %c0_i32 : i32, i32
  }
  func.func @transform_1(%arg0: i32) -> (i32, i32) {
    %c0_i32 = arith.constant 0 : i32
    %c0_i32_0 = arith.constant 0 : i32
    return %arg0, %c0_i32 : i32, i32
  }
  func.func @transform_2(%arg0: i32) -> (i32, i32) {
    %c0_i32 = arith.constant 0 : i32
    %c0_i32_0 = arith.constant 0 : i32
    %c0_i32_1 = arith.constant 0 : i32
    return %c0_i32, %c0_i32_0 : i32, i32
  }
  func.func @transform_3(%arg0: i32) -> (i32, i32) {
    %c0_i32 = arith.constant 0 : i32
    %c0_i32_0 = arith.constant 0 : i32
    %c0_i32_1 = arith.constant 0 : i32
    return %c0_i32, %c0_i32_0 : i32, i32
  }
  func.func @transform_4(%arg0: i32) -> (i32, i32) {
    %c0_i32 = arith.constant 0 : i32
    %c0_i32_0 = arith.constant 0 : i32
    %c0_i32_1 = arith.constant 0 : i32
    return %c0_i32, %c0_i32_0 : i32, i32
  }
  func.func @transform_5(%arg0: i32) -> (i32, i32) {
    %c0_i32 = arith.constant 0 : i32
    %c0_i32_0 = arith.constant 0 : i32
    %c0_i32_1 = arith.constant 0 : i32
    return %c0_i32, %c0_i32_0 : i32, i32
  }
  func.func @transform_6(%arg0: i32) -> (i32, i32) {
    %c0_i32 = arith.constant 0 : i32
    %c0_i32_0 = arith.constant 0 : i32
    return %arg0, %c0_i32 : i32, i32
  }
}

</mosaic_0001>

<sc_bundles>
// kernel: kernel.10.cloned.1.call-start
scs
__scs_entry_jumppad:
0x0: {  	(pc) =	sbr.rel $0x88, $3  }
0x1: {  	(tag) =	ssettag $0x0;
	lr =	simm.s32 $0x1  }
0x2: {  	[smem:$0x3F91] =	sst lr;
	_ =	strace $0xD0000000  }
0x3: {  	_ = 	snop  }
0x4: {  	_ = 	snop  }
0x5: {  	_ = 	snop  }
0x6: {  	_ = 	snop  }
0x7: {  	_ = 	snop  }
__scs_overlays_trampoline_lowered:
0x8: {  	[smem:$0x3FA0] =	sst s0  }
0x9: {  	[smem:$0x3FA1] =	sst s1  }
0xa: {  	[smem:$0x3FA2] =	sst s2  }
0xb: {  	[smem:$0x3FA3] =	sst s3  }
0xc: {  	[smem:$0x3FA4] =	sst s4  }
0xd: {  	[smem:$0x3FA5] =	sst s5  }
0xe: {  	[smem:$0x3FA6] =	sst s6  }
0xf: {  	[smem:$0x3FA7] =	sst s7  }
0x10: {  	[smem:$0x3FA8] =	sst s8  }
0x11: {  	[smem:$0x3FA9] =	sst s9;
	s0 =	simm.s32 @!p0 $0x0  }
0x12: {  	s1 =	sld [smem:$0x3F8F];
	s0 =	simm.s32 @p0 $0x1  }
0x13: {  	[smem:$0x3FAA] =	sst s0;
	s0 =	simm.s32 @!p1 $0x0  }
0x14: {  	s2 =	sld [smem:$0x3F8E];
	s0 =	simm.s32 @p1 $0x1  }
0x15: {  	[smem:$0x3FAB] =	sst s0;
	s0 =	simm.s32 @!p2 $0x0  }
0x16: {  	s3 =	sld [smem:$0x3FDB];
	s0 =	simm.s32 @p2 $0x1  }
0x17: {  	s4 =	simm.s32 $0x1BF5;
	[smem:$0x3FAD] =	sst s0  }
0x18: {  	s0 =	sld [smem:$0x3F90];
	_ =	swait.ge [sflag:s4], $0x0  }
0x19: {  	s7 =	sld [smem:$0x3F91]  }
0x1a: {  	s8 =	sadd.s32 $0xFFFFE003, lr  }
0x1b: {  	s9 =	sadd.s32 $0xFFFFFEF7, lr;
	s5 =	simm.s32 $0xFFFFFFFF;
	p2 =	slt.u32 s8, $0xFFFFF086  }
0x1c: {  	p1 =	slt.u32 s9, $0xF7A;
	s5 =	simm.s32 @!p2 $0x0  }
0x1d: {  	s5 =	simm.s32 @p1 $0x1;
	p0 =	seq.s32 s7, s2  }
0x1e: {  	s7 =	smul.u32 @!p0 $0xF7A, s2;
	p2 =	seq.s32 @!p0 s5, $0x0  }
0x1f: {  	s9 =	smul.u32 $0xF7A, s1;
	s8 =	simm.s32 @!p0 $0x1BF5;
	p2 =	por !p2, p0  }
0x20: {  	[sflag:s8] =	ssyncset.s32 @!p0 $0xFFFFF086;
	s6 =	sadd.s32 @!p0 s3, s7;
	s7 =	simm.s32 @!p0 $0x108  }
0x21: {  	s3 =	sadd.s32 s3, s9;
	s6 =	sadd.s32 @!p0 $0x88, s6;
	s7 =	simm.s32 @p2 $0x1082  }
0x22: {  	[simem:s7], [sflag:s8] =	dma.local @!p0 [hbm:s6], $0xF7A  }
0x23: {  	s9 =	sor.u32 $0xD0000000, s2;
	s6 =	simm.s32 $0x108;
	_ =	swait.ge @!p0 [sflag:s8], $0x0  }
0x24: {  	s3 =	sadd.s32 $0x88, s3;
	s6 =	simm.s32 @!p1 $0x1082;
	[sflag:s4] =	ssyncset.s32 $0xFFFFF086  }
0x25: {  	[simem:s6], [sflag:s4] =	dma.local [hbm:s3], $0xF7A  }
0x26: {  	[smem:$0x3F91] =	sst s1;
	(tag) =	ssettag s2;
	_ =	strace s9  }
0x27: {  	s1 =	sld [smem:$0x3FA1]  }
0x28: {  	s2 =	sld [smem:$0x3FA2]  }
0x29: {  	s4 =	sld [smem:$0x3FA4]  }
0x2a: {  	p0 =	seq.s32 s5, $0x0;
	s5 =	sld [smem:$0x3FA5]  }
0x2b: {  	s6 =	sld [smem:$0x3FA6]  }
0x2c: {  	s7 =	sld [smem:$0x3FA7]  }
0x2d: {  	s3 =	simm.s32 $0x108;
	s8 =	sld [smem:$0x3FA8]  }
0x2e: {  	s3 =	simm.s32 @!p0 $0x1082;
	s9 =	sld [smem:$0x3FA9]  }
0x2f: {  	lr =	sadd.s32 s0, s3;
	s0 =	sld [smem:$0x3FA0]  }
0x30: {  	s3 =	sld [smem:$0x3FA3]  }
0x31: {  	[smem:$0x3FAC] =	sst s10  }
0x32: {  	s10 =	sld [smem:$0x3FAA];
	_ =	sdelay $0x3  }
0x33: {  	p0 =	seq.s32 s10, $0x1;
	s10 =	sld [smem:$0x3FAC];
	_ =	sdelay $0x3  }
0x34: {  	[smem:$0x3FAC] =	sst s10  }
0x35: {  	s10 =	sld [smem:$0x3FAB];
	_ =	sdelay $0x3  }
0x36: {  	p1 =	seq.s32 s10, $0x1;
	s10 =	sld [smem:$0x3FAC];
	_ =	sdelay $0x3  }
0x37: {  	[smem:$0x3FAC] =	sst s10  }
0x38: {  	s10 =	sld [smem:$0x3FAD]  }
0x39: {  	_ = 	snop;
	(pc) =	sbr.ind lr, $3  }
0x3a: {  	_ = 	snop  }
0x3b: {  	_ = 	snop  }
0x3c: {  	p2 =	seq.s32 s10, $0x1;
	s10 =	sld [smem:$0x3FAC]  }
0x3d: {  	_ =	shalt  }
0x3e: {  	_ =	shalt  }
0x3f: {  	_ =	shalt  }
0x40: {  	_ =	shalt  }
0x41: {  	_ =	shalt  }
0x42: {  	_ =	shalt  }
0x43: {  	_ =	shalt  }
0x44: {  	_ =	shalt  }
0x45: {  	_ =	shalt  }
0x46: {  	_ =	shalt  }
0x47: {  	_ =	shalt  }
0x48: {  	_ =	shalt  }
0x49: {  	_ =	shalt  }
0x4a: {  	_ =	shalt  }
0x4b: {  	_ =	shalt  }
0x4c: {  	_ =	shalt  }
0x4d: {  	_ =	shalt  }
0x4e: {  	_ =	shalt  }
0x4f: {  	_ =	shalt  }
0x50: {  	_ =	shalt  }
0x51: {  	_ =	shalt  }
0x52: {  	_ =	shalt  }
0x53: {  	_ =	shalt  }
0x54: {  	_ =	shalt  }
0x55: {  	_ =	shalt  }
0x56: {  	_ =	shalt  }
0x57: {  	_ =	shalt  }
0x58: {  	_ =	shalt  }
0x59: {  	_ =	shalt  }
0x5a: {  	_ =	shalt  }
0x5b: {  	_ =	shalt  }
0x5c: {  	_ =	shalt  }
0x5d: {  	_ =	shalt  }
0x5e: {  	_ =	shalt  }
0x5f: {  	_ =	shalt  }
0x60: {  	_ =	shalt  }
0x61: {  	_ =	shalt  }
0x62: {  	_ =	shalt  }
0x63: {  	_ =	shalt  }
0x64: {  	_ =	shalt  }
0x65: {  	_ =	shalt  }
0x66: {  	_ =	shalt  }
0x67: {  	_ =	shalt  }
0x68: {  	_ =	shalt  }
0x69: {  	_ =	shalt  }
0x6a: {  	_ =	shalt  }
0x6b: {  	_ =	shalt  }
0x6c: {  	_ =	shalt  }
0x6d: {  	_ =	shalt  }
0x6e: {  	_ =	shalt  }
0x6f: {  	_ =	shalt  }
0x70: {  	_ =	shalt  }
0x71: {  	_ =	shalt  }
0x72: {  	_ =	shalt  }
0x73: {  	_ =	shalt  }
0x74: {  	_ =	shalt  }
0x75: {  	_ =	shalt  }
0x76: {  	_ =	shalt  }
0x77: {  	_ =	shalt  }
0x78: {  	_ =	shalt  }
0x79: {  	_ =	shalt  }
0x7a: {  	_ =	shalt  }
0x7b: {  	_ =	shalt  }
0x7c: {  	_ =	shalt  }
0x7d: {  	_ =	shalt  }
0x7e: {  	_ =	shalt  }
0x7f: {  	_ =	shalt  }
0x80: {  	_ =	shalt  }
0x81: {  	_ =	shalt  }
0x82: {  	_ =	shalt  }
0x83: {  	_ =	shalt  }
0x84: {  	_ =	shalt  }
0x85: {  	_ =	shalt  }
0x86: {  	_ =	shalt  }
0x87: {  	_ =	shalt  }
.Lfunc_end0:
.L_simem_size_0:
called_computation.1_lowered:
.L_overlay_start_0:
0x88: {  	s2 =	sld [smem:$0x3FD9]  }
0x89: {  	s3 =	sld [smem:$0x3FFE];
	_ =	sdelay $0x1  }
0x8a: {  	s1 =	srdreg.scid  }
0x8b: {  	s0 =	sand.u32 $0x1, s1  }
0x8c: {  	s17 =	sshll.u32 s0, $0xA;
	s2 =	sadd.s32 s3, s2  }
0x8d: {  	s2 =	sadd.s32 s2, s17  }
0x8e: {  	[smem:$0x3FB8] =	sst s2  }
0x8f: {  	_ = 	snop  }
0x90: {  	s2 =	sld [smem:$0x3FD0];
	(tm) =	ssettm $0x1  }
0x91: {  	s18 =	sld [smem:$0x3FFB];
	_ =	sdelay $0x3  }
0x92: {  	_ =	strace s18  }
0x93: {  	s3 =	sld [smem:$0x3FFC];
	_ =	sdelay $0x3  }
0x94: {  	_ =	strace s3  }
0x95: {  	s3 =	sld [smem:$0x3FFD];
	_ =	sdelay $0x3  }
0x96: {  	_ =	strace s3  }
0x97: {  	_ =	strace $0x8FFFFFFF  }
0x98: {  	s19 =	sld [smem:$0x3FDB];
	_ =	sdelay $0x1  }
0x99: {  	s4 =	simm.s32 $_scs_section_size  }
0x9a: {  	s5 =	simm.s32 $_size__tile_overlayer_lowered;
	s6 =	simm.s32 $_tile_overlayer_lowered  }
0x9b: {  	s22 =	simm.s32 $0x1BFF;
	s21 =	sshll.u32 s6, $0x1;
	s3 =	sadd.s32 s4, s19  }
0x9c: {  	s7 =	simm.s32 $0x0;
	s20 =	sshll.u32 s5, $0x1;
	s5 =	sadd.s32 s21, s3  }
0x9d: {  	[timem:s7], [sflag:s22] =	dma.local [hbm:s5], s20  }
0x9e: {  	_ =	swait.ge [sflag:s22], s20  }
0x9f: {  	s4 =	ssub.s32 $0x0, s20;
	[sflag:s22] =	ssyncset.done $0x0  }
0xa0: {  	[sflag:s22] =	ssyncadd.s32 s4;
	_ =	sdelay $0x1  }
0xa1: {  	s23 =	simm.s32 $0x1B8B  }
0xa2: {  	_ =	swait.ge [sflag:s23], $0x1  }
0xa3: {  	[sflag:s23] =	ssyncset.done $0x0  }
0xa4: {  	s25 =	simm.s32 $0x1B8E;
	s24 =	sld [smem:$0x3FFE];
	[sflag:s23] =	ssyncadd.s32 $0xFFFFFFFF  }
0xa5: {  	s26 =	simm.s32 $execute0_lowered;
	[smem:$0x3FD2] =	sst s25  }
0xa6: {  	s5 =	sshll.u32 s26, $0x1;
	_ =	strace $0x80000046;
	[dreg:$0x1] =	wrdreg $0xFFFFFFFF  }
0xa7: {  	s28 =	simm.s32 $_size_execute0_lowered;
	s3 =	sadd.s32 s3, s5;
	[dreg:$0x0] =	wrdreg $0x0  }
0xa8: {  	s5 =	sshll.u32 s28, $0x1;
	[dreg:$0x2] =	wrdreg s3  }
0xa9: {  	[dreg:$0x3] =	wrdreg s5  }
0xaa: {  	[dreg:$0x4] =	wrdreg $0xC0  }
0xab: {  	_ =	task [dreg:s7], $0x5FFFF  }
0xac: {  	[dreg:$0x1] =	wrdreg $0xFFFFFFFF  }
0xad: {  	[dreg:$0x0] =	wrdreg $0x60  }
0xae: {  	[dreg:$0x2] =	wrdreg s24  }
0xaf: {  	[dreg:$0x3] =	wrdreg s2  }
0xb0: {  	[dreg:$0x4] =	wrdreg $0xA  }
0xb1: {  	_ =	task.clear_ibuf [dreg:s7], $0x5FFFF;
	_ =	strace $0x90000046  }
0xb2: {  	s29 =	simm.s32 $0xA;
	_ =	strace $0x80000048  }
0xb3: {  	_ =	swait.ge [sflag:s29], $0x1  }
0xb4: {  	[sflag:s29] =	ssyncadd.s32 $0xFFFFFFFF  }
0xb5: {  	_ =	strace $0x90000048  }
0xb6: {  	_ =	sfence  }
0xb7: {  	s30 =	sld [smem:$0x0];
	_ =	sdelay $0x2  }
0xb8: {  	s31 =	sshll.u32 s1, $0xD;
	s1 =	sshrl.u32 s1, $0x2  }
0xb9: {  	s3 =	sand.u32 $0x4000, s31;
	s1 =	sadd.s32 s1, s30  }
0xba: {  	s0 =	sor.u32 s3, s0;
	s1 =	sshll.u32 s1, $0x11  }
0xbb: {  	s0 =	sor.u32 s1, s0  }
0xbc: {  	s0 =	sadd.s32 $0x8F2B, s0  }
0xbd: {  	[sflag:s0] =	ssyncadd.remote.s32 $0x1  }
0xbe: {  	_ =	sfence.sel $0xFFFF  }
0xbf: {  	[dreg:$0x0] =	wrdreg $0xFFFFFFFF;
	(pc) =	sbr.abs _section_cstart, $3  }
0xc0: {  	[dreg:$0x1] =	wrdreg $0xFFFFFFFF  }
0xc1: {  	_ =	task.clear_ibuf [dreg:s7], $0x2FFFF;
	_ =	strace $0x9FFFFFFF  }
0xc2: {  	(tm) =	ssettm $0x7FFFFFFF  }
0xc3: {  	_ =	shalt  }
tec
execute0_lowered:
.L_overlay_start_1:
0x0: {  	(tag) =	ssettag $0x1  }
0x1: {  	s0 =	srdreg.scid  }
0x2: {  	s13 =	stileid.u32;
	s3 =	rddreg [dreg:$0x0]  }
0x3: {  	s5 =	rddreg [dreg:$0x1];
	s2 =	simm.s32 $0x0;
	s30 =	simm.s32 $0x80  }
0x4: {  	s31 =	simm.s32 $0x4220;
	s28 =	simm.s32 $0x3620;
	s29 =	simm.s32 $0x5220  }
0x5: {  	s0 =	sand.u32 $0x1, s0;
	s1 =	sshll.u32 s13, $0x1;
	s11 =	smul.u32 $0x13100, s13  }
0x6: {  	[smem:$0x7FF] =	sst s2;
	s7 =	sadd.s32 $0x11E00, s3;
	s16 =	smul.u32 $0x2620, s13  }
0x7: {  	s8 =	sadd.s32 $0x38000, s3;
	s1 =	sor.u32 s0, s1;
	s12 =	smul.u32 $0x9880, s0  }
0x8: {  	s13 =	simm.s32 $0x7;
	s9 =	ssub.s32 $0x2, s0;
	s4 =	smul.u32 $0x1310, s1  }
0x9: {  	_ =	strace $0x80000047;
	s1 =	smul.u32 $0x9880, s1;
	s10 =	sshrl.u32 s9, $0x1  }
0xa: {  	s0 =	smul.u32 $0x1310, s0;
	s19 =	sadd.s32 s16, s8;
	s9 =	ssub.s32 s9, s10  }
0xb: {  	s25 =	sadd.s32 s12, s11;
	s4 =	sshrl.u32 s4, $0x3;
	s1 =	sshrl.u32 s1, $0x3  }
0xc: {  	s26 =	sadd.s32 $0xC00, s25;
	s14 =	sadd.s32 $0x800, s25;
	s15 =	sadd.s32 $0x400, s25  }
0xd: {  	s4 =	sadd.s32 $0x5000, s4;
	s20 =	sadd.s32 $0x1200, s1;
	s22 =	sadd.s32 $0x1280, s1  }
0xe: {  	s1 =	sadd.s32 $0x1300, s1;
	s12 =	sshrl.u32 s26, $0x3;
	s26 =	smax.u32 s9, $0x1  }
0xf: {  	s6 =	sadd.s32 s4, s3;
	s4 =	sadd.s32 s5, s4;
	[dreg:$0x17] =	wrdreg s26  }
0x10: {  	s9 =	simm.s32 $0x2620;
	s21 =	sadd.s32 s7, s20;
	[dreg:$0x3] =	wrdreg s4  }
0x11: {  	s23 =	sadd.s32 s8, s20;
	s24 =	sadd.s32 s7, s22;
	[dreg:$0x4] =	wrdreg s21  }
0x12: {  	s11 =	sadd.s32 s7, s1;
	s1 =	sadd.s32 s8, s1;
	[dreg:$0x5] =	wrdreg s23  }
0x13: {  	s20 =	sadd.s32 $0x1400, s25;
	s5 =	sadd.s32 $0x1000, s25;
	[dreg:$0x6] =	wrdreg s24  }
0x14: {  	s26 =	simm.s32 $0x3A20;
	s4 =	sadd.s32 s8, s22;
	[dreg:$0x8] =	wrdreg s11  }
0x15: {  	[dreg:$0x9] =	wrdreg s1;
	s1 =	sadd.s32 s12, s7;
	s21 =	sadd.s32 s16, s7  }
0x16: {  	s23 =	sshrl.u32 s5, $0x3;
	s25 =	sadd.s32 $0x3000, s6;
	s5 =	simm.s32 $0x4A20  }
0x17: {  	s11 =	simm.s32 $0xD;
	s16 =	simm.s32 $0x14;
	[dreg:$0x7] =	wrdreg s4  }
0x18: {  	s6 =	simm.s32 $0x16;
	s4 =	sadd.s32 s12, s8;
	[dreg:$0xb] =	wrdreg s1  }
0x19: {  	s1 =	sshrl.u32 s14, $0x3;
	s24 =	sadd.s32 s23, s8;
	[dreg:$0x16] =	wrdreg s25  }
0x1a: {  	s25 =	simm.s32 $0x2A20;
	s12 =	simm.s32 $0x13;
	[dreg:$0xa] =	wrdreg s4  }
0x1b: {  	s14 =	simm.s32 $0xA;
	s17 =	sadd.s32 s1, s8;
	[dreg:$0x14] =	wrdreg s24  }
0x1c: {  	s4 =	sshrl.u32 s15, $0x3;
	s1 =	sadd.s32 s1, s7;
	[dreg:$0xc] =	wrdreg s17  }
0x1d: {  	s24 =	simm.s32 $0x8;
	[dreg:$0xd] =	wrdreg s1;
	s18 =	sadd.s32 s4, s8  }
0x1e: {  	s15 =	simm.s32 $0xE;
	s4 =	sadd.s32 s4, s7;
	[dreg:$0xe] =	wrdreg s18  }
0x1f: {  	s1 =	sadd.s32 s0, s19;
	s0 =	sadd.s32 s0, s21;
	[dreg:$0xf] =	wrdreg s4  }
0x20: {  	s17 =	simm.s32 $0x5;
	s19 =	simm.s32 $0x6;
	[dreg:$0x10] =	wrdreg s1  }
0x21: {  	s21 =	simm.s32 $0x10;
	s1 =	sshrl.u32 s20, $0x3;
	[dreg:$0x11] =	wrdreg s0  }
.Ltmp0:
0x22: {  	s0 =	sadd.s32 s23, s7;
	s23 =	sadd.s32 $0xF600, s3;
	(pc) =	sbr.rel .LBB2_1-.Ltmp0, $4  }
0x23: {  	s4 =	simm.s32 $0x3220;
	s18 =	simm.s32 $0xB;
	s20 =	simm.s32 $0xC  }
0x24: {  	s22 =	sadd.s32 s1, s8;
	s1 =	sadd.s32 s1, s7;
	[dreg:$0x15] =	wrdreg s0  }
0x25: {  	s8 =	simm.s32 $0x1;
	s7 =	simm.s32 $0x0;
	[dreg:$0x12] =	wrdreg s22  }
0x26: {  	[dreg:$0x13] =	wrdreg s1;
	s22 =	sadd.s32 $0xCE00, s3;
	s1 =	simm.s32 $0x3E20  }
.LBB2_4:
0x27: {  	s8 =	simm.s32 $0x1  }
0x28: {  	_ =	swait.ge [sflag:s8], $0x400  }
0x29: {  	[sflag:s8] =	ssyncset.done $0x0  }
0x2a: {  	s13 =	simm.s32 $0x7;
	[sflag:s8] =	ssyncadd.s32 $0xFFFFFC00  }
0x2b: {  	_ =	swait.ge [sflag:s13], $0x400  }
0x2c: {  	[sflag:s13] =	ssyncset.done $0x0  }
0x2d: {  	s9 =	simm.s32 $0x2620;
	s0 =	rddreg [dreg:$0x4];
	[sflag:s13] =	ssyncadd.s32 $0xFFFFFC00  }
0x2e: {  	[hbm4b:s0+s2] =	stream.linear.scatter [tilespmem:s9], [sflag:$0xD], $0x400, $0x38;
	[tilespmem:$0x5620] =	vst v63  }
0x2f: {  	s1 =	simm.s32 $0x3E20;
	s7 =	simm.s32 $0x2;
	s3 =	rddreg [dreg:$0x5]  }
0x30: {  	[hbm4b:s3+s2] =	stream.linear.scatter [tilespmem:s1], [sflag:$0x13], $0x400, $0x38;
	[tilespmem:$0x5620] =	vst v63  }
0x31: {  	_ =	swait.ge [sflag:s7], $0x400  }
0x32: {  	[sflag:s7] =	ssyncset.done $0x0  }
0x33: {  	[sflag:s7] =	ssyncadd.s32 $0xFFFFFC00  }
0x34: {  	_ =	swait.ge [sflag:s24], $0x400  }
0x35: {  	[sflag:s24] =	ssyncset.done $0x0  }
0x36: {  	s25 =	simm.s32 $0x2A20;
	s10 =	rddreg [dreg:$0x6];
	[sflag:s24] =	ssyncadd.s32 $0xFFFFFC00  }
0x37: {  	[hbm4b:s10+s2] =	stream.linear.scatter [tilespmem:s25], [sflag:$0xE], $0x400, $0x38;
	[tilespmem:$0x5620] =	vst v63  }
0x38: {  	s31 =	simm.s32 $0x4220;
	s7 =	simm.s32 $0xF;
	s3 =	rddreg [dreg:$0x7]  }
0x39: {  	[hbm4b:s3+s2] =	stream.linear.scatter [tilespmem:s31], [sflag:$0x14], $0x400, $0x38;
	[tilespmem:$0x5620] =	vst v63  }
0x3a: {  	_ =	swait.ge [sflag:s7], $0x400  }
0x3b: {  	[sflag:s7] =	ssyncset.done $0x0  }
0x3c: {  	s10 =	simm.s32 $0x15;
	[sflag:s7] =	ssyncadd.s32 $0xFFFFFC00  }
0x3d: {  	_ =	swait.ge [sflag:s10], $0x400  }
0x3e: {  	[sflag:s10] =	ssyncset.done $0x0  }
0x3f: {  	[sflag:s10] =	ssyncadd.s32 $0xFFFFFC00  }
0x40: {  	_ =	swait.ge [sflag:s21], $0x400  }
0x41: {  	[sflag:s21] =	ssyncset.done $0x0  }
0x42: {  	[sflag:s21] =	ssyncadd.s32 $0xFFFFFC00  }
0x43: {  	_ =	swait.ge [sflag:s6], $0x400  }
0x44: {  	[sflag:s6] =	ssyncset.done $0x0  }
0x45: {  	s3 =	simm.s32 $0x11;
	[sflag:s6] =	ssyncadd.s32 $0xFFFFFC00  }
0x46: {  	_ =	swait.ge [sflag:s3], $0x400  }
0x47: {  	[sflag:s3] =	ssyncset.done $0x0  }
0x48: {  	s7 =	simm.s32 $0x17;
	[sflag:s3] =	ssyncadd.s32 $0xFFFFFC00  }
0x49: {  	_ =	swait.ge [sflag:s7], $0x400  }
0x4a: {  	[sflag:s7] =	ssyncset.done $0x0  }
0x4b: {  	s10 =	simm.s32 $0x12;
	[sflag:s7] =	ssyncadd.s32 $0xFFFFFC00  }
0x4c: {  	_ =	swait.ge [sflag:s10], $0x400  }
0x4d: {  	[sflag:s10] =	ssyncset.done $0x0  }
0x4e: {  	s3 =	simm.s32 $0x18;
	[sflag:s10] =	ssyncadd.s32 $0xFFFFFC00  }
0x4f: {  	_ =	swait.ge [sflag:s3], $0x400  }
0x50: {  	[sflag:s3] =	ssyncset.done $0x0  }
0x51: {  	[sflag:s3] =	ssyncadd.s32 $0xFFFFFC00  }
0x52: {  	_ =	swait.ge [sflag:s11], $0x400  }
0x53: {  	[sflag:s11] =	ssyncset.done $0x0  }
0x54: {  	[sflag:s11] =	ssyncadd.s32 $0xFFFFFC00  }
0x55: {  	_ =	swait.ge [sflag:s12], $0x400  }
0x56: {  	[sflag:s12] =	ssyncset.done $0x0  }
0x57: {  	[sflag:s12] =	ssyncadd.s32 $0xFFFFFC00  }
0x58: {  	_ =	swait.ge [sflag:s15], $0x400  }
0x59: {  	[sflag:s15] =	ssyncset.done $0x0  }
0x5a: {  	[sflag:s15] =	ssyncadd.s32 $0xFFFFFC00  }
0x5b: {  	_ =	swait.ge [sflag:s16], $0x400  }
0x5c: {  	[sflag:s16] =	ssyncset.done $0x0  }
0x5d: {  	s7 =	simm.s32 $0x1300;
	[sflag:s16] =	ssyncadd.s32 $0xFFFFFC00  }
0x5e: {  	[tilespmem:s9], [sflag:$0x1] =	stream.indirect.gather [hbm4b:s22+s21], $0x8, s7, s21, $0xb8;
	[tilespmem:$0x5620] =	vst v63  }
0x5f: {  	s10 =	simm.s32 $0x2610  }
0x60: {  	[tilespmem:s1], [sflag:$0x7] =	stream.indirect.gather [hbm4b:s23+s21], $0x8, s10, s21, $0xb8;
	[tilespmem:$0x5620] =	vst v63  }
0x61: {  	_ =	swait.ge [sflag:s8], $0x80  }
0x62: {  	[sflag:s8] =	ssyncset.done $0x0  }
0x63: {  	[sflag:s8] =	ssyncadd.s32 $0xFFFFFF80  }
0x64: {  	_ =	swait.ge [sflag:s13], $0x80  }
0x65: {  	[sflag:s13] =	ssyncset.done $0x0  }
0x66: {  	s3 =	rddreg [dreg:$0x8];
	[sflag:s13] =	ssyncadd.s32 $0xFFFFFF80  }
0x67: {  	[hbm4b:s3+s2] =	stream.linear.scatter [tilespmem:s9], [sflag:$0x19], $0x80, $0x38;
	[tilespmem:$0x5620] =	vst v63  }
0x68: {  	s3 =	simm.s32 $0x19  }
0x69: {  	_ =	swait.ge [sflag:s3], $0x80  }
0x6a: {  	[sflag:s3] =	ssyncset.done $0x0  }
0x6b: {  	s7 =	rddreg [dreg:$0x9];
	[sflag:s3] =	ssyncadd.s32 $0xFFFFFF80  }
0x6c: {  	[hbm4b:s7+s2] =	stream.linear.scatter [tilespmem:s1], [sflag:$0x19], $0x80, $0x38;
	[tilespmem:$0x5620] =	vst v63  }
0x6d: {  	_ =	swait.ge [sflag:s3], $0x80  }
0x6e: {  	s7 =	rddreg [dreg:$0x18]  }
0x6f: {  	s10 =	rddreg [dreg:$0x17];
	s7 =	sadd.s32 $0x1, s7  }
0x70: {  	p0 =	sne.s32 s7, s10  }
.Ltmp1:
0x71: {  	_ = 	snop;
	(pc) =	sbr.rel @!p0 .LBB2_5-.Ltmp1, $3  }
0x72: {  	_ =	sdelay $0x1  }
0x73: {  	[sflag:s3] =	ssyncset.done $0x0  }
0x74: {  	[sflag:s3] =	ssyncadd.s32 $0xFFFFFF80  }
.LBB2_1:
0x75: {  	[dreg:$0x18] =	wrdreg s7  }
0x76: {  	s0 =	rddreg [dreg:$0x16]  }
0x77: {  	[tilespmem:s2], [sflag:$0x1] =	stream.linear.gather [hbm4b:s0+s2], $0x1310, $0x38;
	[tilespmem:$0x5620] =	vst v63  }
0x78: {  	s10 =	rddreg [dreg:$0x3];
	s3 =	simm.s32 $0x1310  }
0x79: {  	[tilespmem:s3], [sflag:$0x7] =	stream.linear.gather [hbm4b:s10+s2], $0x1310, $0x38;
	[tilespmem:$0x5620] =	vst v63  }
0x7a: {  	_ =	swait.ge [sflag:s8], $0x1310  }
0x7b: {  	[sflag:s8] =	ssyncset.done $0x0  }
0x7c: {  	[sflag:s8] =	ssyncadd.s32 $0xFFFFECF0  }
0x7d: {  	_ =	swait.ge [sflag:s13], $0x1310  }
0x7e: {  	[sflag:s13] =	ssyncset.done $0x0  }
0x7f: {  	[sflag:s13] =	ssyncadd.s32 $0xFFFFECF0  }
0x80: {  	[tilespmem:s9], [sflag:$0x1] =	stream.indirect.gather [hbm4b:s22+s30], $0x8, s2, s30, $0xb8;
	[tilespmem:$0x5620] =	vst v63  }
0x81: {  	_ = 	snop  }
0x82: {  	[tilespmem:s1], [sflag:$0x7] =	stream.indirect.gather [hbm4b:s23+s30], $0x8, s3, s30, $0xb8;
	[tilespmem:$0x5620] =	vst v63  }
0x83: {  	_ = 	snop  }
0x84: {  	[tilespmem:s25], [sflag:$0x2] =	stream.indirect.gather [hbm4b:s22+s30], $0x8, s30, s30, $0xb8;
	[tilespmem:$0x5620] =	vst v63  }
0x85: {  	s1 =	simm.s32 $0x1390  }
0x86: {  	[tilespmem:s31], [sflag:$0x8] =	stream.indirect.gather [hbm4b:s23+s30], $0x8, s1, s30, $0xb8;
	[tilespmem:$0x5620] =	vst v63  }
0x87: {  	s7 =	simm.s32 $0x2E20;
	s3 =	simm.s32 $0x100  }
0x88: {  	[tilespmem:s7], [sflag:$0x3] =	stream.indirect.gather [hbm4b:s22+s30], $0x8, s3, s30, $0xb8;
	[tilespmem:$0x5620] =	vst v63  }
0x89: {  	s10 =	simm.s32 $0x1410;
	s1 =	simm.s32 $0x4620  }
0x8a: {  	[tilespmem:s1], [sflag:$0x9] =	stream.indirect.gather [hbm4b:s23+s30], $0x8, s10, s30, $0xb8;
	[tilespmem:$0x5620] =	vst v63  }
0x8b: {  	s7 =	simm.s32 $0x180  }
0x8c: {  	[tilespmem:s4], [sflag:$0x4] =	stream.indirect.gather [hbm4b:s22+s30], $0x8, s7, s30, $0xb8;
	[tilespmem:$0x5620] =	vst v63  }
0x8d: {  	s0 =	simm.s32 $0x0;
	s10 =	simm.s32 $0x1490  }
0x8e: {  	[tilespmem:s5], [sflag:$0xA] =	stream.indirect.gather [hbm4b:s23+s30], $0x8, s10, s30, $0xb8;
	[tilespmem:$0x5620] =	vst v63  }
0x8f: {  	s1 =	simm.s32 $0x3220;
	s7 =	simm.s32 $0x0;
	s10 =	simm.s32 $0x4A20  }
.LBB2_2:
0x90: {  	_ =	swait.ge [sflag:s8], $0x400  }
0x91: {  	[sflag:s8] =	ssyncset.done $0x0  }
0x92: {  	[sflag:s8] =	ssyncadd.s32 $0xFFFFFC00  }
0x93: {  	_ =	swait.ge [sflag:s13], $0x400  }
0x94: {  	[sflag:s13] =	ssyncset.done $0x0;
	s3 =	rddreg [dreg:$0x11]  }
0x95: {  	s8 =	rddreg [dreg:$0x10];
	[sflag:s13] =	ssyncadd.s32 $0xFFFFFC00;
	s3 =	sadd.s32 s7, s3  }
0x96: {  	[hbm4b:s3+s2] =	stream.linear.scatter [tilespmem:s9], [sflag:$0xD], $0x400, $0x38;
	[tilespmem:$0x5620] =	vst v63  }
0x97: {  	s5 =	simm.s32 $0x3E20;
	p0 =	seq.s32 s7, $0x0;
	s3 =	sadd.s32 s7, s8  }
0x98: {  	[hbm4b:s3+s2] =	stream.linear.scatter [tilespmem:s5], [sflag:$0x13], $0x400, $0x38;
	[tilespmem:$0x5620] =	vst v63  }
0x99: {  	s3 =	simm.s32 @!p0 $0x11  }
0x9a: {  	_ =	swait.ge @!p0 [sflag:s3], $0x400  }
0x9b: {  	[sflag:s3] =	ssyncset.done @!p0 $0x0  }
0x9c: {  	s8 =	simm.s32 @!p0 $0x17;
	[sflag:s3] =	ssyncadd.s32 @!p0 $0xFFFFFC00  }
0x9d: {  	_ =	swait.ge @!p0 [sflag:s8], $0x400  }
0x9e: {  	s3 =	sshra.s32 s0, $0x2;
	[sflag:s8] =	ssyncset.done @!p0 $0x0  }
0x9f: {  	s13 =	sadd.s32 $0x200, s3;
	[sflag:s8] =	ssyncadd.s32 @!p0 $0xFFFFFC00  }
0xa0: {  	[tilespmem:s28], [sflag:$0x5] =	stream.indirect.gather [hbm4b:s22+s30], $0x8, s13, s30, $0xb8;
	[tilespmem:$0x5620] =	vst v63  }
0xa1: {  	s4 =	sadd.s32 $0x1510, s3;
	s13 =	simm.s32 $0x4E20  }
0xa2: {  	[tilespmem:s13], [sflag:$0xB] =	stream.indirect.gather [hbm4b:s23+s30], $0x8, s4, s30, $0xb8;
	[tilespmem:$0x5620] =	vst v63  }
0xa3: {  	s4 =	simm.s32 $0x2  }
0xa4: {  	_ =	swait.ge [sflag:s4], $0x400  }
0xa5: {  	[sflag:s4] =	ssyncset.done $0x0  }
0xa6: {  	[sflag:s4] =	ssyncadd.s32 $0xFFFFFC00  }
0xa7: {  	_ =	swait.ge [sflag:s24], $0x400  }
0xa8: {  	[sflag:s24] =	ssyncset.done $0x0;
	s4 =	rddreg [dreg:$0xf]  }
0xa9: {  	[sflag:s24] =	ssyncadd.s32 $0xFFFFFC00;
	s8 =	sadd.s32 s7, s4;
	s4 =	rddreg [dreg:$0xe]  }
0xaa: {  	[hbm4b:s8+s2] =	stream.linear.scatter [tilespmem:s25], [sflag:$0xE], $0x400, $0x38;
	[tilespmem:$0x5620] =	vst v63  }
0xab: {  	s8 =	sadd.s32 s7, s4  }
0xac: {  	[hbm4b:s8+s2] =	stream.linear.scatter [tilespmem:s31], [sflag:$0x14], $0x400, $0x38;
	[tilespmem:$0x5620] =	vst v63  }
0xad: {  	s8 =	simm.s32 @!p0 $0x12  }
0xae: {  	_ =	swait.ge @!p0 [sflag:s8], $0x400  }
0xaf: {  	[sflag:s8] =	ssyncset.done @!p0 $0x0  }
0xb0: {  	[sflag:s8] =	ssyncadd.s32 @!p0 $0xFFFFFC00;
	s8 =	simm.s32 @!p0 $0x18  }
0xb1: {  	_ =	swait.ge @!p0 [sflag:s8], $0x400  }
0xb2: {  	[sflag:s8] =	ssyncset.done @!p0 $0x0  }
0xb3: {  	s4 =	sadd.s32 $0x280, s3;
	[sflag:s8] =	ssyncadd.s32 @!p0 $0xFFFFFC00  }
0xb4: {  	[tilespmem:s26], [sflag:$0x6] =	stream.indirect.gather [hbm4b:s22+s30], $0x8, s4, s30, $0xb8;
	[tilespmem:$0x5620] =	vst v63  }
0xb5: {  	s8 =	simm.s32 $0x3;
	s4 =	sadd.s32 $0x1590, s3  }
0xb6: {  	[tilespmem:s29], [sflag:$0xC] =	stream.indirect.gather [hbm4b:s23+s30], $0x8, s4, s30, $0xb8;
	[tilespmem:$0x5620] =	vst v63  }
0xb7: {  	_ =	swait.ge [sflag:s8], $0x400  }
0xb8: {  	[sflag:s8] =	ssyncset.done $0x0  }
0xb9: {  	[sflag:s8] =	ssyncadd.s32 $0xFFFFFC00;
	s8 =	simm.s32 $0x9  }
0xba: {  	_ =	swait.ge [sflag:s8], $0x400  }
0xbb: {  	[sflag:s8] =	ssyncset.done $0x0;
	s4 =	rddreg [dreg:$0xd]  }
0xbc: {  	[sflag:s8] =	ssyncadd.s32 $0xFFFFFC00;
	s8 =	sadd.s32 s7, s4;
	s4 =	simm.s32 $0x2E20  }
0xbd: {  	[hbm4b:s8+s2] =	stream.linear.scatter [tilespmem:s4], [sflag:$0xF], $0x400, $0x38;
	[tilespmem:$0x5620] =	vst v63  }
0xbe: {  	s4 =	rddreg [dreg:$0xc]  }
0xbf: {  	s8 =	sadd.s32 s7, s4;
	s4 =	simm.s32 $0x4620  }
0xc0: {  	[hbm4b:s8+s2] =	stream.linear.scatter [tilespmem:s4], [sflag:$0x15], $0x400, $0x38;
	[tilespmem:$0x5620] =	vst v63  }
0xc1: {  	_ =	swait.ge [sflag:s11], $0x400  }
0xc2: {  	[sflag:s11] =	ssyncset.done $0x0  }
0xc3: {  	[sflag:s11] =	ssyncadd.s32 $0xFFFFFC00  }
0xc4: {  	_ =	swait.ge [sflag:s12], $0x400  }
0xc5: {  	[sflag:s12] =	ssyncset.done $0x0  }
0xc6: {  	s4 =	sadd.s32 $0x300, s3;
	[sflag:s12] =	ssyncadd.s32 $0xFFFFFC00  }
0xc7: {  	[tilespmem:s9], [sflag:$0x1] =	stream.indirect.gather [hbm4b:s22+s30], $0x8, s4, s30, $0xb8;
	[tilespmem:$0x5620] =	vst v63  }
0xc8: {  	s8 =	simm.s32 $0x4;
	s4 =	sadd.s32 $0x1610, s3  }
0xc9: {  	[tilespmem:s5], [sflag:$0x7] =	stream.indirect.gather [hbm4b:s23+s30], $0x8, s4, s30, $0xb8;
	[tilespmem:$0x5620] =	vst v63  }
0xca: {  	_ =	swait.ge [sflag:s8], $0x400  }
0xcb: {  	[sflag:s8] =	ssyncset.done $0x0  }
0xcc: {  	[sflag:s8] =	ssyncadd.s32 $0xFFFFFC00  }
0xcd: {  	_ =	swait.ge [sflag:s14], $0x400  }
0xce: {  	[sflag:s14] =	ssyncset.done $0x0;
	s9 =	rddreg [dreg:$0xb]  }
0xcf: {  	[sflag:s14] =	ssyncadd.s32 $0xFFFFFC00;
	s8 =	sadd.s32 s7, s9  }
0xd0: {  	[hbm4b:s8+s2] =	stream.linear.scatter [tilespmem:s1], [sflag:$0x10], $0x400, $0x38;
	[tilespmem:$0x5620] =	vst v63  }
0xd1: {  	s1 =	rddreg [dreg:$0xa]  }
0xd2: {  	s8 =	sadd.s32 s7, s1  }
0xd3: {  	[hbm4b:s8+s2] =	stream.linear.scatter [tilespmem:s10], [sflag:$0x16], $0x400, $0x38;
	[tilespmem:$0x5620] =	vst v63  }
0xd4: {  	_ =	swait.ge [sflag:s15], $0x400  }
0xd5: {  	[sflag:s15] =	ssyncset.done $0x0  }
0xd6: {  	[sflag:s15] =	ssyncadd.s32 $0xFFFFFC00  }
0xd7: {  	_ =	swait.ge [sflag:s16], $0x400  }
0xd8: {  	[sflag:s16] =	ssyncset.done $0x0  }
0xd9: {  	s4 =	sadd.s32 $0x380, s3;
	[sflag:s16] =	ssyncadd.s32 $0xFFFFFC00  }
0xda: {  	[tilespmem:s25], [sflag:$0x2] =	stream.indirect.gather [hbm4b:s22+s30], $0x8, s4, s30, $0xb8;
	[tilespmem:$0x5620] =	vst v63  }
0xdb: {  	s5 =	sadd.s32 $0x1690, s3  }
0xdc: {  	[tilespmem:s31], [sflag:$0x8] =	stream.indirect.gather [hbm4b:s23+s30], $0x8, s5, s30, $0xb8;
	[tilespmem:$0x5620] =	vst v63  }
0xdd: {  	_ =	swait.ge [sflag:s17], $0x400  }
0xde: {  	[sflag:s17] =	ssyncset.done $0x0  }
0xdf: {  	[sflag:s17] =	ssyncadd.s32 $0xFFFFFC00  }
0xe0: {  	_ =	swait.ge [sflag:s18], $0x400  }
0xe1: {  	[sflag:s18] =	ssyncset.done $0x0;
	s9 =	rddreg [dreg:$0x15]  }
0xe2: {  	s10 =	rddreg [dreg:$0x14];
	[sflag:s18] =	ssyncadd.s32 $0xFFFFFC00;
	s8 =	sadd.s32 s7, s9  }
0xe3: {  	[hbm4b:s8+s2] =	stream.linear.scatter [tilespmem:s28], [sflag:$0x11], $0x400, $0x38;
	[tilespmem:$0x5620] =	vst v63  }
0xe4: {  	p0 =	seq.s32 s7, $0xF00;
	s8 =	sadd.s32 s7, s10  }
0xe5: {  	[hbm4b:s8+s2] =	stream.linear.scatter [tilespmem:s13], [sflag:$0x17], $0x400, $0x38;
	[tilespmem:$0x5620] =	vst v63  }
0xe6: {  	s8 =	simm.s32 @!p0 $0xF  }
0xe7: {  	_ =	swait.ge @!p0 [sflag:s8], $0x400  }
0xe8: {  	[sflag:s8] =	ssyncset.done @!p0 $0x0  }
0xe9: {  	[sflag:s8] =	ssyncadd.s32 @!p0 $0xFFFFFC00;
	s8 =	simm.s32 @!p0 $0x15  }
0xea: {  	_ =	swait.ge @!p0 [sflag:s8], $0x400  }
0xeb: {  	[sflag:s8] =	ssyncset.done @!p0 $0x0  }
0xec: {  	[sflag:s8] =	ssyncadd.s32 @!p0 $0xFFFFFC00;
	s8 =	sshra.s32 @!p0 s0, $0x2  }
0xed: {  	s25 =	simm.s32 @!p0 $0x80;
	s31 =	simm.s32 @!p0 $0x2E20;
	s9 =	sadd.s32 @!p0 $0x400, s8  }
0xee: {  	[tilespmem:s31], [sflag:$0x3] =	stream.indirect.gather @!p0 [hbm4b:s22+s25], $0x8, s9, s25, $0xb8;
	[tilespmem:$0x5620] =	vst v63  }
0xef: {  	s8 =	sadd.s32 @!p0 $0x1710, s8;
	s9 =	simm.s32 @!p0 $0x4620  }
0xf0: {  	[tilespmem:s9], [sflag:$0x9] =	stream.indirect.gather @!p0 [hbm4b:s23+s25], $0x8, s8, s25, $0xb8;
	[tilespmem:$0x5620] =	vst v63  }
0xf1: {  	_ =	swait.ge [sflag:s19], $0x400  }
0xf2: {  	[sflag:s19] =	ssyncset.done $0x0  }
0xf3: {  	[sflag:s19] =	ssyncadd.s32 $0xFFFFFC00  }
0xf4: {  	_ =	swait.ge [sflag:s20], $0x400  }
.Ltmp2:
0xf5: {  	[sflag:s20] =	ssyncset.done $0x0;
	s25 =	rddreg [dreg:$0x13];
	(pc) =	sbr.rel @p0 .LBB2_4-.Ltmp2, $4  }
0xf6: {  	s31 =	rddreg [dreg:$0x12];
	[sflag:s20] =	ssyncadd.s32 $0xFFFFFC00;
	s8 =	sadd.s32 s7, s25  }
0xf7: {  	[hbm4b:s8+s2] =	stream.linear.scatter [tilespmem:s26], [sflag:$0x12], $0x400, $0x38;
	[tilespmem:$0x5620] =	vst v63  }
0xf8: {  	s4 =	simm.s32 $0x3220;
	s5 =	simm.s32 $0x4A20;
	s8 =	sadd.s32 s7, s31  }
0xf9: {  	[hbm4b:s8+s2] =	stream.linear.scatter [tilespmem:s29], [sflag:$0x18], $0x400, $0x38;
	[tilespmem:$0x5620] =	vst v63  }
0xfa: {  	_ =	swait.ge [sflag:s21], $0x400  }
0xfb: {  	[sflag:s21] =	ssyncset.done $0x0  }
0xfc: {  	[sflag:s21] =	ssyncadd.s32 $0xFFFFFC00  }
0xfd: {  	s8 =	sadd.s32 $0x480, s3;
	s25 =	sadd.s32 $0x1790, s3;
	_ =	swait.ge [sflag:s6], $0x400  }
0xfe: {  	s7 =	sadd.s32 $0x300, s7;
	s0 =	sadd.s32 $0xC00, s0;
	[sflag:s6] =	ssyncset.done $0x0  }
.Ltmp3:
0xff: {  	s9 =	simm.s32 $0x2620;
	[sflag:s6] =	ssyncadd.s32 $0xFFFFFC00;
	(pc) =	sbr.rel .LBB2_2-.Ltmp3, $4  }
0x100: {  	[tilespmem:s4], [sflag:$0x4] =	stream.indirect.gather [hbm4b:s22+s30], $0x8, s8, s30, $0xb8;
	[tilespmem:$0x5620] =	vst v63  }
0x101: {  	s31 =	simm.s32 $0x4220;
	s1 =	simm.s32 $0x3220;
	s10 =	simm.s32 $0x4A20  }
0x102: {  	[tilespmem:s5], [sflag:$0xA] =	stream.indirect.gather [hbm4b:s23+s30], $0x8, s25, s30, $0xb8;
	[tilespmem:$0x5620] =	vst v63  }
0x103: {  	s13 =	simm.s32 $0x7;
	s8 =	simm.s32 $0x1;
	s25 =	simm.s32 $0x2A20  }
.LBB2_5:
0x104: {  	_ =	sfence.sel $0x180000  }
0x105: {  	[bflag:$0x0] =	sbarrier.arrive $0xFFFF  }
0x106: {  	_ =	strace $0x90000047  }
0x107: {  	s0 =	stileid.u32;
	[bflag:$0x2] =	sbarrier.arrive $0xFFFF  }
0x108: {  	p0 =	sne.s32 s0, $0x0;
	s0 =	rddreg [dreg:$0x2]  }
0x109: {  	s0 =	sadd.s32 @!p0 $0x100000, s0  }
0x10a: {  	[sflag:s0] =	ssyncadd.tile.s32 @!p0 $0x1;
	_ =	shalt  }
.Lfunc_end2:
_tile_overlayer_lowered:
.L_overlay_start_2:
0x10b: {  	(tag) =	ssettag $0x2  }
0x10c: {  	s0 =	rddreg [dreg:$0x0];
	s2 =	stileid.u32  }
0x10d: {  	s1 =	rddreg [dreg:$0x1];
	p0 =	sne.s32 s2, $0x0  }
0x10e: {  	s3 =	rddreg [dreg:$0x2];
	[bflag:$0x3] =	sbarrier.arrive $0xFFFF;
	s2 =	simm.s32 @!p0 $0x1C19  }
0x10f: {  	[timem:s3], [sflag:s2] =	dma.local @!p0 [hbm:s0], s1  }
0x110: {  	s0 =	simm.s32 @!p0 $0x19  }
0x111: {  	_ =	swait.ge @!p0 [sflag:s0], s1  }
0x112: {  	s1 =	ssub.s32 @!p0 $0x0, s1;
	[sflag:s0] =	ssyncset.done @!p0 $0x0  }
0x113: {  	[sflag:s0] =	ssyncadd.s32 @!p0 s1  }
0x114: {  	[bflag:$0x3] =	sbarrier.arrive $0xFFFF  }
0x115: {  	_ =	shalt  }

// kernel: kernel.7.cloned.1.call-start
scs
__scs_entry_jumppad:
0x0: {  	(pc) =	sbr.rel $0x88, $3  }
0x1: {  	(tag) =	ssettag $0x0;
	lr =	simm.s32 $0x1  }
0x2: {  	[smem:$0x3F91] =	sst lr;
	_ =	strace $0xD0000000  }
0x3: {  	_ = 	snop  }
0x4: {  	_ = 	snop  }
0x5: {  	_ = 	snop  }
0x6: {  	_ = 	snop  }
0x7: {  	_ = 	snop  }
__scs_overlays_trampoline_lowered:
0x8: {  	[smem:$0x3FA0] =	sst s0  }
0x9: {  	[smem:$0x3FA1] =	sst s1  }
0xa: {  	[smem:$0x3FA2] =	sst s2  }
0xb: {  	[smem:$0x3FA3] =	sst s3  }
0xc: {  	[smem:$0x3FA4] =	sst s4  }
0xd: {  	[smem:$0x3FA5] =	sst s5  }
0xe: {  	[smem:$0x3FA6] =	sst s6  }
0xf: {  	[smem:$0x3FA7] =	sst s7  }
0x10: {  	[smem:$0x3FA8] =	sst s8  }
0x11: {  	[smem:$0x3FA9] =	sst s9;
	s0 =	simm.s32 @!p0 $0x0  }
0x12: {  	s1 =	sld [smem:$0x3F8F];
	s0 =	simm.s32 @p0 $0x1  }
0x13: {  	[smem:$0x3FAA] =	sst s0;
	s0 =	simm.s32 @!p1 $0x0  }
0x14: {  	s2 =	sld [smem:$0x3F8E];
	s0 =	simm.s32 @p1 $0x1  }
0x15: {  	[smem:$0x3FAB] =	sst s0;
	s0 =	simm.s32 @!p2 $0x0  }
0x16: {  	s3 =	sld [smem:$0x3FDB];
	s0 =	simm.s32 @p2 $0x1  }
0x17: {  	s4 =	simm.s32 $0x1BF5;
	[smem:$0x3FAD] =	sst s0  }
0x18: {  	s0 =	sld [smem:$0x3F90];
	_ =	swait.ge [sflag:s4], $0x0  }
0x19: {  	s7 =	sld [smem:$0x3F91]  }
0x1a: {  	s8 =	sadd.s32 $0xFFFFE003, lr  }
0x1b: {  	s9 =	sadd.s32 $0xFFFFFEF7, lr;
	s5 =	simm.s32 $0xFFFFFFFF;
	p2 =	slt.u32 s8, $0xFFFFF086  }
0x1c: {  	p1 =	slt.u32 s9, $0xF7A;
	s5 =	simm.s32 @!p2 $0x0  }
0x1d: {  	s5 =	simm.s32 @p1 $0x1;
	p0 =	seq.s32 s7, s2  }
0x1e: {  	s7 =	smul.u32 @!p0 $0xF7A, s2;
	p2 =	seq.s32 @!p0 s5, $0x0  }
0x1f: {  	s9 =	smul.u32 $0xF7A, s1;
	s8 =	simm.s32 @!p0 $0x1BF5;
	p2 =	por !p2, p0  }
0x20: {  	[sflag:s8] =	ssyncset.s32 @!p0 $0xFFFFF086;
	s6 =	sadd.s32 @!p0 s3, s7;
	s7 =	simm.s32 @!p0 $0x108  }
0x21: {  	s3 =	sadd.s32 s3, s9;
	s6 =	sadd.s32 @!p0 $0x88, s6;
	s7 =	simm.s32 @p2 $0x1082  }
0x22: {  	[simem:s7], [sflag:s8] =	dma.local @!p0 [hbm:s6], $0xF7A  }
0x23: {  	s9 =	sor.u32 $0xD0000000, s2;
	s6 =	simm.s32 $0x108;
	_ =	swait.ge @!p0 [sflag:s8], $0x0  }
0x24: {  	s3 =	sadd.s32 $0x88, s3;
	s6 =	simm.s32 @!p1 $0x1082;
	[sflag:s4] =	ssyncset.s32 $0xFFFFF086  }
0x25: {  	[simem:s6], [sflag:s4] =	dma.local [hbm:s3], $0xF7A  }
0x26: {  	[smem:$0x3F91] =	sst s1;
	(tag) =	ssettag s2;
	_ =	strace s9  }
0x27: {  	s1 =	sld [smem:$0x3FA1]  }
0x28: {  	s2 =	sld [smem:$0x3FA2]  }
0x29: {  	s4 =	sld [smem:$0x3FA4]  }
0x2a: {  	p0 =	seq.s32 s5, $0x0;
	s5 =	sld [smem:$0x3FA5]  }
0x2b: {  	s6 =	sld [smem:$0x3FA6]  }
0x2c: {  	s7 =	sld [smem:$0x3FA7]  }
0x2d: {  	s3 =	simm.s32 $0x108;
	s8 =	sld [smem:$0x3FA8]  }
0x2e: {  	s3 =	simm.s32 @!p0 $0x1082;
	s9 =	sld [smem:$0x3FA9]  }
0x2f: {  	lr =	sadd.s32 s0, s3;
	s0 =	sld [smem:$0x3FA0]  }
0x30: {  	s3 =	sld [smem:$0x3FA3]  }
0x31: {  	[smem:$0x3FAC] =	sst s10  }
0x32: {  	s10 =	sld [smem:$0x3FAA];
	_ =	sdelay $0x3  }
0x33: {  	p0 =	seq.s32 s10, $0x1;
	s10 =	sld [smem:$0x3FAC];
	_ =	sdelay $0x3  }
0x34: {  	[smem:$0x3FAC] =	sst s10  }
0x35: {  	s10 =	sld [smem:$0x3FAB];
	_ =	sdelay $0x3  }
0x36: {  	p1 =	seq.s32 s10, $0x1;
	s10 =	sld [smem:$0x3FAC];
	_ =	sdelay $0x3  }
0x37: {  	[smem:$0x3FAC] =	sst s10  }
0x38: {  	s10 =	sld [smem:$0x3FAD]  }
0x39: {  	_ = 	snop;
	(pc) =	sbr.ind lr, $3  }
0x3a: {  	_ = 	snop  }
0x3b: {  	_ = 	snop  }
0x3c: {  	p2 =	seq.s32 s10, $0x1;
	s10 =	sld [smem:$0x3FAC]  }
0x3d: {  	_ =	shalt  }
0x3e: {  	_ =	shalt  }
0x3f: {  	_ =	shalt  }
0x40: {  	_ =	shalt  }
0x41: {  	_ =	shalt  }
0x42: {  	_ =	shalt  }
0x43: {  	_ =	shalt  }
0x44: {  	_ =	shalt  }
0x45: {  	_ =	shalt  }
0x46: {  	_ =	shalt  }
0x47: {  	_ =	shalt  }
0x48: {  	_ =	shalt  }
0x49: {  	_ =	shalt  }
0x4a: {  	_ =	shalt  }
0x4b: {  	_ =	shalt  }
0x4c: {  	_ =	shalt  }
0x4d: {  	_ =	shalt  }
0x4e: {  	_ =	shalt  }
0x4f: {  	_ =	shalt  }
0x50: {  	_ =	shalt  }
0x51: {  	_ =	shalt  }
0x52: {  	_ =	shalt  }
0x53: {  	_ =	shalt  }
0x54: {  	_ =	shalt  }
0x55: {  	_ =	shalt  }
0x56: {  	_ =	shalt  }
0x57: {  	_ =	shalt  }
0x58: {  	_ =	shalt  }
0x59: {  	_ =	shalt  }
0x5a: {  	_ =	shalt  }
0x5b: {  	_ =	shalt  }
0x5c: {  	_ =	shalt  }
0x5d: {  	_ =	shalt  }
0x5e: {  	_ =	shalt  }
0x5f: {  	_ =	shalt  }
0x60: {  	_ =	shalt  }
0x61: {  	_ =	shalt  }
0x62: {  	_ =	shalt  }
0x63: {  	_ =	shalt  }
0x64: {  	_ =	shalt  }
0x65: {  	_ =	shalt  }
0x66: {  	_ =	shalt  }
0x67: {  	_ =	shalt  }
0x68: {  	_ =	shalt  }
0x69: {  	_ =	shalt  }
0x6a: {  	_ =	shalt  }
0x6b: {  	_ =	shalt  }
0x6c: {  	_ =	shalt  }
0x6d: {  	_ =	shalt  }
0x6e: {  	_ =	shalt  }
0x6f: {  	_ =	shalt  }
0x70: {  	_ =	shalt  }
0x71: {  	_ =	shalt  }
0x72: {  	_ =	shalt  }
0x73: {  	_ =	shalt  }
0x74: {  	_ =	shalt  }
0x75: {  	_ =	shalt  }
0x76: {  	_ =	shalt  }
0x77: {  	_ =	shalt  }
0x78: {  	_ =	shalt  }
0x79: {  	_ =	shalt  }
0x7a: {  	_ =	shalt  }
0x7b: {  	_ =	shalt  }
0x7c: {  	_ =	shalt  }
0x7d: {  	_ =	shalt  }
0x7e: {  	_ =	shalt  }
0x7f: {  	_ =	shalt  }
0x80: {  	_ =	shalt  }
0x81: {  	_ =	shalt  }
0x82: {  	_ =	shalt  }
0x83: {  	_ =	shalt  }
0x84: {  	_ =	shalt  }
0x85: {  	_ =	shalt  }
0x86: {  	_ =	shalt  }
0x87: {  	_ =	shalt  }
.Lfunc_end0:
.L_simem_size_0:
called_computation_lowered:
.L_overlay_start_0:
0x88: {  	s2 =	sld [smem:$0x3FD9]  }
0x89: {  	s3 =	sld [smem:$0x3FFE];
	_ =	sdelay $0x1  }
0x8a: {  	s1 =	srdreg.scid  }
0x8b: {  	s0 =	sand.u32 $0x1, s1  }
0x8c: {  	s17 =	sshll.u32 s0, $0xA;
	s2 =	sadd.s32 s3, s2  }
0x8d: {  	s2 =	sadd.s32 s2, s17  }
0x8e: {  	[smem:$0x3FB8] =	sst s2  }
0x8f: {  	_ = 	snop  }
0x90: {  	s18 =	sld [smem:$0x3FD0];
	(tm) =	ssettm $0x1  }
0x91: {  	s19 =	sld [smem:$0x3FFB];
	_ =	sdelay $0x3  }
0x92: {  	_ =	strace s19  }
0x93: {  	s2 =	sld [smem:$0x3FFC];
	_ =	sdelay $0x3  }
0x94: {  	_ =	strace s2  }
0x95: {  	s2 =	sld [smem:$0x3FFD];
	_ =	sdelay $0x3  }
0x96: {  	_ =	strace s2  }
0x97: {  	_ =	strace $0x8FFFFFFF  }
0x98: {  	s20 =	sld [smem:$0x3FDB];
	_ =	sdelay $0x1  }
0x99: {  	s4 =	simm.s32 $_scs_section_size  }
0x9a: {  	s5 =	simm.s32 $_size__tile_overlayer_lowered;
	s6 =	simm.s32 $_tile_overlayer_lowered  }
0x9b: {  	s7 =	simm.s32 $0x1BFF;
	s21 =	sshll.u32 s6, $0x1;
	s4 =	sadd.s32 s4, s20  }
0x9c: {  	s22 =	simm.s32 $0x0;
	s5 =	sshll.u32 s5, $0x1;
	s6 =	sadd.s32 s21, s4  }
0x9d: {  	[timem:s22], [sflag:s7] =	dma.local [hbm:s6], s5  }
0x9e: {  	_ =	swait.ge [sflag:s7], s5  }
0x9f: {  	s5 =	ssub.s32 $0x0, s5;
	[sflag:s7] =	ssyncset.done $0x0  }
0xa0: {  	[sflag:s7] =	ssyncadd.s32 s5;
	_ =	sdelay $0x1  }
0xa1: {  	s23 =	simm.s32 $0x1B8B  }
0xa2: {  	_ =	swait.ge [sflag:s23], $0x1  }
0xa3: {  	[sflag:s23] =	ssyncset.done $0x0  }
0xa4: {  	[sflag:s23] =	ssyncadd.s32 $0xFFFFFFFF  }
0xa5: {  	s5 =	sld [smem:$0x0]  }
0xa6: {  	s6 =	sand.u32 $0xFFFFFFFE, s1  }
0xa7: {  	p0 =	sne.s32 s1, s6  }
0xa8: {  	s6 =	sshll.u32 @p0 s6, $0xE  }
0xa9: {  	s6 =	sadd.s32 @p0 $0x11B8D, s6;
	s7 =	sshll.u32 @p0 s5, $0x11  }
0xaa: {  	s6 =	sor.u32 @p0 s7, s6  }
0xab: {  	[sflag:s6] =	ssyncadd.remote.s32 @p0 $0x1;
	_ =	sdelay $0x1  }
0xac: {  	s6 =	simm.s32 @p0 $0x1B8D  }
0xad: {  	_ =	swait.eq @p0 [sflag:s6], $0x1  }
0xae: {  	[sflag:s6] =	ssyncadd.s32 @p0 $0xFFFFFFFF  }
0xaf: {  	s7 =	sshll.u32 @!p0 s1, $0xE  }
0xb0: {  	s7 =	sor.u32 @!p0 $0x4000, s7;
	s6 =	simm.s32 @!p0 $0x1B8D  }
0xb1: {  	s5 =	sshll.u32 @!p0 s5, $0x11;
	s7 =	sadd.s32 @!p0 $0x11B8D, s7;
	_ =	swait.eq @!p0 [sflag:s6], $0x1  }
0xb2: {  	s5 =	sor.u32 @!p0 s5, s7;
	[sflag:s6] =	ssyncadd.s32 @!p0 $0xFFFFFFFF  }
0xb3: {  	s25 =	simm.s32 $0x1B8E;
	s24 =	sld [smem:$0x3FFE];
	[sflag:s5] =	ssyncadd.remote.s32 @!p0 $0x1  }
0xb4: {  	s26 =	simm.s32 $execute0_lowered;
	[smem:$0x3FD2] =	sst s25  }
0xb5: {  	s6 =	sshll.u32 s26, $0x1;
	_ =	strace $0x80000049;
	[dreg:$0x1] =	wrdreg $0xFFFFFFFF  }
0xb6: {  	s28 =	simm.s32 $_size_execute0_lowered;
	s4 =	sadd.s32 s4, s6;
	[dreg:$0x0] =	wrdreg $0x0  }
0xb7: {  	s6 =	sshll.u32 s28, $0x1;
	[dreg:$0x2] =	wrdreg s4  }
0xb8: {  	[dreg:$0x3] =	wrdreg s6  }
0xb9: {  	[dreg:$0x4] =	wrdreg $0xC0  }
0xba: {  	_ =	task [dreg:s22], $0x5FFFF  }
0xbb: {  	[dreg:$0x1] =	wrdreg $0xFFFFFFFF  }
0xbc: {  	[dreg:$0x0] =	wrdreg $0x60  }
0xbd: {  	[dreg:$0x2] =	wrdreg s24  }
0xbe: {  	[dreg:$0x3] =	wrdreg s18  }
0xbf: {  	[dreg:$0x4] =	wrdreg $0x9  }
0xc0: {  	_ =	task.clear_ibuf [dreg:s22], $0x5FFFF;
	_ =	strace $0x90000049  }
0xc1: {  	s29 =	simm.s32 $0x9;
	_ =	strace $0x8000004B  }
0xc2: {  	_ =	swait.ge [sflag:s29], $0x1  }
0xc3: {  	[sflag:s29] =	ssyncadd.s32 $0xFFFFFFFF  }
0xc4: {  	_ =	strace $0x9000004B  }
0xc5: {  	_ =	sfence  }
0xc6: {  	s30 =	sld [smem:$0x0];
	_ =	sdelay $0x2  }
0xc7: {  	s31 =	sshll.u32 s1, $0xD;
	s1 =	sshrl.u32 s1, $0x2  }
0xc8: {  	s4 =	sand.u32 $0x4000, s31;
	s1 =	sadd.s32 s1, s30  }
0xc9: {  	s0 =	sor.u32 s4, s0;
	s1 =	sshll.u32 s1, $0x11  }
0xca: {  	s0 =	sor.u32 s1, s0  }
0xcb: {  	s0 =	sadd.s32 $0x8F2B, s0  }
0xcc: {  	[sflag:s0] =	ssyncadd.remote.s32 $0x1  }
0xcd: {  	_ =	sfence.sel $0xFFFF  }
0xce: {  	[dreg:$0x0] =	wrdreg $0xFFFFFFFF;
	(pc) =	sbr.abs _section_cstart, $3  }
0xcf: {  	[dreg:$0x1] =	wrdreg $0xFFFFFFFF  }
0xd0: {  	_ =	task.clear_ibuf [dreg:s22], $0x2FFFF;
	_ =	strace $0x9FFFFFFF  }
0xd1: {  	(tm) =	ssettm $0x7FFFFFFF  }
tec
execute0_lowered:
.L_overlay_start_1:
0x0: {  	(tag) =	ssettag $0x1  }
0x1: {  	s0 =	rddreg [dreg:$0x0];
	s1 =	srdreg.scid  }
0x2: {  	s13 =	stileid.u32;
	s5 =	rddreg [dreg:$0x1];
	s2 =	simm.s32 $0x0  }
0x3: {  	s1 =	sand.u32 $0x1, s1;
	s3 =	sshll.u32 s13, $0x1;
	s20 =	smul.u32 $0x14000, s13  }
0x4: {  	[smem:$0x7FF] =	sst s2;
	s4 =	sadd.s32 $0xF600, s0;
	s19 =	smul.u32 $0x2800, s13  }
0x5: {  	s10 =	sadd.s32 $0x5E200, s0;
	s6 =	sor.u32 s1, s3;
	s12 =	smul.u32 $0xA000, s1  }
0x6: {  	s13 =	simm.s32 $0x5400;
	s9 =	ssub.s32 $0x2, s1;
	s7 =	smul.u32 $0x1400, s6  }
0x7: {  	_ =	strace $0x8000004A;
	s6 =	smul.u32 $0xA000, s6;
	s11 =	sshrl.u32 s9, $0x1  }
0x8: {  	s3 =	sadd.s32 $0xCE00, s0;
	s1 =	smul.u32 $0x1400, s1;
	s9 =	ssub.s32 s9, s11  }
0x9: {  	s11 =	simm.s32 $0x3C00;
	s7 =	sshrl.u32 s7, $0x3;
	s6 =	sshrl.u32 s6, $0x3  }
0xa: {  	s8 =	sadd.s32 s7, s0;
	s0 =	sadd.s32 $0x86200, s0;
	s21 =	sadd.s32 $0x1200, s6  }
0xb: {  	s5 =	sadd.s32 s5, s7;
	s23 =	sadd.s32 $0x1280, s6;
	s7 =	sadd.s32 s12, s20  }
0xc: {  	s26 =	sadd.s32 $0x1300, s6;
	s8 =	sadd.s32 $0x3000, s8;
	[dreg:$0x10] =	wrdreg s5  }
0xd: {  	s6 =	sadd.s32 $0x1380, s6;
	s22 =	sadd.s32 s10, s21;
	[dreg:$0xf] =	wrdreg s8  }
0xe: {  	s24 =	sadd.s32 s0, s21;
	s25 =	sadd.s32 s10, s23;
	[dreg:$0x11] =	wrdreg s22  }
0xf: {  	s5 =	sadd.s32 s0, s23;
	s28 =	sor.u32 $0xC00, s7;
	[dreg:$0x12] =	wrdreg s24  }
0x10: {  	s29 =	sadd.s32 s10, s26;
	s31 =	sor.u32 $0x800, s7;
	[dreg:$0x13] =	wrdreg s25  }
0x11: {  	s15 =	sor.u32 $0x400, s7;
	s21 =	sadd.s32 s10, s6;
	[dreg:$0x14] =	wrdreg s5  }
0x12: {  	s23 =	sadd.s32 s19, s10;
	s6 =	sadd.s32 s0, s6;
	[dreg:$0x15] =	wrdreg s29  }
0x13: {  	s5 =	sadd.s32 s0, s26;
	s30 =	sshrl.u32 s28, $0x3;
	s12 =	sshrl.u32 s31, $0x3  }
0x14: {  	s17 =	sshrl.u32 s15, $0x3;
	[dreg:$0x17] =	wrdreg s21;
	s22 =	sadd.s32 s19, s0  }
0x15: {  	s24 =	sor.u32 $0x1400, s7;
	s7 =	sor.u32 $0x1000, s7;
	[dreg:$0x18] =	wrdreg s6  }
0x16: {  	s19 =	simm.s32 $0x80;
	[dreg:$0x16] =	wrdreg s5;
	s8 =	sadd.s32 s30, s0  }
0x17: {  	s15 =	simm.s32 $0xF;
	s5 =	sadd.s32 s30, s10;
	[dreg:$0x3] =	wrdreg s8  }
0x18: {  	s21 =	simm.s32 $0x6;
	s14 =	sadd.s32 s12, s0;
	[dreg:$0x4] =	wrdreg s5  }
0x19: {  	s16 =	sadd.s32 s12, s10;
	s18 =	sadd.s32 s17, s0;
	[dreg:$0x5] =	wrdreg s14  }
0x1a: {  	s20 =	sadd.s32 s17, s10;
	s25 =	sshrl.u32 s24, $0x3;
	[dreg:$0x6] =	wrdreg s16  }
0x1b: {  	s29 =	sshrl.u32 s7, $0x3;
	s30 =	smax.u32 s9, $0x1;
	[dreg:$0x7] =	wrdreg s18  }
0x1c: {  	s9 =	simm.s32 $0x3800;
	s12 =	simm.s32 $0x5400;
	[dreg:$0x8] =	wrdreg s20  }
0x1d: {  	s24 =	simm.s32 $0x10;
	s5 =	sadd.s32 s1, s22;
	[dreg:$0x19] =	wrdreg s30  }
0x1e: {  	s1 =	sadd.s32 s1, s23;
	s26 =	sadd.s32 s25, s0;
	[dreg:$0x9] =	wrdreg s5  }
0x1f: {  	s28 =	sadd.s32 s25, s10;
	s0 =	sadd.s32 s29, s0;
	[dreg:$0xa] =	wrdreg s1  }
0x20: {  	s31 =	sadd.s32 s29, s10;
	s10 =	simm.s32 $0x5000;
	[dreg:$0xb] =	wrdreg s26  }
0x21: {  	s16 =	simm.s32 $0x5;
	s14 =	simm.s32 $0xB;
	[dreg:$0xc] =	wrdreg s28  }
0x22: {  	s20 =	simm.s32 $0x15;
	s22 =	simm.s32 $0xC;
	[dreg:$0xd] =	wrdreg s0  }
0x23: {  	[dreg:$0xe] =	wrdreg s31;
	s26 =	simm.s32 $0x16;
	s1 =	simm.s32 $0x0  }
.LBB2_1:
0x24: {  	[dreg:$0x1a] =	wrdreg s1  }
0x25: {  	s0 =	rddreg [dreg:$0xf]  }
0x26: {  	[tilespmem:s2], [sflag:$0x1] =	stream.linear.gather [hbm4b:s0+s2], $0x1400, $0x38;
	[tilespmem:$0x5800] =	vst v63  }
0x27: {  	s6 =	rddreg [dreg:$0x10];
	s7 =	simm.s32 $0x1400;
	s0 =	simm.s32 $0x1  }
0x28: {  	[tilespmem:s7], [sflag:$0x7] =	stream.linear.gather [hbm4b:s6+s2], $0x1400, $0x38;
	[tilespmem:$0x5800] =	vst v63  }
0x29: {  	_ =	swait.ge [sflag:s0], $0x1400  }
0x2a: {  	[sflag:s0] =	ssyncset.done $0x0  }
0x2b: {  	s18 =	simm.s32 $0x7;
	[sflag:s0] =	ssyncadd.s32 $0xFFFFEC00  }
0x2c: {  	_ =	swait.ge [sflag:s18], $0x1400  }
0x2d: {  	[sflag:s18] =	ssyncset.done $0x0  }
0x2e: {  	s5 =	simm.s32 $0x2800;
	[sflag:s18] =	ssyncadd.s32 $0xFFFFEC00  }
0x2f: {  	[tilespmem:s5], [sflag:$0x1] =	stream.indirect.gather [hbm4b:s3+s19], $0x8, s2, s19, $0xb8;
	[tilespmem:$0x5800] =	vst v63  }
0x30: {  	s17 =	simm.s32 $0x4000  }
0x31: {  	[tilespmem:s17], [sflag:$0x7] =	stream.indirect.gather [hbm4b:s4+s19], $0x8, s7, s19, $0xb8;
	[tilespmem:$0x5800] =	vst v63  }
0x32: {  	s1 =	simm.s32 $0x2C00  }
0x33: {  	[tilespmem:s1], [sflag:$0x2] =	stream.indirect.gather [hbm4b:s3+s19], $0x8, s19, s19, $0xb8;
	[tilespmem:$0x5800] =	vst v63  }
0x34: {  	s23 =	simm.s32 $0x1480;
	s25 =	simm.s32 $0x4400  }
0x35: {  	[tilespmem:s25], [sflag:$0x8] =	stream.indirect.gather [hbm4b:s4+s19], $0x8, s23, s19, $0xb8;
	[tilespmem:$0x5800] =	vst v63  }
0x36: {  	s8 =	simm.s32 $0x100;
	s28 =	simm.s32 $0x3000  }
0x37: {  	[tilespmem:s28], [sflag:$0x3] =	stream.indirect.gather [hbm4b:s3+s19], $0x8, s8, s19, $0xb8;
	[tilespmem:$0x5800] =	vst v63  }
0x38: {  	s29 =	simm.s32 $0x4800;
	s6 =	simm.s32 $0x1500  }
0x39: {  	[tilespmem:s29], [sflag:$0x9] =	stream.indirect.gather [hbm4b:s4+s19], $0x8, s6, s19, $0xb8;
	[tilespmem:$0x5800] =	vst v63  }
0x3a: {  	s7 =	simm.s32 $0x3400;
	s23 =	simm.s32 $0x180  }
0x3b: {  	[tilespmem:s7], [sflag:$0x4] =	stream.indirect.gather [hbm4b:s3+s19], $0x8, s23, s19, $0xb8;
	[tilespmem:$0x5800] =	vst v63  }
0x3c: {  	s30 =	simm.s32 $0x1580;
	s8 =	simm.s32 $0x4C00  }
0x3d: {  	[tilespmem:s8], [sflag:$0xA] =	stream.indirect.gather [hbm4b:s4+s19], $0x8, s30, s19, $0xb8;
	[tilespmem:$0x5800] =	vst v63  }
0x3e: {  	_ =	swait.ge [sflag:s0], $0x400  }
0x3f: {  	[sflag:s0] =	ssyncset.done $0x0  }
0x40: {  	[sflag:s0] =	ssyncadd.s32 $0xFFFFFC00  }
0x41: {  	_ =	swait.ge [sflag:s18], $0x400  }
0x42: {  	p0 =	por $0x1, $0x1;
	s23 =	rddreg [dreg:$0xa];
	[sflag:s18] =	ssyncset.done $0x0  }
0x43: {  	s30 =	rddreg [dreg:$0x9];
	[sflag:s18] =	ssyncadd.s32 $0xFFFFFC00;
	s0 =	sadd.s32 $0x0, s23  }
0x44: {  	[hbm4b:s0+s2] =	stream.linear.scatter [tilespmem:s5], [sflag:$0xD], $0x400, $0x38;
	[tilespmem:$0x5800] =	vst v63  }
0x45: {  	s6 =	sadd.s32 $0x0, s30;
	s0 =	simm.s32 @!p0 $0x11  }
0x46: {  	[hbm4b:s6+s2] =	stream.linear.scatter [tilespmem:s17], [sflag:$0x13], $0x400, $0x38;
	[tilespmem:$0x5800] =	vst v63  }
0x47: {  	_ =	swait.ge @!p0 [sflag:s0], $0x400  }
0x48: {  	[sflag:s0] =	ssyncset.done @!p0 $0x0  }
0x49: {  	s23 =	simm.s32 @!p0 $0x17;
	[sflag:s0] =	ssyncadd.s32 @!p0 $0xFFFFFC00  }
0x4a: {  	_ =	swait.ge @!p0 [sflag:s23], $0x400  }
0x4b: {  	[sflag:s23] =	ssyncset.done @!p0 $0x0  }
0x4c: {  	s18 =	simm.s32 $0x200;
	[sflag:s23] =	ssyncadd.s32 @!p0 $0xFFFFFC00  }
0x4d: {  	[tilespmem:s9], [sflag:$0x5] =	stream.indirect.gather [hbm4b:s3+s19], $0x8, s18, s19, $0xb8;
	[tilespmem:$0x5800] =	vst v63  }
0x4e: {  	s30 =	simm.s32 $0x1600;
	s6 =	simm.s32 $0x2  }
0x4f: {  	[tilespmem:s10], [sflag:$0xB] =	stream.indirect.gather [hbm4b:s4+s19], $0x8, s30, s19, $0xb8;
	[tilespmem:$0x5800] =	vst v63  }
0x50: {  	_ =	swait.ge [sflag:s6], $0x400  }
0x51: {  	[sflag:s6] =	ssyncset.done $0x0  }
0x52: {  	s18 =	simm.s32 $0x8;
	[sflag:s6] =	ssyncadd.s32 $0xFFFFFC00  }
0x53: {  	_ =	swait.ge [sflag:s18], $0x400  }
0x54: {  	s23 =	rddreg [dreg:$0x8];
	[sflag:s18] =	ssyncset.done $0x0  }
0x55: {  	s30 =	rddreg [dreg:$0x7];
	[sflag:s18] =	ssyncadd.s32 $0xFFFFFC00;
	s0 =	sadd.s32 $0x0, s23  }
0x56: {  	[hbm4b:s0+s2] =	stream.linear.scatter [tilespmem:s1], [sflag:$0xE], $0x400, $0x38;
	[tilespmem:$0x5800] =	vst v63  }
0x57: {  	s6 =	sadd.s32 $0x0, s30;
	s23 =	simm.s32 @!p0 $0x12  }
0x58: {  	[hbm4b:s6+s2] =	stream.linear.scatter [tilespmem:s25], [sflag:$0x14], $0x400, $0x38;
	[tilespmem:$0x5800] =	vst v63  }
0x59: {  	_ =	swait.ge @!p0 [sflag:s23], $0x400  }
0x5a: {  	[sflag:s23] =	ssyncset.done @!p0 $0x0  }
0x5b: {  	s0 =	simm.s32 @!p0 $0x18;
	[sflag:s23] =	ssyncadd.s32 @!p0 $0xFFFFFC00  }
0x5c: {  	_ =	swait.ge @!p0 [sflag:s0], $0x400  }
0x5d: {  	[sflag:s0] =	ssyncset.done @!p0 $0x0  }
0x5e: {  	s18 =	simm.s32 $0x280;
	[sflag:s0] =	ssyncadd.s32 @!p0 $0xFFFFFC00  }
0x5f: {  	[tilespmem:s11], [sflag:$0x6] =	stream.indirect.gather [hbm4b:s3+s19], $0x8, s18, s19, $0xb8;
	[tilespmem:$0x5800] =	vst v63  }
0x60: {  	s30 =	simm.s32 $0x1680;
	s6 =	simm.s32 $0x3  }
0x61: {  	[tilespmem:s12], [sflag:$0xC] =	stream.indirect.gather [hbm4b:s4+s19], $0x8, s30, s19, $0xb8;
	[tilespmem:$0x5800] =	vst v63  }
0x62: {  	_ =	swait.ge [sflag:s6], $0x400  }
0x63: {  	[sflag:s6] =	ssyncset.done $0x0  }
0x64: {  	s18 =	simm.s32 $0x9;
	[sflag:s6] =	ssyncadd.s32 $0xFFFFFC00  }
0x65: {  	_ =	swait.ge [sflag:s18], $0x400  }
0x66: {  	s23 =	rddreg [dreg:$0x6];
	[sflag:s18] =	ssyncset.done $0x0  }
0x67: {  	s30 =	rddreg [dreg:$0x5];
	[sflag:s18] =	ssyncadd.s32 $0xFFFFFC00;
	s0 =	sadd.s32 $0x0, s23  }
0x68: {  	[hbm4b:s0+s2] =	stream.linear.scatter [tilespmem:s28], [sflag:$0xF], $0x400, $0x38;
	[tilespmem:$0x5800] =	vst v63  }
0x69: {  	s6 =	sadd.s32 $0x0, s30;
	s18 =	simm.s32 $0xD  }
0x6a: {  	[hbm4b:s6+s2] =	stream.linear.scatter [tilespmem:s29], [sflag:$0x15], $0x400, $0x38;
	[tilespmem:$0x5800] =	vst v63  }
0x6b: {  	_ =	swait.ge [sflag:s18], $0x400  }
0x6c: {  	[sflag:s18] =	ssyncset.done $0x0  }
0x6d: {  	s23 =	simm.s32 $0x13;
	[sflag:s18] =	ssyncadd.s32 $0xFFFFFC00  }
0x6e: {  	_ =	swait.ge [sflag:s23], $0x400  }
0x6f: {  	[sflag:s23] =	ssyncset.done $0x0  }
0x70: {  	s30 =	simm.s32 $0x300;
	[sflag:s23] =	ssyncadd.s32 $0xFFFFFC00  }
0x71: {  	[tilespmem:s5], [sflag:$0x1] =	stream.indirect.gather [hbm4b:s3+s19], $0x8, s30, s19, $0xb8;
	[tilespmem:$0x5800] =	vst v63  }
0x72: {  	s6 =	simm.s32 $0x1700;
	s18 =	simm.s32 $0x4  }
0x73: {  	[tilespmem:s17], [sflag:$0x7] =	stream.indirect.gather [hbm4b:s4+s19], $0x8, s6, s19, $0xb8;
	[tilespmem:$0x5800] =	vst v63  }
0x74: {  	_ =	swait.ge [sflag:s18], $0x400  }
0x75: {  	[sflag:s18] =	ssyncset.done $0x0  }
0x76: {  	s23 =	simm.s32 $0xA;
	[sflag:s18] =	ssyncadd.s32 $0xFFFFFC00  }
0x77: {  	_ =	swait.ge [sflag:s23], $0x400  }
0x78: {  	s30 =	rddreg [dreg:$0x4];
	[sflag:s23] =	ssyncset.done $0x0  }
0x79: {  	s6 =	rddreg [dreg:$0x3];
	[sflag:s23] =	ssyncadd.s32 $0xFFFFFC00;
	s0 =	sadd.s32 $0x0, s30  }
0x7a: {  	[hbm4b:s0+s2] =	stream.linear.scatter [tilespmem:s7], [sflag:$0x10], $0x400, $0x38;
	[tilespmem:$0x5800] =	vst v63  }
0x7b: {  	s18 =	simm.s32 $0xE;
	s17 =	sadd.s32 $0x0, s6  }
0x7c: {  	[hbm4b:s17+s2] =	stream.linear.scatter [tilespmem:s8], [sflag:$0x16], $0x400, $0x38;
	[tilespmem:$0x5800] =	vst v63  }
0x7d: {  	_ =	swait.ge [sflag:s18], $0x400  }
0x7e: {  	[sflag:s18] =	ssyncset.done $0x0  }
0x7f: {  	s23 =	simm.s32 $0x14;
	[sflag:s18] =	ssyncadd.s32 $0xFFFFFC00  }
0x80: {  	_ =	swait.ge [sflag:s23], $0x400  }
0x81: {  	[sflag:s23] =	ssyncset.done $0x0  }
0x82: {  	s30 =	simm.s32 $0x380;
	[sflag:s23] =	ssyncadd.s32 $0xFFFFFC00  }
0x83: {  	[tilespmem:s1], [sflag:$0x2] =	stream.indirect.gather [hbm4b:s3+s19], $0x8, s30, s19, $0xb8;
	[tilespmem:$0x5800] =	vst v63  }
0x84: {  	s5 =	simm.s32 $0x1780  }
0x85: {  	[tilespmem:s25], [sflag:$0x8] =	stream.indirect.gather [hbm4b:s4+s19], $0x8, s5, s19, $0xb8;
	[tilespmem:$0x5800] =	vst v63  }
0x86: {  	_ =	swait.ge [sflag:s16], $0x400  }
0x87: {  	[sflag:s16] =	ssyncset.done $0x0  }
0x88: {  	[sflag:s16] =	ssyncadd.s32 $0xFFFFFC00  }
0x89: {  	_ =	swait.ge [sflag:s14], $0x400  }
0x8a: {  	s6 =	rddreg [dreg:$0xe];
	[sflag:s14] =	ssyncset.done $0x0  }
0x8b: {  	s8 =	rddreg [dreg:$0xd];
	[sflag:s14] =	ssyncadd.s32 $0xFFFFFC00;
	s0 =	sadd.s32 $0x0, s6  }
0x8c: {  	[hbm4b:s0+s2] =	stream.linear.scatter [tilespmem:s9], [sflag:$0x11], $0x400, $0x38;
	[tilespmem:$0x5800] =	vst v63  }
0x8d: {  	s9 =	sadd.s32 $0x0, s8  }
0x8e: {  	[hbm4b:s9+s2] =	stream.linear.scatter [tilespmem:s10], [sflag:$0x17], $0x400, $0x38;
	[tilespmem:$0x5800] =	vst v63  }
0x8f: {  	_ =	swait.ge [sflag:s15], $0x400  }
0x90: {  	[sflag:s15] =	ssyncset.done $0x0  }
0x91: {  	[sflag:s15] =	ssyncadd.s32 $0xFFFFFC00  }
0x92: {  	_ =	swait.ge [sflag:s20], $0x400  }
0x93: {  	[sflag:s20] =	ssyncset.done $0x0  }
0x94: {  	s17 =	simm.s32 $0x400;
	[sflag:s20] =	ssyncadd.s32 $0xFFFFFC00  }
0x95: {  	[tilespmem:s28], [sflag:$0x3] =	stream.indirect.gather [hbm4b:s3+s19], $0x8, s17, s19, $0xb8;
	[tilespmem:$0x5800] =	vst v63  }
0x96: {  	s18 =	simm.s32 $0x1800  }
0x97: {  	[tilespmem:s29], [sflag:$0x9] =	stream.indirect.gather [hbm4b:s4+s19], $0x8, s18, s19, $0xb8;
	[tilespmem:$0x5800] =	vst v63  }
0x98: {  	_ =	swait.ge [sflag:s21], $0x400  }
0x99: {  	[sflag:s21] =	ssyncset.done $0x0  }
0x9a: {  	[sflag:s21] =	ssyncadd.s32 $0xFFFFFC00  }
0x9b: {  	_ =	swait.ge [sflag:s22], $0x400  }
0x9c: {  	s23 =	rddreg [dreg:$0xc];
	[sflag:s22] =	ssyncset.done $0x0  }
0x9d: {  	s25 =	rddreg [dreg:$0xb];
	[sflag:s22] =	ssyncadd.s32 $0xFFFFFC00;
	s0 =	sadd.s32 $0x0, s23  }
0x9e: {  	[hbm4b:s0+s2] =	stream.linear.scatter [tilespmem:s11], [sflag:$0x12], $0x400, $0x38;
	[tilespmem:$0x5800] =	vst v63  }
0x9f: {  	s28 =	sadd.s32 $0x0, s25  }
0xa0: {  	[hbm4b:s28+s2] =	stream.linear.scatter [tilespmem:s12], [sflag:$0x18], $0x400, $0x38;
	[tilespmem:$0x5800] =	vst v63  }
0xa1: {  	_ =	swait.ge [sflag:s24], $0x400  }
0xa2: {  	[sflag:s24] =	ssyncset.done $0x0  }
0xa3: {  	s31 =	simm.s32 $0x0;
	[sflag:s24] =	ssyncadd.s32 $0xFFFFFC00  }
0xa4: {  	s30 =	simm.s32 $0x480;
	s10 =	simm.s32 $0x3800;
	_ =	swait.ge [sflag:s26], $0x400  }
0xa5: {  	s29 =	simm.s32 $0x300;
	s23 =	simm.s32 $0x1880;
	[sflag:s26] =	ssyncset.done $0x0  }
0xa6: {  	s11 =	simm.s32 $0x5000;
	s12 =	simm.s32 $0x3C00;
	[sflag:s26] =	ssyncadd.s32 $0xFFFFFC00  }
0xa7: {  	[tilespmem:s7], [sflag:$0x4] =	stream.indirect.gather [hbm4b:s3+s19], $0x8, s30, s19, $0xb8;
	[tilespmem:$0x5800] =	vst v63  }
.LBB2_2:
0xa8: {  	s9 =	simm.s32 $0x4C00;
	s1 =	simm.s32 $0x1  }
0xa9: {  	[tilespmem:s9], [sflag:$0xA] =	stream.indirect.gather [hbm4b:s4+s19], $0x8, s23, s19, $0xb8;
	[tilespmem:$0x5800] =	vst v63  }
0xaa: {  	_ =	swait.ge [sflag:s1], $0x400  }
0xab: {  	[sflag:s1] =	ssyncset.done $0x0  }
0xac: {  	s5 =	simm.s32 $0x7;
	[sflag:s1] =	ssyncadd.s32 $0xFFFFFC00  }
0xad: {  	s0 =	smov.u32 s29;
	s17 =	simm.s32 $0x2800;
	_ =	swait.ge [sflag:s5], $0x400  }
0xae: {  	p1 =	seq.s32 s0, $0x0;
	s6 =	rddreg [dreg:$0xa];
	[sflag:s5] =	ssyncset.done $0x0  }
0xaf: {  	s25 =	rddreg [dreg:$0x9];
	[sflag:s5] =	ssyncadd.s32 $0xFFFFFC00;
	s23 =	sadd.s32 s0, s6  }
0xb0: {  	[hbm4b:s23+s2] =	stream.linear.scatter [tilespmem:s17], [sflag:$0xD], $0x400, $0x38;
	[tilespmem:$0x5800] =	vst v63  }
0xb1: {  	s18 =	simm.s32 $0x4000;
	s7 =	sadd.s32 s0, s25;
	s23 =	simm.s32 @!p1 $0x11  }
0xb2: {  	[hbm4b:s7+s2] =	stream.linear.scatter [tilespmem:s18], [sflag:$0x13], $0x400, $0x38;
	[tilespmem:$0x5800] =	vst v63  }
0xb3: {  	_ =	swait.ge @!p1 [sflag:s23], $0x400  }
0xb4: {  	[sflag:s23] =	ssyncset.done @!p1 $0x0  }
0xb5: {  	s25 =	simm.s32 @!p1 $0x17;
	[sflag:s23] =	ssyncadd.s32 @!p1 $0xFFFFFC00  }
0xb6: {  	s31 =	sadd.s32 $0xC00, s31;
	_ =	swait.ge @!p1 [sflag:s25], $0x400  }
0xb7: {  	s23 =	sshra.s32 s31, $0x2;
	[sflag:s25] =	ssyncset.done @!p1 $0x0  }
0xb8: {  	s8 =	sadd.s32 $0x200, s23;
	[sflag:s25] =	ssyncadd.s32 @!p1 $0xFFFFFC00  }
0xb9: {  	[tilespmem:s10], [sflag:$0x5] =	stream.indirect.gather [hbm4b:s3+s19], $0x8, s8, s19, $0xb8;
	[tilespmem:$0x5800] =	vst v63  }
0xba: {  	s6 =	simm.s32 $0x2;
	s5 =	sadd.s32 $0x1600, s23  }
0xbb: {  	[tilespmem:s11], [sflag:$0xB] =	stream.indirect.gather [hbm4b:s4+s19], $0x8, s5, s19, $0xb8;
	[tilespmem:$0x5800] =	vst v63  }
0xbc: {  	_ =	swait.ge [sflag:s6], $0x400  }
0xbd: {  	[sflag:s6] =	ssyncset.done $0x0  }
0xbe: {  	s5 =	simm.s32 $0x8;
	[sflag:s6] =	ssyncadd.s32 $0xFFFFFC00  }
0xbf: {  	_ =	swait.ge [sflag:s5], $0x400  }
0xc0: {  	s28 =	simm.s32 $0x2C00;
	s7 =	rddreg [dreg:$0x8];
	[sflag:s5] =	ssyncset.done $0x0  }
0xc1: {  	s8 =	rddreg [dreg:$0x7];
	[sflag:s5] =	ssyncadd.s32 $0xFFFFFC00;
	s1 =	sadd.s32 s0, s7  }
0xc2: {  	[hbm4b:s1+s2] =	stream.linear.scatter [tilespmem:s28], [sflag:$0xE], $0x400, $0x38;
	[tilespmem:$0x5800] =	vst v63  }
0xc3: {  	s30 =	simm.s32 $0x4400;
	s25 =	simm.s32 @!p1 $0x12;
	s6 =	sadd.s32 s0, s8  }
0xc4: {  	[hbm4b:s6+s2] =	stream.linear.scatter [tilespmem:s30], [sflag:$0x14], $0x400, $0x38;
	[tilespmem:$0x5800] =	vst v63  }
0xc5: {  	_ =	swait.ge @!p1 [sflag:s25], $0x400  }
0xc6: {  	[sflag:s25] =	ssyncset.done @!p1 $0x0  }
0xc7: {  	s1 =	simm.s32 @!p1 $0x18;
	[sflag:s25] =	ssyncadd.s32 @!p1 $0xFFFFFC00  }
0xc8: {  	_ =	swait.ge @!p1 [sflag:s1], $0x400  }
0xc9: {  	[sflag:s1] =	ssyncset.done @!p1 $0x0  }
0xca: {  	s7 =	sadd.s32 $0x280, s23;
	[sflag:s1] =	ssyncadd.s32 @!p1 $0xFFFFFC00  }
0xcb: {  	[tilespmem:s12], [sflag:$0x6] =	stream.indirect.gather [hbm4b:s3+s19], $0x8, s7, s19, $0xb8;
	[tilespmem:$0x5800] =	vst v63  }
0xcc: {  	s8 =	sadd.s32 $0x1680, s23;
	s5 =	simm.s32 $0x3  }
0xcd: {  	[tilespmem:s13], [sflag:$0xC] =	stream.indirect.gather [hbm4b:s4+s19], $0x8, s8, s19, $0xb8;
	[tilespmem:$0x5800] =	vst v63  }
0xce: {  	_ =	swait.ge [sflag:s5], $0x400  }
0xcf: {  	[sflag:s5] =	ssyncset.done $0x0  }
0xd0: {  	s6 =	simm.s32 $0x9;
	[sflag:s5] =	ssyncadd.s32 $0xFFFFFC00  }
0xd1: {  	_ =	swait.ge [sflag:s6], $0x400  }
0xd2: {  	s7 =	rddreg [dreg:$0x6]  }
0xd3: {  	[sflag:s6] =	ssyncset.done $0x0;
	s8 =	rddreg [dreg:$0x5]  }
0xd4: {  	[sflag:s6] =	ssyncadd.s32 $0xFFFFFC00;
	s1 =	sadd.s32 s0, s7;
	s6 =	simm.s32 $0x3000  }
0xd5: {  	[hbm4b:s1+s2] =	stream.linear.scatter [tilespmem:s6], [sflag:$0xF], $0x400, $0x38;
	[tilespmem:$0x5800] =	vst v63  }
0xd6: {  	s5 =	simm.s32 $0xD;
	s25 =	sadd.s32 s0, s8;
	s7 =	simm.s32 $0x4800  }
0xd7: {  	[hbm4b:s25+s2] =	stream.linear.scatter [tilespmem:s7], [sflag:$0x15], $0x400, $0x38;
	[tilespmem:$0x5800] =	vst v63  }
0xd8: {  	_ =	swait.ge [sflag:s5], $0x400  }
0xd9: {  	[sflag:s5] =	ssyncset.done $0x0  }
0xda: {  	s8 =	simm.s32 $0x13;
	[sflag:s5] =	ssyncadd.s32 $0xFFFFFC00  }
0xdb: {  	_ =	swait.ge [sflag:s8], $0x400  }
0xdc: {  	[sflag:s8] =	ssyncset.done $0x0  }
0xdd: {  	s25 =	sadd.s32 $0x300, s23;
	[sflag:s8] =	ssyncadd.s32 $0xFFFFFC00  }
0xde: {  	[tilespmem:s17], [sflag:$0x1] =	stream.indirect.gather [hbm4b:s3+s19], $0x8, s25, s19, $0xb8;
	[tilespmem:$0x5800] =	vst v63  }
0xdf: {  	s8 =	sadd.s32 $0x1700, s23  }
0xe0: {  	[tilespmem:s18], [sflag:$0x7] =	stream.indirect.gather [hbm4b:s4+s19], $0x8, s8, s19, $0xb8;
	[tilespmem:$0x5800] =	vst v63  }
0xe1: {  	s18 =	simm.s32 $0x4  }
0xe2: {  	_ =	swait.ge [sflag:s18], $0x400  }
0xe3: {  	[sflag:s18] =	ssyncset.done $0x0  }
0xe4: {  	s8 =	simm.s32 $0xA;
	[sflag:s18] =	ssyncadd.s32 $0xFFFFFC00  }
0xe5: {  	_ =	swait.ge [sflag:s8], $0x400  }
0xe6: {  	s25 =	rddreg [dreg:$0x4]  }
0xe7: {  	[sflag:s8] =	ssyncset.done $0x0;
	s18 =	rddreg [dreg:$0x3]  }
0xe8: {  	[sflag:s8] =	ssyncadd.s32 $0xFFFFFC00;
	s1 =	sadd.s32 s0, s25;
	s8 =	simm.s32 $0x3400  }
0xe9: {  	[hbm4b:s1+s2] =	stream.linear.scatter [tilespmem:s8], [sflag:$0x10], $0x400, $0x38;
	[tilespmem:$0x5800] =	vst v63  }
0xea: {  	s25 =	sadd.s32 s0, s18  }
0xeb: {  	[hbm4b:s25+s2] =	stream.linear.scatter [tilespmem:s9], [sflag:$0x16], $0x400, $0x38;
	[tilespmem:$0x5800] =	vst v63  }
0xec: {  	s9 =	simm.s32 $0xE  }
0xed: {  	_ =	swait.ge [sflag:s9], $0x400  }
0xee: {  	[sflag:s9] =	ssyncset.done $0x0  }
0xef: {  	s18 =	simm.s32 $0x14;
	[sflag:s9] =	ssyncadd.s32 $0xFFFFFC00  }
0xf0: {  	_ =	swait.ge [sflag:s18], $0x400  }
0xf1: {  	[sflag:s18] =	ssyncset.done $0x0  }
0xf2: {  	s25 =	sadd.s32 $0x380, s23;
	[sflag:s18] =	ssyncadd.s32 $0xFFFFFC00  }
0xf3: {  	[tilespmem:s28], [sflag:$0x2] =	stream.indirect.gather [hbm4b:s3+s19], $0x8, s25, s19, $0xb8;
	[tilespmem:$0x5800] =	vst v63  }
0xf4: {  	s9 =	sadd.s32 $0x1780, s23  }
0xf5: {  	[tilespmem:s30], [sflag:$0x8] =	stream.indirect.gather [hbm4b:s4+s19], $0x8, s9, s19, $0xb8;
	[tilespmem:$0x5800] =	vst v63  }
0xf6: {  	_ =	swait.ge [sflag:s16], $0x400  }
0xf7: {  	[sflag:s16] =	ssyncset.done $0x0  }
0xf8: {  	[sflag:s16] =	ssyncadd.s32 $0xFFFFFC00  }
0xf9: {  	_ =	swait.ge [sflag:s14], $0x400  }
0xfa: {  	s25 =	rddreg [dreg:$0xe];
	[sflag:s14] =	ssyncset.done $0x0  }
0xfb: {  	s9 =	rddreg [dreg:$0xd];
	[sflag:s14] =	ssyncadd.s32 $0xFFFFFC00;
	s1 =	sadd.s32 s0, s25  }
0xfc: {  	[hbm4b:s1+s2] =	stream.linear.scatter [tilespmem:s10], [sflag:$0x11], $0x400, $0x38;
	[tilespmem:$0x5800] =	vst v63  }
0xfd: {  	s9 =	sadd.s32 s0, s9  }
0xfe: {  	[hbm4b:s9+s2] =	stream.linear.scatter [tilespmem:s11], [sflag:$0x17], $0x400, $0x38;
	[tilespmem:$0x5800] =	vst v63  }
0xff: {  	_ =	swait.ge [sflag:s15], $0x400  }
0x100: {  	[sflag:s15] =	ssyncset.done $0x0  }
0x101: {  	[sflag:s15] =	ssyncadd.s32 $0xFFFFFC00  }
0x102: {  	_ =	swait.ge [sflag:s20], $0x400  }
0x103: {  	[sflag:s20] =	ssyncset.done $0x0  }
0x104: {  	s25 =	sadd.s32 $0x400, s23;
	[sflag:s20] =	ssyncadd.s32 $0xFFFFFC00  }
0x105: {  	[tilespmem:s6], [sflag:$0x3] =	stream.indirect.gather [hbm4b:s3+s19], $0x8, s25, s19, $0xb8;
	[tilespmem:$0x5800] =	vst v63  }
0x106: {  	s9 =	sadd.s32 $0x1800, s23  }
0x107: {  	[tilespmem:s7], [sflag:$0x9] =	stream.indirect.gather [hbm4b:s4+s19], $0x8, s9, s19, $0xb8;
	[tilespmem:$0x5800] =	vst v63  }
0x108: {  	_ =	swait.ge [sflag:s21], $0x400  }
0x109: {  	[sflag:s21] =	ssyncset.done $0x0  }
0x10a: {  	[sflag:s21] =	ssyncadd.s32 $0xFFFFFC00  }
0x10b: {  	_ =	swait.ge [sflag:s22], $0x400  }
0x10c: {  	s7 =	rddreg [dreg:$0xc];
	[sflag:s22] =	ssyncset.done $0x0  }
0x10d: {  	s9 =	rddreg [dreg:$0xb];
	[sflag:s22] =	ssyncadd.s32 $0xFFFFFC00;
	s1 =	sadd.s32 s0, s7  }
0x10e: {  	[hbm4b:s1+s2] =	stream.linear.scatter [tilespmem:s12], [sflag:$0x12], $0x400, $0x38;
	[tilespmem:$0x5800] =	vst v63  }
0x10f: {  	s29 =	sadd.s32 $0x300, s29;
	s0 =	sadd.s32 s0, s9  }
0x110: {  	[hbm4b:s0+s2] =	stream.linear.scatter [tilespmem:s13], [sflag:$0x18], $0x400, $0x38;
	[tilespmem:$0x5800] =	vst v63  }
0x111: {  	p0 =	sne.s32 s29, $0x1200;
	_ =	swait.ge [sflag:s24], $0x400  }
0x112: {  	s5 =	simm.s32 $0x2800;
	s17 =	simm.s32 $0x4000;
	[sflag:s24] =	ssyncset.done $0x0  }
.Ltmp0:
0x113: {  	s18 =	simm.s32 $0x2C00;
	[sflag:s24] =	ssyncadd.s32 $0xFFFFFC00;
	(pc) =	sbr.rel @p0 .LBB2_2-.Ltmp0, $4  }
0x114: {  	s28 =	simm.s32 $0x4400;
	s30 =	simm.s32 $0x3000;
	_ =	swait.ge [sflag:s26], $0x400  }
0x115: {  	s6 =	simm.s32 $0x4800;
	s25 =	sadd.s32 $0x480, s23;
	[sflag:s26] =	ssyncset.done $0x0  }
0x116: {  	s23 =	sadd.s32 $0x1880, s23;
	s1 =	simm.s32 $0x3400;
	[sflag:s26] =	ssyncadd.s32 $0xFFFFFC00  }
0x117: {  	[tilespmem:s8], [sflag:$0x4] =	stream.indirect.gather [hbm4b:s3+s19], $0x8, s25, s19, $0xb8;
	[tilespmem:$0x5800] =	vst v63  }
0x118: {  	s7 =	simm.s32 $0x4C00;
	s0 =	simm.s32 $0x1  }
0x119: {  	[tilespmem:s7], [sflag:$0xA] =	stream.indirect.gather [hbm4b:s4+s19], $0x8, s23, s19, $0xb8;
	[tilespmem:$0x5800] =	vst v63  }
0x11a: {  	_ =	swait.ge [sflag:s0], $0x400  }
0x11b: {  	[sflag:s0] =	ssyncset.done $0x0  }
0x11c: {  	s9 =	simm.s32 $0x7;
	[sflag:s0] =	ssyncadd.s32 $0xFFFFFC00  }
0x11d: {  	_ =	swait.ge [sflag:s9], $0x400  }
0x11e: {  	[sflag:s9] =	ssyncset.done $0x0  }
0x11f: {  	s10 =	rddreg [dreg:$0x11];
	[sflag:s9] =	ssyncadd.s32 $0xFFFFFC00  }
0x120: {  	[hbm4b:s10+s2] =	stream.linear.scatter [tilespmem:s5], [sflag:$0xD], $0x400, $0x38;
	[tilespmem:$0x5800] =	vst v63  }
0x121: {  	s12 =	simm.s32 $0x2;
	s11 =	rddreg [dreg:$0x12]  }
0x122: {  	[hbm4b:s11+s2] =	stream.linear.scatter [tilespmem:s17], [sflag:$0x13], $0x400, $0x38;
	[tilespmem:$0x5800] =	vst v63  }
0x123: {  	_ =	swait.ge [sflag:s12], $0x400  }
0x124: {  	[sflag:s12] =	ssyncset.done $0x0  }
0x125: {  	s17 =	simm.s32 $0x8;
	[sflag:s12] =	ssyncadd.s32 $0xFFFFFC00  }
0x126: {  	_ =	swait.ge [sflag:s17], $0x400  }
0x127: {  	[sflag:s17] =	ssyncset.done $0x0  }
0x128: {  	s23 =	rddreg [dreg:$0x13];
	[sflag:s17] =	ssyncadd.s32 $0xFFFFFC00  }
0x129: {  	[hbm4b:s23+s2] =	stream.linear.scatter [tilespmem:s18], [sflag:$0xE], $0x400, $0x38;
	[tilespmem:$0x5800] =	vst v63  }
0x12a: {  	s25 =	rddreg [dreg:$0x14]  }
0x12b: {  	[hbm4b:s25+s2] =	stream.linear.scatter [tilespmem:s28], [sflag:$0x14], $0x400, $0x38;
	[tilespmem:$0x5800] =	vst v63  }
0x12c: {  	s28 =	simm.s32 $0x3  }
0x12d: {  	_ =	swait.ge [sflag:s28], $0x400  }
0x12e: {  	[sflag:s28] =	ssyncset.done $0x0  }
0x12f: {  	s29 =	simm.s32 $0x9;
	[sflag:s28] =	ssyncadd.s32 $0xFFFFFC00  }
0x130: {  	_ =	swait.ge [sflag:s29], $0x400  }
0x131: {  	[sflag:s29] =	ssyncset.done $0x0  }
0x132: {  	s31 =	rddreg [dreg:$0x15];
	[sflag:s29] =	ssyncadd.s32 $0xFFFFFC00  }
0x133: {  	[hbm4b:s31+s2] =	stream.linear.scatter [tilespmem:s30], [sflag:$0xF], $0x400, $0x38;
	[tilespmem:$0x5800] =	vst v63  }
0x134: {  	s5 =	rddreg [dreg:$0x16]  }
0x135: {  	[hbm4b:s5+s2] =	stream.linear.scatter [tilespmem:s6], [sflag:$0x15], $0x400, $0x38;
	[tilespmem:$0x5800] =	vst v63  }
0x136: {  	s6 =	simm.s32 $0x4  }
0x137: {  	_ =	swait.ge [sflag:s6], $0x400  }
0x138: {  	[sflag:s6] =	ssyncset.done $0x0  }
0x139: {  	s8 =	simm.s32 $0xA;
	[sflag:s6] =	ssyncadd.s32 $0xFFFFFC00  }
0x13a: {  	_ =	swait.ge [sflag:s8], $0x400  }
0x13b: {  	[sflag:s8] =	ssyncset.done $0x0  }
0x13c: {  	s9 =	rddreg [dreg:$0x17];
	[sflag:s8] =	ssyncadd.s32 $0xFFFFFC00  }
0x13d: {  	[hbm4b:s9+s2] =	stream.linear.scatter [tilespmem:s1], [sflag:$0x10], $0x400, $0x38;
	[tilespmem:$0x5800] =	vst v63  }
0x13e: {  	s11 =	simm.s32 $0x11;
	s10 =	rddreg [dreg:$0x18]  }
0x13f: {  	[hbm4b:s10+s2] =	stream.linear.scatter [tilespmem:s7], [sflag:$0x16], $0x400, $0x38;
	[tilespmem:$0x5800] =	vst v63  }
0x140: {  	_ =	swait.ge [sflag:s11], $0x400  }
0x141: {  	[sflag:s11] =	ssyncset.done $0x0  }
0x142: {  	s12 =	simm.s32 $0x17;
	[sflag:s11] =	ssyncadd.s32 $0xFFFFFC00  }
0x143: {  	_ =	swait.ge [sflag:s12], $0x400  }
0x144: {  	[sflag:s12] =	ssyncset.done $0x0  }
0x145: {  	s17 =	simm.s32 $0x12;
	[sflag:s12] =	ssyncadd.s32 $0xFFFFFC00  }
0x146: {  	_ =	swait.ge [sflag:s17], $0x400  }
0x147: {  	[sflag:s17] =	ssyncset.done $0x0  }
0x148: {  	s18 =	simm.s32 $0x18;
	[sflag:s17] =	ssyncadd.s32 $0xFFFFFC00  }
0x149: {  	_ =	swait.ge [sflag:s18], $0x400  }
0x14a: {  	[sflag:s18] =	ssyncset.done $0x0  }
0x14b: {  	s23 =	simm.s32 $0xD;
	[sflag:s18] =	ssyncadd.s32 $0xFFFFFC00  }
0x14c: {  	_ =	swait.ge [sflag:s23], $0x400  }
0x14d: {  	[sflag:s23] =	ssyncset.done $0x0  }
0x14e: {  	s25 =	simm.s32 $0x13;
	[sflag:s23] =	ssyncadd.s32 $0xFFFFFC00  }
0x14f: {  	_ =	swait.ge [sflag:s25], $0x400  }
0x150: {  	[sflag:s25] =	ssyncset.done $0x0  }
0x151: {  	s28 =	simm.s32 $0xE;
	[sflag:s25] =	ssyncadd.s32 $0xFFFFFC00  }
0x152: {  	_ =	swait.ge [sflag:s28], $0x400  }
0x153: {  	[sflag:s28] =	ssyncset.done $0x0  }
0x154: {  	s29 =	simm.s32 $0x14;
	[sflag:s28] =	ssyncadd.s32 $0xFFFFFC00  }
0x155: {  	_ =	swait.ge [sflag:s29], $0x400  }
0x156: {  	[sflag:s29] =	ssyncset.done $0x0  }
0x157: {  	[sflag:s29] =	ssyncadd.s32 $0xFFFFFC00  }
0x158: {  	_ =	swait.ge [sflag:s15], $0x400  }
0x159: {  	[sflag:s15] =	ssyncset.done $0x0  }
0x15a: {  	[sflag:s15] =	ssyncadd.s32 $0xFFFFFC00  }
0x15b: {  	_ =	swait.ge [sflag:s20], $0x400  }
0x15c: {  	[sflag:s20] =	ssyncset.done $0x0  }
0x15d: {  	[sflag:s20] =	ssyncadd.s32 $0xFFFFFC00  }
0x15e: {  	_ =	swait.ge [sflag:s24], $0x400  }
0x15f: {  	[sflag:s24] =	ssyncset.done $0x0  }
0x160: {  	[sflag:s24] =	ssyncadd.s32 $0xFFFFFC00  }
0x161: {  	_ =	swait.ge [sflag:s26], $0x400  }
0x162: {  	s30 =	rddreg [dreg:$0x1a]  }
0x163: {  	s31 =	rddreg [dreg:$0x19];
	s1 =	sadd.s32 $0x1, s30  }
0x164: {  	p0 =	sne.s32 s1, s31  }
.Ltmp1:
0x165: {  	_ = 	snop;
	(pc) =	sbr.rel @p0 .LBB2_1-.Ltmp1, $3  }
0x166: {  	_ =	sdelay $0x1  }
0x167: {  	s9 =	simm.s32 $0x3800;
	s10 =	simm.s32 $0x5000;
	[sflag:s26] =	ssyncset.done $0x0  }
0x168: {  	s11 =	simm.s32 $0x3C00;
	s12 =	simm.s32 $0x5400;
	[sflag:s26] =	ssyncadd.s32 $0xFFFFFC00  }
0x169: {  	_ =	sfence.sel $0x180000  }
0x16a: {  	[bflag:$0x0] =	sbarrier.arrive $0xFFFF  }
0x16b: {  	_ =	strace $0x9000004A  }
0x16c: {  	s0 =	stileid.u32;
	[bflag:$0x2] =	sbarrier.arrive $0xFFFF  }
0x16d: {  	p0 =	sne.s32 s0, $0x0;
	s0 =	rddreg [dreg:$0x2]  }
0x16e: {  	s0 =	sadd.s32 @!p0 $0x100000, s0  }
0x16f: {  	[sflag:s0] =	ssyncadd.tile.s32 @!p0 $0x1;
	_ =	shalt  }
.Lfunc_end2:
_tile_overlayer_lowered:
.L_overlay_start_2:
0x170: {  	(tag) =	ssettag $0x2  }
0x171: {  	s0 =	rddreg [dreg:$0x0];
	s2 =	stileid.u32  }
0x172: {  	s1 =	rddreg [dreg:$0x1];
	p0 =	sne.s32 s2, $0x0  }
0x173: {  	s3 =	rddreg [dreg:$0x2];
	[bflag:$0x3] =	sbarrier.arrive $0xFFFF;
	s2 =	simm.s32 @!p0 $0x1C19  }
0x174: {  	[timem:s3], [sflag:s2] =	dma.local @!p0 [hbm:s0], s1  }
0x175: {  	s0 =	simm.s32 @!p0 $0x19  }
0x176: {  	_ =	swait.ge @!p0 [sflag:s0], s1  }
0x177: {  	s1 =	ssub.s32 @!p0 $0x0, s1;
	[sflag:s0] =	ssyncset.done @!p0 $0x0  }
0x178: {  	[sflag:s0] =	ssyncadd.s32 @!p0 s1  }
0x179: {  	[bflag:$0x3] =	sbarrier.arrive $0xFFFF  }
0x17a: {  	_ =	shalt  }

</sc_bundles>
